<compile_context>
chip_gen: v7x
topology: tpu7x:2x2x1
jax: 0.10.2.dev20260603
libtpu: 0.0.44.dev20260713+nightly
codegen_flags: <defaults>
</compile_context>

<pallas_src>
import functools
import math

import jax
import jax.numpy as jnp
from jax import lax
from jax.experimental import pallas as pl
from jax.experimental.pallas import tpu as pltpu
from jax.experimental.pallas import tpu_sc as plsc

S = 4096
E = 8
NC = 2
NS = 16
NW = NC * NS
CHUNK = S // NW
G = CHUNK // 16


def _cap(s, e):
    c = math.floor(1.0 * s / e)
    c += c % 2
    return max(c, 4)


CAP = _cap(S, E)


def _route_body(x_hbm, meta_hbm, prob_hbm, counts_hbm, xv, metav, probv, cntv):
    c = lax.axis_index("c")
    s = lax.axis_index("s")
    wid = s * NC + c
    t0 = wid * CHUNK
    for e in range(E):
        pltpu.sync_copy(x_hbm.at[pl.ds(e * S + t0, CHUNK)],
                        xv.at[pl.ds(e * CHUNK, CHUNK)])

    lane = jnp.arange(16, dtype=jnp.int32)
    idxs = []
    for g in range(G):
        xs = [xv[pl.ds(e * CHUNK + g * 16, 16)] for e in range(E)]
        m = xs[0]
        idx = jnp.zeros((16,), jnp.int32)
        for e in range(1, E):
            gt = xs[e] > m
            m = jnp.where(gt, xs[e], m)
            idx = jnp.where(gt, jnp.full((16,), e, jnp.int32), idx)
        ssum = jnp.zeros((16,), jnp.float32)
        for e in range(E):
            ssum = ssum + jnp.exp(xs[e] - m)
        idxs.append(idx)
        probv[pl.ds(g * 16, 16)] = 1.0 / ssum

    counts_acc = jnp.zeros((16,), jnp.int32)
    for e in range(E):
        carry = jnp.zeros((16,), jnp.int32)
        for g in range(G):
            hit = idxs[g] == e
            mm = hit.astype(jnp.int32)
            cs = plsc.cumsum(mm)
            excl = cs - mm + carry
            if e == 0:
                metav[pl.ds(g * 16, 16)] = excl
            else:
                metav[pl.ds(g * 16, 16)] = jnp.where(
                    hit, idxs[g] * 65536 + excl, metav[pl.ds(g * 16, 16)])
            carry = carry + jnp.sum(mm)
        counts_acc = jnp.where(lane == e, carry, counts_acc)
    cntv[...] = counts_acc

    pltpu.sync_copy(metav, meta_hbm.at[pl.ds(t0, CHUNK)])
    pltpu.sync_copy(probv, prob_hbm.at[pl.ds(t0, CHUNK)])
    pltpu.sync_copy(cntv, counts_hbm.at[wid])


@functools.cache
def _make_route():
    return functools.partial(
        pl.kernel,
        out_type=[
            jax.ShapeDtypeStruct((S,), jnp.int32),
            jax.ShapeDtypeStruct((S,), jnp.float32),
            jax.ShapeDtypeStruct((NW, 16), jnp.int32),
        ],
        mesh=plsc.VectorSubcoreMesh(
            core_axis_name="c", subcore_axis_name="s",
            num_cores=NC, num_subcores=NS),
        scratch_types=[
            pltpu.VMEM((CHUNK * E,), jnp.float32),
            pltpu.VMEM((CHUNK,), jnp.int32),
            pltpu.VMEM((CHUNK,), jnp.float32),
            pltpu.VMEM((16,), jnp.int32),
        ],
        compiler_params=pltpu.CompilerParams(needs_layout_passes=False),
    )(_route_body)


TB = CHUNK


def _expand_body(meta_ref, prob_ref, counts_ref, comb_ref, mask_ref):
    i = pl.program_id(0)
    meta = meta_ref[...].reshape(TB, 1)
    pb = prob_ref[...].reshape(TB, 1)
    cnt = counts_ref[...]
    idx = meta >> 16
    lr = meta & 65535

    rowi = lax.broadcasted_iota(jnp.int32, (NW, 16), 0)
    off_row = jnp.sum(jnp.where(rowi < i, cnt, 0), axis=0, keepdims=True)
    eio = lax.broadcasted_iota(jnp.int32, (TB, 16), 1)
    off = jnp.sum(jnp.where(idx == eio, off_row, 0), axis=1, keepdims=True)

    rank = lr + off
    keep = rank < CAP
    pos = jnp.where(keep, idx * CAP + rank, -1).reshape(TB, 1, 1)
    col = (lax.broadcasted_iota(jnp.int32, (TB, E, CAP), 1) * CAP
           + lax.broadcasted_iota(jnp.int32, (TB, E, CAP), 2))
    hit = col == pos
    comb_ref[...] = jnp.where(hit, pb.reshape(TB, 1, 1), 0.0)
    mask_ref[...] = hit.astype(jnp.int8)


def kernel(inputs):
    xT = inputs.T.reshape(S * E)
    meta, prob, counts = _make_route()(xT)
    comb, mask = pl.pallas_call(
        _expand_body,
        grid=(S // TB,),
        in_specs=[
            pl.BlockSpec((TB,), lambda i: (i,)),
            pl.BlockSpec((TB,), lambda i: (i,)),
            pl.BlockSpec((NW, 16), lambda i: (0, 0)),
        ],
        out_specs=[
            pl.BlockSpec((TB, E, CAP), lambda i: (i, 0, 0)),
            pl.BlockSpec((TB, E, CAP), lambda i: (i, 0, 0)),
        ],
        out_shape=[
            jax.ShapeDtypeStruct((S, E, CAP), jnp.float32),
            jax.ShapeDtypeStruct((S, E, CAP), jnp.int8),
        ],
    )(meta, prob, counts)
    return comb, mask.astype(jnp.bool_)

# --- scband reference (transcript-rebuilt; emitter-appended) ---
"""Pipeline reference for scband-top1-router-90701119357093 (READ-ONLY COPY).

The authoritative reference and input builder live on the scoring server;
editing this copy changes nothing except your own understanding.
"""

import math
import jax, jax.numpy as jnp
import numpy as np

CAPACITY_FACTOR = 1.0
MIN_CAPACITY = 4


def _get_capacity(s, e):
    capacity = math.floor(CAPACITY_FACTOR * s / e)
    capacity += capacity % 2
    capacity = max(capacity, MIN_CAPACITY)
    assert capacity > 0
    return capacity


def setup_inputs(seed: int = 0) -> dict:
    key = jax.random.key(seed)
    inputs = jax.random.normal(key, (4096, 8), dtype=jnp.float32)
    return {"inputs": inputs}


def reference(inputs) -> tuple:
    # Training-mode Top1Router with select_policy='first', noisy_func=None, cuda_mode=False
    s, e = inputs.shape
    # autocast_softmax: softmax in float32
    logits = jax.nn.softmax(inputs.astype(jnp.float32), axis=-1)
    num_experts = e
    capacity = _get_capacity(s, num_experts)
    # top1 expert per token
    top1_idx = jnp.argmax(inputs, axis=-1)
    mask = jax.nn.one_hot(top1_idx, num_experts, dtype=jnp.int32)
    # (aux loss l_aux = num_experts * sum(me * ce) is computed for moe_env side-effect;
    # it does not affect the returned tensors, so it is omitted here)
    # moe_cumsum: exclusive cumsum over the token dim
    ranks = jnp.cumsum(mask, axis=0) - 1
    # select_policy == 'first': drop tokens beyond capacity
    mask = mask * (ranks < capacity).astype(jnp.int32)
    ranks = jnp.sum(mask * ranks, axis=-1)
    ranks_oh = jax.nn.one_hot(ranks, capacity, dtype=inputs.dtype)
    weight = mask.astype(inputs.dtype) * logits.astype(inputs.dtype)
    combine_weights = weight[:, :, None] * ranks_oh[:, None, :]
    sec_mask = combine_weights.astype(bool)
    return (combine_weights, sec_mask)

if __name__ == "__main__":
    import jax
    _d = setup_inputs()
    print(jax.jit(kernel)(*tuple(_d.values())))

</pallas_src>

<mosaic_0001>
#map = affine_map<(d0, d1) -> (0)>
#map1 = affine_map<(d0, d1) -> (0, 0)>
module attributes {stable_mosaic.version = 14 : i64} {
  func.func @_route_body(%arg0: i32, %arg1: i32, %arg2: memref<32768xf32, #tpu.memory_space<hbm>>, %arg3: memref<4096xi32, #tpu.memory_space<hbm>>, %arg4: memref<4096xf32, #tpu.memory_space<hbm>>, %arg5: memref<32x16xi32, #tpu.memory_space<hbm>>, %arg6: memref<1024xf32, #tpu.memory_space<vmem>>, %arg7: memref<128xi32, #tpu.memory_space<vmem>>, %arg8: memref<128xf32, #tpu.memory_space<vmem>>, %arg9: memref<16xi32, #tpu.memory_space<vmem>>) attributes {dimension_semantics = [#tpu.dimension_semantics<core_parallel>, #tpu.dimension_semantics<subcore_parallel>], iteration_bounds = array<i64: 2, 16>, scalar_prefetch = 0 : i64, scratch_operands = 4 : i64, tpu.core_type = #tpu.core_type<sc_vector_subcore>, window_params = [{transform_indices = #map}, {transform_indices = #map}, {transform_indices = #map}, {transform_indices = #map1}]} {
    %mul3A = arith.constant 2 : i32
    %mul3A_0 = arith.muli %arg1, %mul3A : i32
    %add3A = arith.addi %mul3A_0, %arg0 : i32
    %mul3A_1 = arith.constant 128 : i32
    %mul3A_2 = arith.muli %add3A, %mul3A_1 : i32
    %add3A_3 = arith.constant 0 : i32
    %add3A_4 = arith.addi %add3A_3, %mul3A_2 : i32
    "tpu.region"() ({
      %run_scoped3A = tpu.sem_alloc : memref<!tpu.dma_semaphore, #tpu.memory_space<semaphore_mem>>
      %dma_start3A = arith.constant 0 : i32
      %dma_start3A_2211 = tpu.memref_slice %arg6[%dma_start3A] : memref<1024xf32, #tpu.memory_space<vmem>> -> memref<128xf32, #tpu.memory_space<vmem>>
      %dma_start3A_2212 = tpu.memref_slice %arg2[%add3A_4] : memref<32768xf32, #tpu.memory_space<hbm>> -> memref<128xf32, #tpu.memory_space<hbm>>
      %dma_start3A_2213 = arith.constant 0 : i32
      %dma_start3A_2214 = tpu.memref_slice %arg6[%dma_start3A_2213] : memref<1024xf32, #tpu.memory_space<vmem>> -> memref<128xf32, #tpu.memory_space<vmem>>
      %dma_start3A_2215 = tpu.memref_slice %arg2[%add3A_4] : memref<32768xf32, #tpu.memory_space<hbm>> -> memref<128xf32, #tpu.memory_space<hbm>>
      tpu.enqueue_dma source(%dma_start3A_2215 : memref<128xf32, #tpu.memory_space<hbm>>) target(%dma_start3A_2214 : memref<128xf32, #tpu.memory_space<vmem>>) target_semaphore(%run_scoped3A : memref<!tpu.dma_semaphore, #tpu.memory_space<semaphore_mem>>)
      %dma_wait3A = arith.constant 0 : i32
      %dma_wait3A_2216 = tpu.memref_slice %arg6[%dma_wait3A] : memref<1024xf32, #tpu.memory_space<vmem>> -> memref<128xf32, #tpu.memory_space<vmem>>
      %dma_wait3A_2217 = tpu.memref_slice %arg2[%add3A_4] : memref<32768xf32, #tpu.memory_space<hbm>> -> memref<128xf32, #tpu.memory_space<hbm>>
      %dma_wait3A_2218 = arith.constant 0 : i32
      %dma_wait3A_2219 = tpu.memref_slice %arg6[%dma_wait3A_2218] : memref<1024xf32, #tpu.memory_space<vmem>> -> memref<128xf32, #tpu.memory_space<vmem>>
      %dma_wait3A_2220 = tpu.memref_slice %arg2[%add3A_4] : memref<32768xf32, #tpu.memory_space<hbm>> -> memref<128xf32, #tpu.memory_space<hbm>>
      tpu.wait_dma2 semaphore(%run_scoped3A : memref<!tpu.dma_semaphore, #tpu.memory_space<semaphore_mem>>) src(%dma_wait3A_2220 : memref<128xf32, #tpu.memory_space<hbm>>) dst(%dma_wait3A_2219 : memref<128xf32, #tpu.memory_space<vmem>>)
      tpu.yield
    }) : () -> ()
    %add3A_5 = arith.constant 4096 : i32
    %add3A_6 = arith.addi %add3A_5, %mul3A_2 : i32
    "tpu.region"() ({
      %run_scoped3A = tpu.sem_alloc : memref<!tpu.dma_semaphore, #tpu.memory_space<semaphore_mem>>
      %dma_start3A = arith.constant 128 : i32
      %dma_start3A_2211 = tpu.memref_slice %arg6[%dma_start3A] : memref<1024xf32, #tpu.memory_space<vmem>> -> memref<128xf32, #tpu.memory_space<vmem>>
      %dma_start3A_2212 = tpu.memref_slice %arg2[%add3A_6] : memref<32768xf32, #tpu.memory_space<hbm>> -> memref<128xf32, #tpu.memory_space<hbm>>
      %dma_start3A_2213 = arith.constant 128 : i32
      %dma_start3A_2214 = tpu.memref_slice %arg6[%dma_start3A_2213] : memref<1024xf32, #tpu.memory_space<vmem>> -> memref<128xf32, #tpu.memory_space<vmem>>
      %dma_start3A_2215 = tpu.memref_slice %arg2[%add3A_6] : memref<32768xf32, #tpu.memory_space<hbm>> -> memref<128xf32, #tpu.memory_space<hbm>>
      tpu.enqueue_dma source(%dma_start3A_2215 : memref<128xf32, #tpu.memory_space<hbm>>) target(%dma_start3A_2214 : memref<128xf32, #tpu.memory_space<vmem>>) target_semaphore(%run_scoped3A : memref<!tpu.dma_semaphore, #tpu.memory_space<semaphore_mem>>)
      %dma_wait3A = arith.constant 128 : i32
      %dma_wait3A_2216 = tpu.memref_slice %arg6[%dma_wait3A] : memref<1024xf32, #tpu.memory_space<vmem>> -> memref<128xf32, #tpu.memory_space<vmem>>
      %dma_wait3A_2217 = tpu.memref_slice %arg2[%add3A_6] : memref<32768xf32, #tpu.memory_space<hbm>> -> memref<128xf32, #tpu.memory_space<hbm>>
      %dma_wait3A_2218 = arith.constant 128 : i32
      %dma_wait3A_2219 = tpu.memref_slice %arg6[%dma_wait3A_2218] : memref<1024xf32, #tpu.memory_space<vmem>> -> memref<128xf32, #tpu.memory_space<vmem>>
      %dma_wait3A_2220 = tpu.memref_slice %arg2[%add3A_6] : memref<32768xf32, #tpu.memory_space<hbm>> -> memref<128xf32, #tpu.memory_space<hbm>>
      tpu.wait_dma2 semaphore(%run_scoped3A : memref<!tpu.dma_semaphore, #tpu.memory_space<semaphore_mem>>) src(%dma_wait3A_2220 : memref<128xf32, #tpu.memory_space<hbm>>) dst(%dma_wait3A_2219 : memref<128xf32, #tpu.memory_space<vmem>>)
      tpu.yield
    }) : () -> ()
    %add3A_7 = arith.constant 8192 : i32
    %add3A_8 = arith.addi %add3A_7, %mul3A_2 : i32
    "tpu.region"() ({
      %run_scoped3A = tpu.sem_alloc : memref<!tpu.dma_semaphore, #tpu.memory_space<semaphore_mem>>
      %dma_start3A = arith.constant 256 : i32
      %dma_start3A_2211 = tpu.memref_slice %arg6[%dma_start3A] : memref<1024xf32, #tpu.memory_space<vmem>> -> memref<128xf32, #tpu.memory_space<vmem>>
      %dma_start3A_2212 = tpu.memref_slice %arg2[%add3A_8] : memref<32768xf32, #tpu.memory_space<hbm>> -> memref<128xf32, #tpu.memory_space<hbm>>
      %dma_start3A_2213 = arith.constant 256 : i32
      %dma_start3A_2214 = tpu.memref_slice %arg6[%dma_start3A_2213] : memref<1024xf32, #tpu.memory_space<vmem>> -> memref<128xf32, #tpu.memory_space<vmem>>
      %dma_start3A_2215 = tpu.memref_slice %arg2[%add3A_8] : memref<32768xf32, #tpu.memory_space<hbm>> -> memref<128xf32, #tpu.memory_space<hbm>>
      tpu.enqueue_dma source(%dma_start3A_2215 : memref<128xf32, #tpu.memory_space<hbm>>) target(%dma_start3A_2214 : memref<128xf32, #tpu.memory_space<vmem>>) target_semaphore(%run_scoped3A : memref<!tpu.dma_semaphore, #tpu.memory_space<semaphore_mem>>)
      %dma_wait3A = arith.constant 256 : i32
      %dma_wait3A_2216 = tpu.memref_slice %arg6[%dma_wait3A] : memref<1024xf32, #tpu.memory_space<vmem>> -> memref<128xf32, #tpu.memory_space<vmem>>
      %dma_wait3A_2217 = tpu.memref_slice %arg2[%add3A_8] : memref<32768xf32, #tpu.memory_space<hbm>> -> memref<128xf32, #tpu.memory_space<hbm>>
      %dma_wait3A_2218 = arith.constant 256 : i32
      %dma_wait3A_2219 = tpu.memref_slice %arg6[%dma_wait3A_2218] : memref<1024xf32, #tpu.memory_space<vmem>> -> memref<128xf32, #tpu.memory_space<vmem>>
      %dma_wait3A_2220 = tpu.memref_slice %arg2[%add3A_8] : memref<32768xf32, #tpu.memory_space<hbm>> -> memref<128xf32, #tpu.memory_space<hbm>>
      tpu.wait_dma2 semaphore(%run_scoped3A : memref<!tpu.dma_semaphore, #tpu.memory_space<semaphore_mem>>) src(%dma_wait3A_2220 : memref<128xf32, #tpu.memory_space<hbm>>) dst(%dma_wait3A_2219 : memref<128xf32, #tpu.memory_space<vmem>>)
      tpu.yield
    }) : () -> ()
    %add3A_9 = arith.constant 12288 : i32
    %add3A_10 = arith.addi %add3A_9, %mul3A_2 : i32
    "tpu.region"() ({
      %run_scoped3A = tpu.sem_alloc : memref<!tpu.dma_semaphore, #tpu.memory_space<semaphore_mem>>
      %dma_start3A = arith.constant 384 : i32
      %dma_start3A_2211 = tpu.memref_slice %arg6[%dma_start3A] : memref<1024xf32, #tpu.memory_space<vmem>> -> memref<128xf32, #tpu.memory_space<vmem>>
      %dma_start3A_2212 = tpu.memref_slice %arg2[%add3A_10] : memref<32768xf32, #tpu.memory_space<hbm>> -> memref<128xf32, #tpu.memory_space<hbm>>
      %dma_start3A_2213 = arith.constant 384 : i32
      %dma_start3A_2214 = tpu.memref_slice %arg6[%dma_start3A_2213] : memref<1024xf32, #tpu.memory_space<vmem>> -> memref<128xf32, #tpu.memory_space<vmem>>
      %dma_start3A_2215 = tpu.memref_slice %arg2[%add3A_10] : memref<32768xf32, #tpu.memory_space<hbm>> -> memref<128xf32, #tpu.memory_space<hbm>>
      tpu.enqueue_dma source(%dma_start3A_2215 : memref<128xf32, #tpu.memory_space<hbm>>) target(%dma_start3A_2214 : memref<128xf32, #tpu.memory_space<vmem>>) target_semaphore(%run_scoped3A : memref<!tpu.dma_semaphore, #tpu.memory_space<semaphore_mem>>)
      %dma_wait3A = arith.constant 384 : i32
      %dma_wait3A_2216 = tpu.memref_slice %arg6[%dma_wait3A] : memref<1024xf32, #tpu.memory_space<vmem>> -> memref<128xf32, #tpu.memory_space<vmem>>
      %dma_wait3A_2217 = tpu.memref_slice %arg2[%add3A_10] : memref<32768xf32, #tpu.memory_space<hbm>> -> memref<128xf32, #tpu.memory_space<hbm>>
      %dma_wait3A_2218 = arith.constant 384 : i32
      %dma_wait3A_2219 = tpu.memref_slice %arg6[%dma_wait3A_2218] : memref<1024xf32, #tpu.memory_space<vmem>> -> memref<128xf32, #tpu.memory_space<vmem>>
      %dma_wait3A_2220 = tpu.memref_slice %arg2[%add3A_10] : memref<32768xf32, #tpu.memory_space<hbm>> -> memref<128xf32, #tpu.memory_space<hbm>>
      tpu.wait_dma2 semaphore(%run_scoped3A : memref<!tpu.dma_semaphore, #tpu.memory_space<semaphore_mem>>) src(%dma_wait3A_2220 : memref<128xf32, #tpu.memory_space<hbm>>) dst(%dma_wait3A_2219 : memref<128xf32, #tpu.memory_space<vmem>>)
      tpu.yield
    }) : () -> ()
    %add3A_11 = arith.constant 16384 : i32
    %add3A_12 = arith.addi %add3A_11, %mul3A_2 : i32
    "tpu.region"() ({
      %run_scoped3A = tpu.sem_alloc : memref<!tpu.dma_semaphore, #tpu.memory_space<semaphore_mem>>
      %dma_start3A = arith.constant 512 : i32
      %dma_start3A_2211 = tpu.memref_slice %arg6[%dma_start3A] : memref<1024xf32, #tpu.memory_space<vmem>> -> memref<128xf32, #tpu.memory_space<vmem>>
      %dma_start3A_2212 = tpu.memref_slice %arg2[%add3A_12] : memref<32768xf32, #tpu.memory_space<hbm>> -> memref<128xf32, #tpu.memory_space<hbm>>
      %dma_start3A_2213 = arith.constant 512 : i32
      %dma_start3A_2214 = tpu.memref_slice %arg6[%dma_start3A_2213] : memref<1024xf32, #tpu.memory_space<vmem>> -> memref<128xf32, #tpu.memory_space<vmem>>
      %dma_start3A_2215 = tpu.memref_slice %arg2[%add3A_12] : memref<32768xf32, #tpu.memory_space<hbm>> -> memref<128xf32, #tpu.memory_space<hbm>>
      tpu.enqueue_dma source(%dma_start3A_2215 : memref<128xf32, #tpu.memory_space<hbm>>) target(%dma_start3A_2214 : memref<128xf32, #tpu.memory_space<vmem>>) target_semaphore(%run_scoped3A : memref<!tpu.dma_semaphore, #tpu.memory_space<semaphore_mem>>)
      %dma_wait3A = arith.constant 512 : i32
      %dma_wait3A_2216 = tpu.memref_slice %arg6[%dma_wait3A] : memref<1024xf32, #tpu.memory_space<vmem>> -> memref<128xf32, #tpu.memory_space<vmem>>
      %dma_wait3A_2217 = tpu.memref_slice %arg2[%add3A_12] : memref<32768xf32, #tpu.memory_space<hbm>> -> memref<128xf32, #tpu.memory_space<hbm>>
      %dma_wait3A_2218 = arith.constant 512 : i32
      %dma_wait3A_2219 = tpu.memref_slice %arg6[%dma_wait3A_2218] : memref<1024xf32, #tpu.memory_space<vmem>> -> memref<128xf32, #tpu.memory_space<vmem>>
      %dma_wait3A_2220 = tpu.memref_slice %arg2[%add3A_12] : memref<32768xf32, #tpu.memory_space<hbm>> -> memref<128xf32, #tpu.memory_space<hbm>>
      tpu.wait_dma2 semaphore(%run_scoped3A : memref<!tpu.dma_semaphore, #tpu.memory_space<semaphore_mem>>) src(%dma_wait3A_2220 : memref<128xf32, #tpu.memory_space<hbm>>) dst(%dma_wait3A_2219 : memref<128xf32, #tpu.memory_space<vmem>>)
      tpu.yield
    }) : () -> ()
    %add3A_13 = arith.constant 20480 : i32
    %add3A_14 = arith.addi %add3A_13, %mul3A_2 : i32
    "tpu.region"() ({
      %run_scoped3A = tpu.sem_alloc : memref<!tpu.dma_semaphore, #tpu.memory_space<semaphore_mem>>
      %dma_start3A = arith.constant 640 : i32
      %dma_start3A_2211 = tpu.memref_slice %arg6[%dma_start3A] : memref<1024xf32, #tpu.memory_space<vmem>> -> memref<128xf32, #tpu.memory_space<vmem>>
      %dma_start3A_2212 = tpu.memref_slice %arg2[%add3A_14] : memref<32768xf32, #tpu.memory_space<hbm>> -> memref<128xf32, #tpu.memory_space<hbm>>
      %dma_start3A_2213 = arith.constant 640 : i32
      %dma_start3A_2214 = tpu.memref_slice %arg6[%dma_start3A_2213] : memref<1024xf32, #tpu.memory_space<vmem>> -> memref<128xf32, #tpu.memory_space<vmem>>
      %dma_start3A_2215 = tpu.memref_slice %arg2[%add3A_14] : memref<32768xf32, #tpu.memory_space<hbm>> -> memref<128xf32, #tpu.memory_space<hbm>>
      tpu.enqueue_dma source(%dma_start3A_2215 : memref<128xf32, #tpu.memory_space<hbm>>) target(%dma_start3A_2214 : memref<128xf32, #tpu.memory_space<vmem>>) target_semaphore(%run_scoped3A : memref<!tpu.dma_semaphore, #tpu.memory_space<semaphore_mem>>)
      %dma_wait3A = arith.constant 640 : i32
      %dma_wait3A_2216 = tpu.memref_slice %arg6[%dma_wait3A] : memref<1024xf32, #tpu.memory_space<vmem>> -> memref<128xf32, #tpu.memory_space<vmem>>
      %dma_wait3A_2217 = tpu.memref_slice %arg2[%add3A_14] : memref<32768xf32, #tpu.memory_space<hbm>> -> memref<128xf32, #tpu.memory_space<hbm>>
      %dma_wait3A_2218 = arith.constant 640 : i32
      %dma_wait3A_2219 = tpu.memref_slice %arg6[%dma_wait3A_2218] : memref<1024xf32, #tpu.memory_space<vmem>> -> memref<128xf32, #tpu.memory_space<vmem>>
      %dma_wait3A_2220 = tpu.memref_slice %arg2[%add3A_14] : memref<32768xf32, #tpu.memory_space<hbm>> -> memref<128xf32, #tpu.memory_space<hbm>>
      tpu.wait_dma2 semaphore(%run_scoped3A : memref<!tpu.dma_semaphore, #tpu.memory_space<semaphore_mem>>) src(%dma_wait3A_2220 : memref<128xf32, #tpu.memory_space<hbm>>) dst(%dma_wait3A_2219 : memref<128xf32, #tpu.memory_space<vmem>>)
      tpu.yield
    }) : () -> ()
    %add3A_15 = arith.constant 24576 : i32
    %add3A_16 = arith.addi %add3A_15, %mul3A_2 : i32
    "tpu.region"() ({
      %run_scoped3A = tpu.sem_alloc : memref<!tpu.dma_semaphore, #tpu.memory_space<semaphore_mem>>
      %dma_start3A = arith.constant 768 : i32
      %dma_start3A_2211 = tpu.memref_slice %arg6[%dma_start3A] : memref<1024xf32, #tpu.memory_space<vmem>> -> memref<128xf32, #tpu.memory_space<vmem>>
      %dma_start3A_2212 = tpu.memref_slice %arg2[%add3A_16] : memref<32768xf32, #tpu.memory_space<hbm>> -> memref<128xf32, #tpu.memory_space<hbm>>
      %dma_start3A_2213 = arith.constant 768 : i32
      %dma_start3A_2214 = tpu.memref_slice %arg6[%dma_start3A_2213] : memref<1024xf32, #tpu.memory_space<vmem>> -> memref<128xf32, #tpu.memory_space<vmem>>
      %dma_start3A_2215 = tpu.memref_slice %arg2[%add3A_16] : memref<32768xf32, #tpu.memory_space<hbm>> -> memref<128xf32, #tpu.memory_space<hbm>>
      tpu.enqueue_dma source(%dma_start3A_2215 : memref<128xf32, #tpu.memory_space<hbm>>) target(%dma_start3A_2214 : memref<128xf32, #tpu.memory_space<vmem>>) target_semaphore(%run_scoped3A : memref<!tpu.dma_semaphore, #tpu.memory_space<semaphore_mem>>)
      %dma_wait3A = arith.constant 768 : i32
      %dma_wait3A_2216 = tpu.memref_slice %arg6[%dma_wait3A] : memref<1024xf32, #tpu.memory_space<vmem>> -> memref<128xf32, #tpu.memory_space<vmem>>
      %dma_wait3A_2217 = tpu.memref_slice %arg2[%add3A_16] : memref<32768xf32, #tpu.memory_space<hbm>> -> memref<128xf32, #tpu.memory_space<hbm>>
      %dma_wait3A_2218 = arith.constant 768 : i32
      %dma_wait3A_2219 = tpu.memref_slice %arg6[%dma_wait3A_2218] : memref<1024xf32, #tpu.memory_space<vmem>> -> memref<128xf32, #tpu.memory_space<vmem>>
      %dma_wait3A_2220 = tpu.memref_slice %arg2[%add3A_16] : memref<32768xf32, #tpu.memory_space<hbm>> -> memref<128xf32, #tpu.memory_space<hbm>>
      tpu.wait_dma2 semaphore(%run_scoped3A : memref<!tpu.dma_semaphore, #tpu.memory_space<semaphore_mem>>) src(%dma_wait3A_2220 : memref<128xf32, #tpu.memory_space<hbm>>) dst(%dma_wait3A_2219 : memref<128xf32, #tpu.memory_space<vmem>>)
      tpu.yield
    }) : () -> ()
    %add3A_17 = arith.constant 28672 : i32
    %add3A_18 = arith.addi %add3A_17, %mul3A_2 : i32
    "tpu.region"() ({
      %run_scoped3A = tpu.sem_alloc : memref<!tpu.dma_semaphore, #tpu.memory_space<semaphore_mem>>
      %dma_start3A = arith.constant 896 : i32
      %dma_start3A_2211 = tpu.memref_slice %arg6[%dma_start3A] : memref<1024xf32, #tpu.memory_space<vmem>> -> memref<128xf32, #tpu.memory_space<vmem>>
      %dma_start3A_2212 = tpu.memref_slice %arg2[%add3A_18] : memref<32768xf32, #tpu.memory_space<hbm>> -> memref<128xf32, #tpu.memory_space<hbm>>
      %dma_start3A_2213 = arith.constant 896 : i32
      %dma_start3A_2214 = tpu.memref_slice %arg6[%dma_start3A_2213] : memref<1024xf32, #tpu.memory_space<vmem>> -> memref<128xf32, #tpu.memory_space<vmem>>
      %dma_start3A_2215 = tpu.memref_slice %arg2[%add3A_18] : memref<32768xf32, #tpu.memory_space<hbm>> -> memref<128xf32, #tpu.memory_space<hbm>>
      tpu.enqueue_dma source(%dma_start3A_2215 : memref<128xf32, #tpu.memory_space<hbm>>) target(%dma_start3A_2214 : memref<128xf32, #tpu.memory_space<vmem>>) target_semaphore(%run_scoped3A : memref<!tpu.dma_semaphore, #tpu.memory_space<semaphore_mem>>)
      %dma_wait3A = arith.constant 896 : i32
      %dma_wait3A_2216 = tpu.memref_slice %arg6[%dma_wait3A] : memref<1024xf32, #tpu.memory_space<vmem>> -> memref<128xf32, #tpu.memory_space<vmem>>
      %dma_wait3A_2217 = tpu.memref_slice %arg2[%add3A_18] : memref<32768xf32, #tpu.memory_space<hbm>> -> memref<128xf32, #tpu.memory_space<hbm>>
      %dma_wait3A_2218 = arith.constant 896 : i32
      %dma_wait3A_2219 = tpu.memref_slice %arg6[%dma_wait3A_2218] : memref<1024xf32, #tpu.memory_space<vmem>> -> memref<128xf32, #tpu.memory_space<vmem>>
      %dma_wait3A_2220 = tpu.memref_slice %arg2[%add3A_18] : memref<32768xf32, #tpu.memory_space<hbm>> -> memref<128xf32, #tpu.memory_space<hbm>>
      tpu.wait_dma2 semaphore(%run_scoped3A : memref<!tpu.dma_semaphore, #tpu.memory_space<semaphore_mem>>) src(%dma_wait3A_2220 : memref<128xf32, #tpu.memory_space<hbm>>) dst(%dma_wait3A_2219 : memref<128xf32, #tpu.memory_space<vmem>>)
      tpu.yield
    }) : () -> ()
    %iota3A = tpu.iota {dimensions = array<i32: 0>} : vector<16xi32>
    %get3A = arith.constant 0 : index
    %get3A_19 = tpu.vector_load %arg6[%get3A] {strides = array<i32>} : memref<1024xf32, #tpu.memory_space<vmem>>, vector<16xf32>,
    %get3A_20 = arith.constant 128 : index
    %get3A_21 = tpu.vector_load %arg6[%get3A_20] {strides = array<i32>} : memref<1024xf32, #tpu.memory_space<vmem>>, vector<16xf32>,
    %get3A_22 = arith.constant 256 : index
    %get3A_23 = tpu.vector_load %arg6[%get3A_22] {strides = array<i32>} : memref<1024xf32, #tpu.memory_space<vmem>>, vector<16xf32>,
    %get3A_24 = arith.constant 384 : index
    %get3A_25 = tpu.vector_load %arg6[%get3A_24] {strides = array<i32>} : memref<1024xf32, #tpu.memory_space<vmem>>, vector<16xf32>,
    %get3A_26 = arith.constant 512 : index
    %get3A_27 = tpu.vector_load %arg6[%get3A_26] {strides = array<i32>} : memref<1024xf32, #tpu.memory_space<vmem>>, vector<16xf32>,
    %get3A_28 = arith.constant 640 : index
    %get3A_29 = tpu.vector_load %arg6[%get3A_28] {strides = array<i32>} : memref<1024xf32, #tpu.memory_space<vmem>>, vector<16xf32>,
    %get3A_30 = arith.constant 768 : index
    %get3A_31 = tpu.vector_load %arg6[%get3A_30] {strides = array<i32>} : memref<1024xf32, #tpu.memory_space<vmem>>, vector<16xf32>,
    %get3A_32 = arith.constant 896 : index
    %get3A_33 = tpu.vector_load %arg6[%get3A_32] {strides = array<i32>} : memref<1024xf32, #tpu.memory_space<vmem>>, vector<16xf32>,
    %broadcast_in_dim3A = arith.constant 0 : i32
    %broadcast_in_dim3A_34 = vector.broadcast %broadcast_in_dim3A : i32 to vector<16xi32>
    %gt3A = arith.cmpf ogt, %get3A_21, %get3A_19 : vector<16xf32>
    %select_n3A = arith.select %gt3A, %get3A_21, %get3A_19 : vector<16xi1>, vector<16xf32>
    %broadcast_in_dim3A_35 = arith.constant 1 : i32
    %broadcast_in_dim3A_36 = vector.broadcast %broadcast_in_dim3A_35 : i32 to vector<16xi32>
    %select_n3A_37 = arith.select %gt3A, %broadcast_in_dim3A_36, %broadcast_in_dim3A_34 : vector<16xi1>, vector<16xi32>
    %gt3A_38 = arith.cmpf ogt, %get3A_23, %select_n3A : vector<16xf32>
    %select_n3A_39 = arith.select %gt3A_38, %get3A_23, %select_n3A : vector<16xi1>, vector<16xf32>
    %broadcast_in_dim3A_40 = arith.constant 2 : i32
    %broadcast_in_dim3A_41 = vector.broadcast %broadcast_in_dim3A_40 : i32 to vector<16xi32>
    %select_n3A_42 = arith.select %gt3A_38, %broadcast_in_dim3A_41, %select_n3A_37 : vector<16xi1>, vector<16xi32>
    %gt3A_43 = arith.cmpf ogt, %get3A_25, %select_n3A_39 : vector<16xf32>
    %select_n3A_44 = arith.select %gt3A_43, %get3A_25, %select_n3A_39 : vector<16xi1>, vector<16xf32>
    %broadcast_in_dim3A_45 = arith.constant 3 : i32
    %broadcast_in_dim3A_46 = vector.broadcast %broadcast_in_dim3A_45 : i32 to vector<16xi32>
    %select_n3A_47 = arith.select %gt3A_43, %broadcast_in_dim3A_46, %select_n3A_42 : vector<16xi1>, vector<16xi32>
    %gt3A_48 = arith.cmpf ogt, %get3A_27, %select_n3A_44 : vector<16xf32>
    %select_n3A_49 = arith.select %gt3A_48, %get3A_27, %select_n3A_44 : vector<16xi1>, vector<16xf32>
    %broadcast_in_dim3A_50 = arith.constant 4 : i32
    %broadcast_in_dim3A_51 = vector.broadcast %broadcast_in_dim3A_50 : i32 to vector<16xi32>
    %select_n3A_52 = arith.select %gt3A_48, %broadcast_in_dim3A_51, %select_n3A_47 : vector<16xi1>, vector<16xi32>
    %gt3A_53 = arith.cmpf ogt, %get3A_29, %select_n3A_49 : vector<16xf32>
    %select_n3A_54 = arith.select %gt3A_53, %get3A_29, %select_n3A_49 : vector<16xi1>, vector<16xf32>
    %broadcast_in_dim3A_55 = arith.constant 5 : i32
    %broadcast_in_dim3A_56 = vector.broadcast %broadcast_in_dim3A_55 : i32 to vector<16xi32>
    %select_n3A_57 = arith.select %gt3A_53, %broadcast_in_dim3A_56, %select_n3A_52 : vector<16xi1>, vector<16xi32>
    %gt3A_58 = arith.cmpf ogt, %get3A_31, %select_n3A_54 : vector<16xf32>
    %select_n3A_59 = arith.select %gt3A_58, %get3A_31, %select_n3A_54 : vector<16xi1>, vector<16xf32>
    %broadcast_in_dim3A_60 = arith.constant 6 : i32
    %broadcast_in_dim3A_61 = vector.broadcast %broadcast_in_dim3A_60 : i32 to vector<16xi32>
    %select_n3A_62 = arith.select %gt3A_58, %broadcast_in_dim3A_61, %select_n3A_57 : vector<16xi1>, vector<16xi32>
    %gt3A_63 = arith.cmpf ogt, %get3A_33, %select_n3A_59 : vector<16xf32>
    %select_n3A_64 = arith.select %gt3A_63, %get3A_33, %select_n3A_59 : vector<16xi1>, vector<16xf32>
    %broadcast_in_dim3A_65 = arith.constant 7 : i32
    %broadcast_in_dim3A_66 = vector.broadcast %broadcast_in_dim3A_65 : i32 to vector<16xi32>
    %select_n3A_67 = arith.select %gt3A_63, %broadcast_in_dim3A_66, %select_n3A_62 : vector<16xi1>, vector<16xi32>
    %broadcast_in_dim3A_68 = arith.constant 0.000000e+00 : f32
    %broadcast_in_dim3A_69 = vector.broadcast %broadcast_in_dim3A_68 : f32 to vector<16xf32>
    %sub3A = arith.subf %get3A_19, %select_n3A_64 : vector<16xf32>
    %exp3A = math.exp %sub3A : vector<16xf32>
    %add3A_70 = arith.addf %broadcast_in_dim3A_69, %exp3A : vector<16xf32>
    %sub3A_71 = arith.subf %get3A_21, %select_n3A_64 : vector<16xf32>
    %exp3A_72 = math.exp %sub3A_71 : vector<16xf32>
    %add3A_73 = arith.addf %add3A_70, %exp3A_72 : vector<16xf32>
    %sub3A_74 = arith.subf %get3A_23, %select_n3A_64 : vector<16xf32>
    %exp3A_75 = math.exp %sub3A_74 : vector<16xf32>
    %add3A_76 = arith.addf %add3A_73, %exp3A_75 : vector<16xf32>
    %sub3A_77 = arith.subf %get3A_25, %select_n3A_64 : vector<16xf32>
    %exp3A_78 = math.exp %sub3A_77 : vector<16xf32>
    %add3A_79 = arith.addf %add3A_76, %exp3A_78 : vector<16xf32>
    %sub3A_80 = arith.subf %get3A_27, %select_n3A_64 : vector<16xf32>
    %exp3A_81 = math.exp %sub3A_80 : vector<16xf32>
    %add3A_82 = arith.addf %add3A_79, %exp3A_81 : vector<16xf32>
    %sub3A_83 = arith.subf %get3A_29, %select_n3A_64 : vector<16xf32>
    %exp3A_84 = math.exp %sub3A_83 : vector<16xf32>
    %add3A_85 = arith.addf %add3A_82, %exp3A_84 : vector<16xf32>
    %sub3A_86 = arith.subf %get3A_31, %select_n3A_64 : vector<16xf32>
    %exp3A_87 = math.exp %sub3A_86 : vector<16xf32>
    %add3A_88 = arith.addf %add3A_85, %exp3A_87 : vector<16xf32>
    %sub3A_89 = arith.subf %get3A_33, %select_n3A_64 : vector<16xf32>
    %exp3A_90 = math.exp %sub3A_89 : vector<16xf32>
    %add3A_91 = arith.addf %add3A_88, %exp3A_90 : vector<16xf32>
    %div3A = arith.constant 1.000000e+00 : f32
    %div3A_92 = vector.broadcast %div3A : f32 to vector<16xf32>
    %div3A_93 = arith.divf %div3A_92, %add3A_91 : vector<16xf32>
    %swap3A = arith.constant 0 : index
    %swap3A_94 = tpu.vector_load %arg8[%swap3A] {strides = array<i32>} : memref<128xf32, #tpu.memory_space<vmem>>, vector<16xf32>,
    tpu.vector_store %arg8[%swap3A], %div3A_93 {strides = array<i32>} : memref<128xf32, #tpu.memory_space<vmem>>, vector<16xf32>,
    %get3A_95 = arith.constant 16 : index
    %get3A_96 = tpu.vector_load %arg6[%get3A_95] {strides = array<i32>} : memref<1024xf32, #tpu.memory_space<vmem>>, vector<16xf32>,
    %get3A_97 = arith.constant 144 : index
    %get3A_98 = tpu.vector_load %arg6[%get3A_97] {strides = array<i32>} : memref<1024xf32, #tpu.memory_space<vmem>>, vector<16xf32>,
    %get3A_99 = arith.constant 272 : index
    %get3A_100 = tpu.vector_load %arg6[%get3A_99] {strides = array<i32>} : memref<1024xf32, #tpu.memory_space<vmem>>, vector<16xf32>,
    %get3A_101 = arith.constant 400 : index
    %get3A_102 = tpu.vector_load %arg6[%get3A_101] {strides = array<i32>} : memref<1024xf32, #tpu.memory_space<vmem>>, vector<16xf32>,
    %get3A_103 = arith.constant 528 : index
    %get3A_104 = tpu.vector_load %arg6[%get3A_103] {strides = array<i32>} : memref<1024xf32, #tpu.memory_space<vmem>>, vector<16xf32>,
    %get3A_105 = arith.constant 656 : index
    %get3A_106 = tpu.vector_load %arg6[%get3A_105] {strides = array<i32>} : memref<1024xf32, #tpu.memory_space<vmem>>, vector<16xf32>,
    %get3A_107 = arith.constant 784 : index
    %get3A_108 = tpu.vector_load %arg6[%get3A_107] {strides = array<i32>} : memref<1024xf32, #tpu.memory_space<vmem>>, vector<16xf32>,
    %get3A_109 = arith.constant 912 : index
    %get3A_110 = tpu.vector_load %arg6[%get3A_109] {strides = array<i32>} : memref<1024xf32, #tpu.memory_space<vmem>>, vector<16xf32>,
    %broadcast_in_dim3A_111 = arith.constant 0 : i32
    %broadcast_in_dim3A_112 = vector.broadcast %broadcast_in_dim3A_111 : i32 to vector<16xi32>
    %gt3A_113 = arith.cmpf ogt, %get3A_98, %get3A_96 : vector<16xf32>
    %select_n3A_114 = arith.select %gt3A_113, %get3A_98, %get3A_96 : vector<16xi1>, vector<16xf32>
    %broadcast_in_dim3A_115 = arith.constant 1 : i32
    %broadcast_in_dim3A_116 = vector.broadcast %broadcast_in_dim3A_115 : i32 to vector<16xi32>
    %select_n3A_117 = arith.select %gt3A_113, %broadcast_in_dim3A_116, %broadcast_in_dim3A_112 : vector<16xi1>, vector<16xi32>
    %gt3A_118 = arith.cmpf ogt, %get3A_100, %select_n3A_114 : vector<16xf32>
    %select_n3A_119 = arith.select %gt3A_118, %get3A_100, %select_n3A_114 : vector<16xi1>, vector<16xf32>
    %broadcast_in_dim3A_120 = arith.constant 2 : i32
    %broadcast_in_dim3A_121 = vector.broadcast %broadcast_in_dim3A_120 : i32 to vector<16xi32>
    %select_n3A_122 = arith.select %gt3A_118, %broadcast_in_dim3A_121, %select_n3A_117 : vector<16xi1>, vector<16xi32>
    %gt3A_123 = arith.cmpf ogt, %get3A_102, %select_n3A_119 : vector<16xf32>
    %select_n3A_124 = arith.select %gt3A_123, %get3A_102, %select_n3A_119 : vector<16xi1>, vector<16xf32>
    %broadcast_in_dim3A_125 = arith.constant 3 : i32
    %broadcast_in_dim3A_126 = vector.broadcast %broadcast_in_dim3A_125 : i32 to vector<16xi32>
    %select_n3A_127 = arith.select %gt3A_123, %broadcast_in_dim3A_126, %select_n3A_122 : vector<16xi1>, vector<16xi32>
    %gt3A_128 = arith.cmpf ogt, %get3A_104, %select_n3A_124 : vector<16xf32>
    %select_n3A_129 = arith.select %gt3A_128, %get3A_104, %select_n3A_124 : vector<16xi1>, vector<16xf32>
    %broadcast_in_dim3A_130 = arith.constant 4 : i32
    %broadcast_in_dim3A_131 = vector.broadcast %broadcast_in_dim3A_130 : i32 to vector<16xi32>
    %select_n3A_132 = arith.select %gt3A_128, %broadcast_in_dim3A_131, %select_n3A_127 : vector<16xi1>, vector<16xi32>
    %gt3A_133 = arith.cmpf ogt, %get3A_106, %select_n3A_129 : vector<16xf32>
    %select_n3A_134 = arith.select %gt3A_133, %get3A_106, %select_n3A_129 : vector<16xi1>, vector<16xf32>
    %broadcast_in_dim3A_135 = arith.constant 5 : i32
    %broadcast_in_dim3A_136 = vector.broadcast %broadcast_in_dim3A_135 : i32 to vector<16xi32>
    %select_n3A_137 = arith.select %gt3A_133, %broadcast_in_dim3A_136, %select_n3A_132 : vector<16xi1>, vector<16xi32>
    %gt3A_138 = arith.cmpf ogt, %get3A_108, %select_n3A_134 : vector<16xf32>
    %select_n3A_139 = arith.select %gt3A_138, %get3A_108, %select_n3A_134 : vector<16xi1>, vector<16xf32>
    %broadcast_in_dim3A_140 = arith.constant 6 : i32
    %broadcast_in_dim3A_141 = vector.broadcast %broadcast_in_dim3A_140 : i32 to vector<16xi32>
    %select_n3A_142 = arith.select %gt3A_138, %broadcast_in_dim3A_141, %select_n3A_137 : vector<16xi1>, vector<16xi32>
    %gt3A_143 = arith.cmpf ogt, %get3A_110, %select_n3A_139 : vector<16xf32>
    %select_n3A_144 = arith.select %gt3A_143, %get3A_110, %select_n3A_139 : vector<16xi1>, vector<16xf32>
    %broadcast_in_dim3A_145 = arith.constant 7 : i32
    %broadcast_in_dim3A_146 = vector.broadcast %broadcast_in_dim3A_145 : i32 to vector<16xi32>
    %select_n3A_147 = arith.select %gt3A_143, %broadcast_in_dim3A_146, %select_n3A_142 : vector<16xi1>, vector<16xi32>
    %broadcast_in_dim3A_148 = arith.constant 0.000000e+00 : f32
    %broadcast_in_dim3A_149 = vector.broadcast %broadcast_in_dim3A_148 : f32 to vector<16xf32>
    %sub3A_150 = arith.subf %get3A_96, %select_n3A_144 : vector<16xf32>
    %exp3A_151 = math.exp %sub3A_150 : vector<16xf32>
    %add3A_152 = arith.addf %broadcast_in_dim3A_149, %exp3A_151 : vector<16xf32>
    %sub3A_153 = arith.subf %get3A_98, %select_n3A_144 : vector<16xf32>
    %exp3A_154 = math.exp %sub3A_153 : vector<16xf32>
    %add3A_155 = arith.addf %add3A_152, %exp3A_154 : vector<16xf32>
    %sub3A_156 = arith.subf %get3A_100, %select_n3A_144 : vector<16xf32>
    %exp3A_157 = math.exp %sub3A_156 : vector<16xf32>
    %add3A_158 = arith.addf %add3A_155, %exp3A_157 : vector<16xf32>
    %sub3A_159 = arith.subf %get3A_102, %select_n3A_144 : vector<16xf32>
    %exp3A_160 = math.exp %sub3A_159 : vector<16xf32>
    %add3A_161 = arith.addf %add3A_158, %exp3A_160 : vector<16xf32>
    %sub3A_162 = arith.subf %get3A_104, %select_n3A_144 : vector<16xf32>
    %exp3A_163 = math.exp %sub3A_162 : vector<16xf32>
    %add3A_164 = arith.addf %add3A_161, %exp3A_163 : vector<16xf32>
    %sub3A_165 = arith.subf %get3A_106, %select_n3A_144 : vector<16xf32>
    %exp3A_166 = math.exp %sub3A_165 : vector<16xf32>
    %add3A_167 = arith.addf %add3A_164, %exp3A_166 : vector<16xf32>
    %sub3A_168 = arith.subf %get3A_108, %select_n3A_144 : vector<16xf32>
    %exp3A_169 = math.exp %sub3A_168 : vector<16xf32>
    %add3A_170 = arith.addf %add3A_167, %exp3A_169 : vector<16xf32>
    %sub3A_171 = arith.subf %get3A_110, %select_n3A_144 : vector<16xf32>
    %exp3A_172 = math.exp %sub3A_171 : vector<16xf32>
    %add3A_173 = arith.addf %add3A_170, %exp3A_172 : vector<16xf32>
    %div3A_174 = arith.constant 1.000000e+00 : f32
    %div3A_175 = vector.broadcast %div3A_174 : f32 to vector<16xf32>
    %div3A_176 = arith.divf %div3A_175, %add3A_173 : vector<16xf32>
    %swap3A_177 = arith.constant 16 : index
    %swap3A_178 = tpu.vector_load %arg8[%swap3A_177] {strides = array<i32>} : memref<128xf32, #tpu.memory_space<vmem>>, vector<16xf32>,
    tpu.vector_store %arg8[%swap3A_177], %div3A_176 {strides = array<i32>} : memref<128xf32, #tpu.memory_space<vmem>>, vector<16xf32>,
    %get3A_179 = arith.constant 32 : index
    %get3A_180 = tpu.vector_load %arg6[%get3A_179] {strides = array<i32>} : memref<1024xf32, #tpu.memory_space<vmem>>, vector<16xf32>,
    %get3A_181 = arith.constant 160 : index
    %get3A_182 = tpu.vector_load %arg6[%get3A_181] {strides = array<i32>} : memref<1024xf32, #tpu.memory_space<vmem>>, vector<16xf32>,
    %get3A_183 = arith.constant 288 : index
    %get3A_184 = tpu.vector_load %arg6[%get3A_183] {strides = array<i32>} : memref<1024xf32, #tpu.memory_space<vmem>>, vector<16xf32>,
    %get3A_185 = arith.constant 416 : index
    %get3A_186 = tpu.vector_load %arg6[%get3A_185] {strides = array<i32>} : memref<1024xf32, #tpu.memory_space<vmem>>, vector<16xf32>,
    %get3A_187 = arith.constant 544 : index
    %get3A_188 = tpu.vector_load %arg6[%get3A_187] {strides = array<i32>} : memref<1024xf32, #tpu.memory_space<vmem>>, vector<16xf32>,
    %get3A_189 = arith.constant 672 : index
    %get3A_190 = tpu.vector_load %arg6[%get3A_189] {strides = array<i32>} : memref<1024xf32, #tpu.memory_space<vmem>>, vector<16xf32>,
    %get3A_191 = arith.constant 800 : index
    %get3A_192 = tpu.vector_load %arg6[%get3A_191] {strides = array<i32>} : memref<1024xf32, #tpu.memory_space<vmem>>, vector<16xf32>,
    %get3A_193 = arith.constant 928 : index
    %get3A_194 = tpu.vector_load %arg6[%get3A_193] {strides = array<i32>} : memref<1024xf32, #tpu.memory_space<vmem>>, vector<16xf32>,
    %broadcast_in_dim3A_195 = arith.constant 0 : i32
    %broadcast_in_dim3A_196 = vector.broadcast %broadcast_in_dim3A_195 : i32 to vector<16xi32>
    %gt3A_197 = arith.cmpf ogt, %get3A_182, %get3A_180 : vector<16xf32>
    %select_n3A_198 = arith.select %gt3A_197, %get3A_182, %get3A_180 : vector<16xi1>, vector<16xf32>
    %broadcast_in_dim3A_199 = arith.constant 1 : i32
    %broadcast_in_dim3A_200 = vector.broadcast %broadcast_in_dim3A_199 : i32 to vector<16xi32>
    %select_n3A_201 = arith.select %gt3A_197, %broadcast_in_dim3A_200, %broadcast_in_dim3A_196 : vector<16xi1>, vector<16xi32>
    %gt3A_202 = arith.cmpf ogt, %get3A_184, %select_n3A_198 : vector<16xf32>
    %select_n3A_203 = arith.select %gt3A_202, %get3A_184, %select_n3A_198 : vector<16xi1>, vector<16xf32>
    %broadcast_in_dim3A_204 = arith.constant 2 : i32
    %broadcast_in_dim3A_205 = vector.broadcast %broadcast_in_dim3A_204 : i32 to vector<16xi32>
    %select_n3A_206 = arith.select %gt3A_202, %broadcast_in_dim3A_205, %select_n3A_201 : vector<16xi1>, vector<16xi32>
    %gt3A_207 = arith.cmpf ogt, %get3A_186, %select_n3A_203 : vector<16xf32>
    %select_n3A_208 = arith.select %gt3A_207, %get3A_186, %select_n3A_203 : vector<16xi1>, vector<16xf32>
    %broadcast_in_dim3A_209 = arith.constant 3 : i32
    %broadcast_in_dim3A_210 = vector.broadcast %broadcast_in_dim3A_209 : i32 to vector<16xi32>
    %select_n3A_211 = arith.select %gt3A_207, %broadcast_in_dim3A_210, %select_n3A_206 : vector<16xi1>, vector<16xi32>
    %gt3A_212 = arith.cmpf ogt, %get3A_188, %select_n3A_208 : vector<16xf32>
    %select_n3A_213 = arith.select %gt3A_212, %get3A_188, %select_n3A_208 : vector<16xi1>, vector<16xf32>
    %broadcast_in_dim3A_214 = arith.constant 4 : i32
    %broadcast_in_dim3A_215 = vector.broadcast %broadcast_in_dim3A_214 : i32 to vector<16xi32>
    %select_n3A_216 = arith.select %gt3A_212, %broadcast_in_dim3A_215, %select_n3A_211 : vector<16xi1>, vector<16xi32>
    %gt3A_217 = arith.cmpf ogt, %get3A_190, %select_n3A_213 : vector<16xf32>
    %select_n3A_218 = arith.select %gt3A_217, %get3A_190, %select_n3A_213 : vector<16xi1>, vector<16xf32>
    %broadcast_in_dim3A_219 = arith.constant 5 : i32
    %broadcast_in_dim3A_220 = vector.broadcast %broadcast_in_dim3A_219 : i32 to vector<16xi32>
    %select_n3A_221 = arith.select %gt3A_217, %broadcast_in_dim3A_220, %select_n3A_216 : vector<16xi1>, vector<16xi32>
    %gt3A_222 = arith.cmpf ogt, %get3A_192, %select_n3A_218 : vector<16xf32>
    %select_n3A_223 = arith.select %gt3A_222, %get3A_192, %select_n3A_218 : vector<16xi1>, vector<16xf32>
    %broadcast_in_dim3A_224 = arith.constant 6 : i32
    %broadcast_in_dim3A_225 = vector.broadcast %broadcast_in_dim3A_224 : i32 to vector<16xi32>
    %select_n3A_226 = arith.select %gt3A_222, %broadcast_in_dim3A_225, %select_n3A_221 : vector<16xi1>, vector<16xi32>
    %gt3A_227 = arith.cmpf ogt, %get3A_194, %select_n3A_223 : vector<16xf32>
    %select_n3A_228 = arith.select %gt3A_227, %get3A_194, %select_n3A_223 : vector<16xi1>, vector<16xf32>
    %broadcast_in_dim3A_229 = arith.constant 7 : i32
    %broadcast_in_dim3A_230 = vector.broadcast %broadcast_in_dim3A_229 : i32 to vector<16xi32>
    %select_n3A_231 = arith.select %gt3A_227, %broadcast_in_dim3A_230, %select_n3A_226 : vector<16xi1>, vector<16xi32>
    %broadcast_in_dim3A_232 = arith.constant 0.000000e+00 : f32
    %broadcast_in_dim3A_233 = vector.broadcast %broadcast_in_dim3A_232 : f32 to vector<16xf32>
    %sub3A_234 = arith.subf %get3A_180, %select_n3A_228 : vector<16xf32>
    %exp3A_235 = math.exp %sub3A_234 : vector<16xf32>
    %add3A_236 = arith.addf %broadcast_in_dim3A_233, %exp3A_235 : vector<16xf32>
    %sub3A_237 = arith.subf %get3A_182, %select_n3A_228 : vector<16xf32>
    %exp3A_238 = math.exp %sub3A_237 : vector<16xf32>
    %add3A_239 = arith.addf %add3A_236, %exp3A_238 : vector<16xf32>
    %sub3A_240 = arith.subf %get3A_184, %select_n3A_228 : vector<16xf32>
    %exp3A_241 = math.exp %sub3A_240 : vector<16xf32>
    %add3A_242 = arith.addf %add3A_239, %exp3A_241 : vector<16xf32>
    %sub3A_243 = arith.subf %get3A_186, %select_n3A_228 : vector<16xf32>
    %exp3A_244 = math.exp %sub3A_243 : vector<16xf32>
    %add3A_245 = arith.addf %add3A_242, %exp3A_244 : vector<16xf32>
    %sub3A_246 = arith.subf %get3A_188, %select_n3A_228 : vector<16xf32>
    %exp3A_247 = math.exp %sub3A_246 : vector<16xf32>
    %add3A_248 = arith.addf %add3A_245, %exp3A_247 : vector<16xf32>
    %sub3A_249 = arith.subf %get3A_190, %select_n3A_228 : vector<16xf32>
    %exp3A_250 = math.exp %sub3A_249 : vector<16xf32>
    %add3A_251 = arith.addf %add3A_248, %exp3A_250 : vector<16xf32>
    %sub3A_252 = arith.subf %get3A_192, %select_n3A_228 : vector<16xf32>
    %exp3A_253 = math.exp %sub3A_252 : vector<16xf32>
    %add3A_254 = arith.addf %add3A_251, %exp3A_253 : vector<16xf32>
    %sub3A_255 = arith.subf %get3A_194, %select_n3A_228 : vector<16xf32>
    %exp3A_256 = math.exp %sub3A_255 : vector<16xf32>
    %add3A_257 = arith.addf %add3A_254, %exp3A_256 : vector<16xf32>
    %div3A_258 = arith.constant 1.000000e+00 : f32
    %div3A_259 = vector.broadcast %div3A_258 : f32 to vector<16xf32>
    %div3A_260 = arith.divf %div3A_259, %add3A_257 : vector<16xf32>
    %swap3A_261 = arith.constant 32 : index
    %swap3A_262 = tpu.vector_load %arg8[%swap3A_261] {strides = array<i32>} : memref<128xf32, #tpu.memory_space<vmem>>, vector<16xf32>,
    tpu.vector_store %arg8[%swap3A_261], %div3A_260 {strides = array<i32>} : memref<128xf32, #tpu.memory_space<vmem>>, vector<16xf32>,
    %get3A_263 = arith.constant 48 : index
    %get3A_264 = tpu.vector_load %arg6[%get3A_263] {strides = array<i32>} : memref<1024xf32, #tpu.memory_space<vmem>>, vector<16xf32>,
    %get3A_265 = arith.constant 176 : index
    %get3A_266 = tpu.vector_load %arg6[%get3A_265] {strides = array<i32>} : memref<1024xf32, #tpu.memory_space<vmem>>, vector<16xf32>,
    %get3A_267 = arith.constant 304 : index
    %get3A_268 = tpu.vector_load %arg6[%get3A_267] {strides = array<i32>} : memref<1024xf32, #tpu.memory_space<vmem>>, vector<16xf32>,
    %get3A_269 = arith.constant 432 : index
    %get3A_270 = tpu.vector_load %arg6[%get3A_269] {strides = array<i32>} : memref<1024xf32, #tpu.memory_space<vmem>>, vector<16xf32>,
    %get3A_271 = arith.constant 560 : index
    %get3A_272 = tpu.vector_load %arg6[%get3A_271] {strides = array<i32>} : memref<1024xf32, #tpu.memory_space<vmem>>, vector<16xf32>,
    %get3A_273 = arith.constant 688 : index
    %get3A_274 = tpu.vector_load %arg6[%get3A_273] {strides = array<i32>} : memref<1024xf32, #tpu.memory_space<vmem>>, vector<16xf32>,
    %get3A_275 = arith.constant 816 : index
    %get3A_276 = tpu.vector_load %arg6[%get3A_275] {strides = array<i32>} : memref<1024xf32, #tpu.memory_space<vmem>>, vector<16xf32>,
    %get3A_277 = arith.constant 944 : index
    %get3A_278 = tpu.vector_load %arg6[%get3A_277] {strides = array<i32>} : memref<1024xf32, #tpu.memory_space<vmem>>, vector<16xf32>,
    %broadcast_in_dim3A_279 = arith.constant 0 : i32
    %broadcast_in_dim3A_280 = vector.broadcast %broadcast_in_dim3A_279 : i32 to vector<16xi32>
    %gt3A_281 = arith.cmpf ogt, %get3A_266, %get3A_264 : vector<16xf32>
    %select_n3A_282 = arith.select %gt3A_281, %get3A_266, %get3A_264 : vector<16xi1>, vector<16xf32>
    %broadcast_in_dim3A_283 = arith.constant 1 : i32
    %broadcast_in_dim3A_284 = vector.broadcast %broadcast_in_dim3A_283 : i32 to vector<16xi32>
    %select_n3A_285 = arith.select %gt3A_281, %broadcast_in_dim3A_284, %broadcast_in_dim3A_280 : vector<16xi1>, vector<16xi32>
    %gt3A_286 = arith.cmpf ogt, %get3A_268, %select_n3A_282 : vector<16xf32>
    %select_n3A_287 = arith.select %gt3A_286, %get3A_268, %select_n3A_282 : vector<16xi1>, vector<16xf32>
    %broadcast_in_dim3A_288 = arith.constant 2 : i32
    %broadcast_in_dim3A_289 = vector.broadcast %broadcast_in_dim3A_288 : i32 to vector<16xi32>
    %select_n3A_290 = arith.select %gt3A_286, %broadcast_in_dim3A_289, %select_n3A_285 : vector<16xi1>, vector<16xi32>
    %gt3A_291 = arith.cmpf ogt, %get3A_270, %select_n3A_287 : vector<16xf32>
    %select_n3A_292 = arith.select %gt3A_291, %get3A_270, %select_n3A_287 : vector<16xi1>, vector<16xf32>
    %broadcast_in_dim3A_293 = arith.constant 3 : i32
    %broadcast_in_dim3A_294 = vector.broadcast %broadcast_in_dim3A_293 : i32 to vector<16xi32>
    %select_n3A_295 = arith.select %gt3A_291, %broadcast_in_dim3A_294, %select_n3A_290 : vector<16xi1>, vector<16xi32>
    %gt3A_296 = arith.cmpf ogt, %get3A_272, %select_n3A_292 : vector<16xf32>
    %select_n3A_297 = arith.select %gt3A_296, %get3A_272, %select_n3A_292 : vector<16xi1>, vector<16xf32>
    %broadcast_in_dim3A_298 = arith.constant 4 : i32
    %broadcast_in_dim3A_299 = vector.broadcast %broadcast_in_dim3A_298 : i32 to vector<16xi32>
    %select_n3A_300 = arith.select %gt3A_296, %broadcast_in_dim3A_299, %select_n3A_295 : vector<16xi1>, vector<16xi32>
    %gt3A_301 = arith.cmpf ogt, %get3A_274, %select_n3A_297 : vector<16xf32>
    %select_n3A_302 = arith.select %gt3A_301, %get3A_274, %select_n3A_297 : vector<16xi1>, vector<16xf32>
    %broadcast_in_dim3A_303 = arith.constant 5 : i32
    %broadcast_in_dim3A_304 = vector.broadcast %broadcast_in_dim3A_303 : i32 to vector<16xi32>
    %select_n3A_305 = arith.select %gt3A_301, %broadcast_in_dim3A_304, %select_n3A_300 : vector<16xi1>, vector<16xi32>
    %gt3A_306 = arith.cmpf ogt, %get3A_276, %select_n3A_302 : vector<16xf32>
    %select_n3A_307 = arith.select %gt3A_306, %get3A_276, %select_n3A_302 : vector<16xi1>, vector<16xf32>
    %broadcast_in_dim3A_308 = arith.constant 6 : i32
    %broadcast_in_dim3A_309 = vector.broadcast %broadcast_in_dim3A_308 : i32 to vector<16xi32>
    %select_n3A_310 = arith.select %gt3A_306, %broadcast_in_dim3A_309, %select_n3A_305 : vector<16xi1>, vector<16xi32>
    %gt3A_311 = arith.cmpf ogt, %get3A_278, %select_n3A_307 : vector<16xf32>
    %select_n3A_312 = arith.select %gt3A_311, %get3A_278, %select_n3A_307 : vector<16xi1>, vector<16xf32>
    %broadcast_in_dim3A_313 = arith.constant 7 : i32
    %broadcast_in_dim3A_314 = vector.broadcast %broadcast_in_dim3A_313 : i32 to vector<16xi32>
    %select_n3A_315 = arith.select %gt3A_311, %broadcast_in_dim3A_314, %select_n3A_310 : vector<16xi1>, vector<16xi32>
    %broadcast_in_dim3A_316 = arith.constant 0.000000e+00 : f32
    %broadcast_in_dim3A_317 = vector.broadcast %broadcast_in_dim3A_316 : f32 to vector<16xf32>
    %sub3A_318 = arith.subf %get3A_264, %select_n3A_312 : vector<16xf32>
    %exp3A_319 = math.exp %sub3A_318 : vector<16xf32>
    %add3A_320 = arith.addf %broadcast_in_dim3A_317, %exp3A_319 : vector<16xf32>
    %sub3A_321 = arith.subf %get3A_266, %select_n3A_312 : vector<16xf32>
    %exp3A_322 = math.exp %sub3A_321 : vector<16xf32>
    %add3A_323 = arith.addf %add3A_320, %exp3A_322 : vector<16xf32>
    %sub3A_324 = arith.subf %get3A_268, %select_n3A_312 : vector<16xf32>
    %exp3A_325 = math.exp %sub3A_324 : vector<16xf32>
    %add3A_326 = arith.addf %add3A_323, %exp3A_325 : vector<16xf32>
    %sub3A_327 = arith.subf %get3A_270, %select_n3A_312 : vector<16xf32>
    %exp3A_328 = math.exp %sub3A_327 : vector<16xf32>
    %add3A_329 = arith.addf %add3A_326, %exp3A_328 : vector<16xf32>
    %sub3A_330 = arith.subf %get3A_272, %select_n3A_312 : vector<16xf32>
    %exp3A_331 = math.exp %sub3A_330 : vector<16xf32>
    %add3A_332 = arith.addf %add3A_329, %exp3A_331 : vector<16xf32>
    %sub3A_333 = arith.subf %get3A_274, %select_n3A_312 : vector<16xf32>
    %exp3A_334 = math.exp %sub3A_333 : vector<16xf32>
    %add3A_335 = arith.addf %add3A_332, %exp3A_334 : vector<16xf32>
    %sub3A_336 = arith.subf %get3A_276, %select_n3A_312 : vector<16xf32>
    %exp3A_337 = math.exp %sub3A_336 : vector<16xf32>
    %add3A_338 = arith.addf %add3A_335, %exp3A_337 : vector<16xf32>
    %sub3A_339 = arith.subf %get3A_278, %select_n3A_312 : vector<16xf32>
    %exp3A_340 = math.exp %sub3A_339 : vector<16xf32>
    %add3A_341 = arith.addf %add3A_338, %exp3A_340 : vector<16xf32>
    %div3A_342 = arith.constant 1.000000e+00 : f32
    %div3A_343 = vector.broadcast %div3A_342 : f32 to vector<16xf32>
    %div3A_344 = arith.divf %div3A_343, %add3A_341 : vector<16xf32>
    %swap3A_345 = arith.constant 48 : index
    %swap3A_346 = tpu.vector_load %arg8[%swap3A_345] {strides = array<i32>} : memref<128xf32, #tpu.memory_space<vmem>>, vector<16xf32>,
    tpu.vector_store %arg8[%swap3A_345], %div3A_344 {strides = array<i32>} : memref<128xf32, #tpu.memory_space<vmem>>, vector<16xf32>,
    %get3A_347 = arith.constant 64 : index
    %get3A_348 = tpu.vector_load %arg6[%get3A_347] {strides = array<i32>} : memref<1024xf32, #tpu.memory_space<vmem>>, vector<16xf32>,
    %get3A_349 = arith.constant 192 : index
    %get3A_350 = tpu.vector_load %arg6[%get3A_349] {strides = array<i32>} : memref<1024xf32, #tpu.memory_space<vmem>>, vector<16xf32>,
    %get3A_351 = arith.constant 320 : index
    %get3A_352 = tpu.vector_load %arg6[%get3A_351] {strides = array<i32>} : memref<1024xf32, #tpu.memory_space<vmem>>, vector<16xf32>,
    %get3A_353 = arith.constant 448 : index
    %get3A_354 = tpu.vector_load %arg6[%get3A_353] {strides = array<i32>} : memref<1024xf32, #tpu.memory_space<vmem>>, vector<16xf32>,
    %get3A_355 = arith.constant 576 : index
    %get3A_356 = tpu.vector_load %arg6[%get3A_355] {strides = array<i32>} : memref<1024xf32, #tpu.memory_space<vmem>>, vector<16xf32>,
    %get3A_357 = arith.constant 704 : index
    %get3A_358 = tpu.vector_load %arg6[%get3A_357] {strides = array<i32>} : memref<1024xf32, #tpu.memory_space<vmem>>, vector<16xf32>,
    %get3A_359 = arith.constant 832 : index
    %get3A_360 = tpu.vector_load %arg6[%get3A_359] {strides = array<i32>} : memref<1024xf32, #tpu.memory_space<vmem>>, vector<16xf32>,
    %get3A_361 = arith.constant 960 : index
    %get3A_362 = tpu.vector_load %arg6[%get3A_361] {strides = array<i32>} : memref<1024xf32, #tpu.memory_space<vmem>>, vector<16xf32>,
    %broadcast_in_dim3A_363 = arith.constant 0 : i32
    %broadcast_in_dim3A_364 = vector.broadcast %broadcast_in_dim3A_363 : i32 to vector<16xi32>
    %gt3A_365 = arith.cmpf ogt, %get3A_350, %get3A_348 : vector<16xf32>
    %select_n3A_366 = arith.select %gt3A_365, %get3A_350, %get3A_348 : vector<16xi1>, vector<16xf32>
    %broadcast_in_dim3A_367 = arith.constant 1 : i32
    %broadcast_in_dim3A_368 = vector.broadcast %broadcast_in_dim3A_367 : i32 to vector<16xi32>
    %select_n3A_369 = arith.select %gt3A_365, %broadcast_in_dim3A_368, %broadcast_in_dim3A_364 : vector<16xi1>, vector<16xi32>
    %gt3A_370 = arith.cmpf ogt, %get3A_352, %select_n3A_366 : vector<16xf32>
    %select_n3A_371 = arith.select %gt3A_370, %get3A_352, %select_n3A_366 : vector<16xi1>, vector<16xf32>
    %broadcast_in_dim3A_372 = arith.constant 2 : i32
    %broadcast_in_dim3A_373 = vector.broadcast %broadcast_in_dim3A_372 : i32 to vector<16xi32>
    %select_n3A_374 = arith.select %gt3A_370, %broadcast_in_dim3A_373, %select_n3A_369 : vector<16xi1>, vector<16xi32>
    %gt3A_375 = arith.cmpf ogt, %get3A_354, %select_n3A_371 : vector<16xf32>
    %select_n3A_376 = arith.select %gt3A_375, %get3A_354, %select_n3A_371 : vector<16xi1>, vector<16xf32>
    %broadcast_in_dim3A_377 = arith.constant 3 : i32
    %broadcast_in_dim3A_378 = vector.broadcast %broadcast_in_dim3A_377 : i32 to vector<16xi32>
    %select_n3A_379 = arith.select %gt3A_375, %broadcast_in_dim3A_378, %select_n3A_374 : vector<16xi1>, vector<16xi32>
    %gt3A_380 = arith.cmpf ogt, %get3A_356, %select_n3A_376 : vector<16xf32>
    %select_n3A_381 = arith.select %gt3A_380, %get3A_356, %select_n3A_376 : vector<16xi1>, vector<16xf32>
    %broadcast_in_dim3A_382 = arith.constant 4 : i32
    %broadcast_in_dim3A_383 = vector.broadcast %broadcast_in_dim3A_382 : i32 to vector<16xi32>
    %select_n3A_384 = arith.select %gt3A_380, %broadcast_in_dim3A_383, %select_n3A_379 : vector<16xi1>, vector<16xi32>
    %gt3A_385 = arith.cmpf ogt, %get3A_358, %select_n3A_381 : vector<16xf32>
    %select_n3A_386 = arith.select %gt3A_385, %get3A_358, %select_n3A_381 : vector<16xi1>, vector<16xf32>
    %broadcast_in_dim3A_387 = arith.constant 5 : i32
    %broadcast_in_dim3A_388 = vector.broadcast %broadcast_in_dim3A_387 : i32 to vector<16xi32>
    %select_n3A_389 = arith.select %gt3A_385, %broadcast_in_dim3A_388, %select_n3A_384 : vector<16xi1>, vector<16xi32>
    %gt3A_390 = arith.cmpf ogt, %get3A_360, %select_n3A_386 : vector<16xf32>
    %select_n3A_391 = arith.select %gt3A_390, %get3A_360, %select_n3A_386 : vector<16xi1>, vector<16xf32>
    %broadcast_in_dim3A_392 = arith.constant 6 : i32
    %broadcast_in_dim3A_393 = vector.broadcast %broadcast_in_dim3A_392 : i32 to vector<16xi32>
    %select_n3A_394 = arith.select %gt3A_390, %broadcast_in_dim3A_393, %select_n3A_389 : vector<16xi1>, vector<16xi32>
    %gt3A_395 = arith.cmpf ogt, %get3A_362, %select_n3A_391 : vector<16xf32>
    %select_n3A_396 = arith.select %gt3A_395, %get3A_362, %select_n3A_391 : vector<16xi1>, vector<16xf32>
    %broadcast_in_dim3A_397 = arith.constant 7 : i32
    %broadcast_in_dim3A_398 = vector.broadcast %broadcast_in_dim3A_397 : i32 to vector<16xi32>
    %select_n3A_399 = arith.select %gt3A_395, %broadcast_in_dim3A_398, %select_n3A_394 : vector<16xi1>, vector<16xi32>
    %broadcast_in_dim3A_400 = arith.constant 0.000000e+00 : f32
    %broadcast_in_dim3A_401 = vector.broadcast %broadcast_in_dim3A_400 : f32 to vector<16xf32>
    %sub3A_402 = arith.subf %get3A_348, %select_n3A_396 : vector<16xf32>
    %exp3A_403 = math.exp %sub3A_402 : vector<16xf32>
    %add3A_404 = arith.addf %broadcast_in_dim3A_401, %exp3A_403 : vector<16xf32>
    %sub3A_405 = arith.subf %get3A_350, %select_n3A_396 : vector<16xf32>
    %exp3A_406 = math.exp %sub3A_405 : vector<16xf32>
    %add3A_407 = arith.addf %add3A_404, %exp3A_406 : vector<16xf32>
    %sub3A_408 = arith.subf %get3A_352, %select_n3A_396 : vector<16xf32>
    %exp3A_409 = math.exp %sub3A_408 : vector<16xf32>
    %add3A_410 = arith.addf %add3A_407, %exp3A_409 : vector<16xf32>
    %sub3A_411 = arith.subf %get3A_354, %select_n3A_396 : vector<16xf32>
    %exp3A_412 = math.exp %sub3A_411 : vector<16xf32>
    %add3A_413 = arith.addf %add3A_410, %exp3A_412 : vector<16xf32>
    %sub3A_414 = arith.subf %get3A_356, %select_n3A_396 : vector<16xf32>
    %exp3A_415 = math.exp %sub3A_414 : vector<16xf32>
    %add3A_416 = arith.addf %add3A_413, %exp3A_415 : vector<16xf32>
    %sub3A_417 = arith.subf %get3A_358, %select_n3A_396 : vector<16xf32>
    %exp3A_418 = math.exp %sub3A_417 : vector<16xf32>
    %add3A_419 = arith.addf %add3A_416, %exp3A_418 : vector<16xf32>
    %sub3A_420 = arith.subf %get3A_360, %select_n3A_396 : vector<16xf32>
    %exp3A_421 = math.exp %sub3A_420 : vector<16xf32>
    %add3A_422 = arith.addf %add3A_419, %exp3A_421 : vector<16xf32>
    %sub3A_423 = arith.subf %get3A_362, %select_n3A_396 : vector<16xf32>
    %exp3A_424 = math.exp %sub3A_423 : vector<16xf32>
    %add3A_425 = arith.addf %add3A_422, %exp3A_424 : vector<16xf32>
    %div3A_426 = arith.constant 1.000000e+00 : f32
    %div3A_427 = vector.broadcast %div3A_426 : f32 to vector<16xf32>
    %div3A_428 = arith.divf %div3A_427, %add3A_425 : vector<16xf32>
    %swap3A_429 = arith.constant 64 : index
    %swap3A_430 = tpu.vector_load %arg8[%swap3A_429] {strides = array<i32>} : memref<128xf32, #tpu.memory_space<vmem>>, vector<16xf32>,
    tpu.vector_store %arg8[%swap3A_429], %div3A_428 {strides = array<i32>} : memref<128xf32, #tpu.memory_space<vmem>>, vector<16xf32>,
    %get3A_431 = arith.constant 80 : index
    %get3A_432 = tpu.vector_load %arg6[%get3A_431] {strides = array<i32>} : memref<1024xf32, #tpu.memory_space<vmem>>, vector<16xf32>,
    %get3A_433 = arith.constant 208 : index
    %get3A_434 = tpu.vector_load %arg6[%get3A_433] {strides = array<i32>} : memref<1024xf32, #tpu.memory_space<vmem>>, vector<16xf32>,
    %get3A_435 = arith.constant 336 : index
    %get3A_436 = tpu.vector_load %arg6[%get3A_435] {strides = array<i32>} : memref<1024xf32, #tpu.memory_space<vmem>>, vector<16xf32>,
    %get3A_437 = arith.constant 464 : index
    %get3A_438 = tpu.vector_load %arg6[%get3A_437] {strides = array<i32>} : memref<1024xf32, #tpu.memory_space<vmem>>, vector<16xf32>,
    %get3A_439 = arith.constant 592 : index
    %get3A_440 = tpu.vector_load %arg6[%get3A_439] {strides = array<i32>} : memref<1024xf32, #tpu.memory_space<vmem>>, vector<16xf32>,
    %get3A_441 = arith.constant 720 : index
    %get3A_442 = tpu.vector_load %arg6[%get3A_441] {strides = array<i32>} : memref<1024xf32, #tpu.memory_space<vmem>>, vector<16xf32>,
    %get3A_443 = arith.constant 848 : index
    %get3A_444 = tpu.vector_load %arg6[%get3A_443] {strides = array<i32>} : memref<1024xf32, #tpu.memory_space<vmem>>, vector<16xf32>,
    %get3A_445 = arith.constant 976 : index
    %get3A_446 = tpu.vector_load %arg6[%get3A_445] {strides = array<i32>} : memref<1024xf32, #tpu.memory_space<vmem>>, vector<16xf32>,
    %broadcast_in_dim3A_447 = arith.constant 0 : i32
    %broadcast_in_dim3A_448 = vector.broadcast %broadcast_in_dim3A_447 : i32 to vector<16xi32>
    %gt3A_449 = arith.cmpf ogt, %get3A_434, %get3A_432 : vector<16xf32>
    %select_n3A_450 = arith.select %gt3A_449, %get3A_434, %get3A_432 : vector<16xi1>, vector<16xf32>
    %broadcast_in_dim3A_451 = arith.constant 1 : i32
    %broadcast_in_dim3A_452 = vector.broadcast %broadcast_in_dim3A_451 : i32 to vector<16xi32>
    %select_n3A_453 = arith.select %gt3A_449, %broadcast_in_dim3A_452, %broadcast_in_dim3A_448 : vector<16xi1>, vector<16xi32>
    %gt3A_454 = arith.cmpf ogt, %get3A_436, %select_n3A_450 : vector<16xf32>
    %select_n3A_455 = arith.select %gt3A_454, %get3A_436, %select_n3A_450 : vector<16xi1>, vector<16xf32>
    %broadcast_in_dim3A_456 = arith.constant 2 : i32
    %broadcast_in_dim3A_457 = vector.broadcast %broadcast_in_dim3A_456 : i32 to vector<16xi32>
    %select_n3A_458 = arith.select %gt3A_454, %broadcast_in_dim3A_457, %select_n3A_453 : vector<16xi1>, vector<16xi32>
    %gt3A_459 = arith.cmpf ogt, %get3A_438, %select_n3A_455 : vector<16xf32>
    %select_n3A_460 = arith.select %gt3A_459, %get3A_438, %select_n3A_455 : vector<16xi1>, vector<16xf32>
    %broadcast_in_dim3A_461 = arith.constant 3 : i32
    %broadcast_in_dim3A_462 = vector.broadcast %broadcast_in_dim3A_461 : i32 to vector<16xi32>
    %select_n3A_463 = arith.select %gt3A_459, %broadcast_in_dim3A_462, %select_n3A_458 : vector<16xi1>, vector<16xi32>
    %gt3A_464 = arith.cmpf ogt, %get3A_440, %select_n3A_460 : vector<16xf32>
    %select_n3A_465 = arith.select %gt3A_464, %get3A_440, %select_n3A_460 : vector<16xi1>, vector<16xf32>
    %broadcast_in_dim3A_466 = arith.constant 4 : i32
    %broadcast_in_dim3A_467 = vector.broadcast %broadcast_in_dim3A_466 : i32 to vector<16xi32>
    %select_n3A_468 = arith.select %gt3A_464, %broadcast_in_dim3A_467, %select_n3A_463 : vector<16xi1>, vector<16xi32>
    %gt3A_469 = arith.cmpf ogt, %get3A_442, %select_n3A_465 : vector<16xf32>
    %select_n3A_470 = arith.select %gt3A_469, %get3A_442, %select_n3A_465 : vector<16xi1>, vector<16xf32>
    %broadcast_in_dim3A_471 = arith.constant 5 : i32
    %broadcast_in_dim3A_472 = vector.broadcast %broadcast_in_dim3A_471 : i32 to vector<16xi32>
    %select_n3A_473 = arith.select %gt3A_469, %broadcast_in_dim3A_472, %select_n3A_468 : vector<16xi1>, vector<16xi32>
    %gt3A_474 = arith.cmpf ogt, %get3A_444, %select_n3A_470 : vector<16xf32>
    %select_n3A_475 = arith.select %gt3A_474, %get3A_444, %select_n3A_470 : vector<16xi1>, vector<16xf32>
    %broadcast_in_dim3A_476 = arith.constant 6 : i32
    %broadcast_in_dim3A_477 = vector.broadcast %broadcast_in_dim3A_476 : i32 to vector<16xi32>
    %select_n3A_478 = arith.select %gt3A_474, %broadcast_in_dim3A_477, %select_n3A_473 : vector<16xi1>, vector<16xi32>
    %gt3A_479 = arith.cmpf ogt, %get3A_446, %select_n3A_475 : vector<16xf32>
    %select_n3A_480 = arith.select %gt3A_479, %get3A_446, %select_n3A_475 : vector<16xi1>, vector<16xf32>
    %broadcast_in_dim3A_481 = arith.constant 7 : i32
    %broadcast_in_dim3A_482 = vector.broadcast %broadcast_in_dim3A_481 : i32 to vector<16xi32>
    %select_n3A_483 = arith.select %gt3A_479, %broadcast_in_dim3A_482, %select_n3A_478 : vector<16xi1>, vector<16xi32>
    %broadcast_in_dim3A_484 = arith.constant 0.000000e+00 : f32
    %broadcast_in_dim3A_485 = vector.broadcast %broadcast_in_dim3A_484 : f32 to vector<16xf32>
    %sub3A_486 = arith.subf %get3A_432, %select_n3A_480 : vector<16xf32>
    %exp3A_487 = math.exp %sub3A_486 : vector<16xf32>
    %add3A_488 = arith.addf %broadcast_in_dim3A_485, %exp3A_487 : vector<16xf32>
    %sub3A_489 = arith.subf %get3A_434, %select_n3A_480 : vector<16xf32>
    %exp3A_490 = math.exp %sub3A_489 : vector<16xf32>
    %add3A_491 = arith.addf %add3A_488, %exp3A_490 : vector<16xf32>
    %sub3A_492 = arith.subf %get3A_436, %select_n3A_480 : vector<16xf32>
    %exp3A_493 = math.exp %sub3A_492 : vector<16xf32>
    %add3A_494 = arith.addf %add3A_491, %exp3A_493 : vector<16xf32>
    %sub3A_495 = arith.subf %get3A_438, %select_n3A_480 : vector<16xf32>
    %exp3A_496 = math.exp %sub3A_495 : vector<16xf32>
    %add3A_497 = arith.addf %add3A_494, %exp3A_496 : vector<16xf32>
    %sub3A_498 = arith.subf %get3A_440, %select_n3A_480 : vector<16xf32>
    %exp3A_499 = math.exp %sub3A_498 : vector<16xf32>
    %add3A_500 = arith.addf %add3A_497, %exp3A_499 : vector<16xf32>
    %sub3A_501 = arith.subf %get3A_442, %select_n3A_480 : vector<16xf32>
    %exp3A_502 = math.exp %sub3A_501 : vector<16xf32>
    %add3A_503 = arith.addf %add3A_500, %exp3A_502 : vector<16xf32>
    %sub3A_504 = arith.subf %get3A_444, %select_n3A_480 : vector<16xf32>
    %exp3A_505 = math.exp %sub3A_504 : vector<16xf32>
    %add3A_506 = arith.addf %add3A_503, %exp3A_505 : vector<16xf32>
    %sub3A_507 = arith.subf %get3A_446, %select_n3A_480 : vector<16xf32>
    %exp3A_508 = math.exp %sub3A_507 : vector<16xf32>
    %add3A_509 = arith.addf %add3A_506, %exp3A_508 : vector<16xf32>
    %div3A_510 = arith.constant 1.000000e+00 : f32
    %div3A_511 = vector.broadcast %div3A_510 : f32 to vector<16xf32>
    %div3A_512 = arith.divf %div3A_511, %add3A_509 : vector<16xf32>
    %swap3A_513 = arith.constant 80 : index
    %swap3A_514 = tpu.vector_load %arg8[%swap3A_513] {strides = array<i32>} : memref<128xf32, #tpu.memory_space<vmem>>, vector<16xf32>,
    tpu.vector_store %arg8[%swap3A_513], %div3A_512 {strides = array<i32>} : memref<128xf32, #tpu.memory_space<vmem>>, vector<16xf32>,
    %get3A_515 = arith.constant 96 : index
    %get3A_516 = tpu.vector_load %arg6[%get3A_515] {strides = array<i32>} : memref<1024xf32, #tpu.memory_space<vmem>>, vector<16xf32>,
    %get3A_517 = arith.constant 224 : index
    %get3A_518 = tpu.vector_load %arg6[%get3A_517] {strides = array<i32>} : memref<1024xf32, #tpu.memory_space<vmem>>, vector<16xf32>,
    %get3A_519 = arith.constant 352 : index
    %get3A_520 = tpu.vector_load %arg6[%get3A_519] {strides = array<i32>} : memref<1024xf32, #tpu.memory_space<vmem>>, vector<16xf32>,
    %get3A_521 = arith.constant 480 : index
    %get3A_522 = tpu.vector_load %arg6[%get3A_521] {strides = array<i32>} : memref<1024xf32, #tpu.memory_space<vmem>>, vector<16xf32>,
    %get3A_523 = arith.constant 608 : index
    %get3A_524 = tpu.vector_load %arg6[%get3A_523] {strides = array<i32>} : memref<1024xf32, #tpu.memory_space<vmem>>, vector<16xf32>,
    %get3A_525 = arith.constant 736 : index
    %get3A_526 = tpu.vector_load %arg6[%get3A_525] {strides = array<i32>} : memref<1024xf32, #tpu.memory_space<vmem>>, vector<16xf32>,
    %get3A_527 = arith.constant 864 : index
    %get3A_528 = tpu.vector_load %arg6[%get3A_527] {strides = array<i32>} : memref<1024xf32, #tpu.memory_space<vmem>>, vector<16xf32>,
    %get3A_529 = arith.constant 992 : index
    %get3A_530 = tpu.vector_load %arg6[%get3A_529] {strides = array<i32>} : memref<1024xf32, #tpu.memory_space<vmem>>, vector<16xf32>,
    %broadcast_in_dim3A_531 = arith.constant 0 : i32
    %broadcast_in_dim3A_532 = vector.broadcast %broadcast_in_dim3A_531 : i32 to vector<16xi32>
    %gt3A_533 = arith.cmpf ogt, %get3A_518, %get3A_516 : vector<16xf32>
    %select_n3A_534 = arith.select %gt3A_533, %get3A_518, %get3A_516 : vector<16xi1>, vector<16xf32>
    %broadcast_in_dim3A_535 = arith.constant 1 : i32
    %broadcast_in_dim3A_536 = vector.broadcast %broadcast_in_dim3A_535 : i32 to vector<16xi32>
    %select_n3A_537 = arith.select %gt3A_533, %broadcast_in_dim3A_536, %broadcast_in_dim3A_532 : vector<16xi1>, vector<16xi32>
    %gt3A_538 = arith.cmpf ogt, %get3A_520, %select_n3A_534 : vector<16xf32>
    %select_n3A_539 = arith.select %gt3A_538, %get3A_520, %select_n3A_534 : vector<16xi1>, vector<16xf32>
    %broadcast_in_dim3A_540 = arith.constant 2 : i32
    %broadcast_in_dim3A_541 = vector.broadcast %broadcast_in_dim3A_540 : i32 to vector<16xi32>
    %select_n3A_542 = arith.select %gt3A_538, %broadcast_in_dim3A_541, %select_n3A_537 : vector<16xi1>, vector<16xi32>
    %gt3A_543 = arith.cmpf ogt, %get3A_522, %select_n3A_539 : vector<16xf32>
    %select_n3A_544 = arith.select %gt3A_543, %get3A_522, %select_n3A_539 : vector<16xi1>, vector<16xf32>
    %broadcast_in_dim3A_545 = arith.constant 3 : i32
    %broadcast_in_dim3A_546 = vector.broadcast %broadcast_in_dim3A_545 : i32 to vector<16xi32>
    %select_n3A_547 = arith.select %gt3A_543, %broadcast_in_dim3A_546, %select_n3A_542 : vector<16xi1>, vector<16xi32>
    %gt3A_548 = arith.cmpf ogt, %get3A_524, %select_n3A_544 : vector<16xf32>
    %select_n3A_549 = arith.select %gt3A_548, %get3A_524, %select_n3A_544 : vector<16xi1>, vector<16xf32>
    %broadcast_in_dim3A_550 = arith.constant 4 : i32
    %broadcast_in_dim3A_551 = vector.broadcast %broadcast_in_dim3A_550 : i32 to vector<16xi32>
    %select_n3A_552 = arith.select %gt3A_548, %broadcast_in_dim3A_551, %select_n3A_547 : vector<16xi1>, vector<16xi32>
    %gt3A_553 = arith.cmpf ogt, %get3A_526, %select_n3A_549 : vector<16xf32>
    %select_n3A_554 = arith.select %gt3A_553, %get3A_526, %select_n3A_549 : vector<16xi1>, vector<16xf32>
    %broadcast_in_dim3A_555 = arith.constant 5 : i32
    %broadcast_in_dim3A_556 = vector.broadcast %broadcast_in_dim3A_555 : i32 to vector<16xi32>
    %select_n3A_557 = arith.select %gt3A_553, %broadcast_in_dim3A_556, %select_n3A_552 : vector<16xi1>, vector<16xi32>
    %gt3A_558 = arith.cmpf ogt, %get3A_528, %select_n3A_554 : vector<16xf32>
    %select_n3A_559 = arith.select %gt3A_558, %get3A_528, %select_n3A_554 : vector<16xi1>, vector<16xf32>
    %broadcast_in_dim3A_560 = arith.constant 6 : i32
    %broadcast_in_dim3A_561 = vector.broadcast %broadcast_in_dim3A_560 : i32 to vector<16xi32>
    %select_n3A_562 = arith.select %gt3A_558, %broadcast_in_dim3A_561, %select_n3A_557 : vector<16xi1>, vector<16xi32>
    %gt3A_563 = arith.cmpf ogt, %get3A_530, %select_n3A_559 : vector<16xf32>
    %select_n3A_564 = arith.select %gt3A_563, %get3A_530, %select_n3A_559 : vector<16xi1>, vector<16xf32>
    %broadcast_in_dim3A_565 = arith.constant 7 : i32
    %broadcast_in_dim3A_566 = vector.broadcast %broadcast_in_dim3A_565 : i32 to vector<16xi32>
    %select_n3A_567 = arith.select %gt3A_563, %broadcast_in_dim3A_566, %select_n3A_562 : vector<16xi1>, vector<16xi32>
    %broadcast_in_dim3A_568 = arith.constant 0.000000e+00 : f32
    %broadcast_in_dim3A_569 = vector.broadcast %broadcast_in_dim3A_568 : f32 to vector<16xf32>
    %sub3A_570 = arith.subf %get3A_516, %select_n3A_564 : vector<16xf32>
    %exp3A_571 = math.exp %sub3A_570 : vector<16xf32>
    %add3A_572 = arith.addf %broadcast_in_dim3A_569, %exp3A_571 : vector<16xf32>
    %sub3A_573 = arith.subf %get3A_518, %select_n3A_564 : vector<16xf32>
    %exp3A_574 = math.exp %sub3A_573 : vector<16xf32>
    %add3A_575 = arith.addf %add3A_572, %exp3A_574 : vector<16xf32>
    %sub3A_576 = arith.subf %get3A_520, %select_n3A_564 : vector<16xf32>
    %exp3A_577 = math.exp %sub3A_576 : vector<16xf32>
    %add3A_578 = arith.addf %add3A_575, %exp3A_577 : vector<16xf32>
    %sub3A_579 = arith.subf %get3A_522, %select_n3A_564 : vector<16xf32>
    %exp3A_580 = math.exp %sub3A_579 : vector<16xf32>
    %add3A_581 = arith.addf %add3A_578, %exp3A_580 : vector<16xf32>
    %sub3A_582 = arith.subf %get3A_524, %select_n3A_564 : vector<16xf32>
    %exp3A_583 = math.exp %sub3A_582 : vector<16xf32>
    %add3A_584 = arith.addf %add3A_581, %exp3A_583 : vector<16xf32>
    %sub3A_585 = arith.subf %get3A_526, %select_n3A_564 : vector<16xf32>
    %exp3A_586 = math.exp %sub3A_585 : vector<16xf32>
    %add3A_587 = arith.addf %add3A_584, %exp3A_586 : vector<16xf32>
    %sub3A_588 = arith.subf %get3A_528, %select_n3A_564 : vector<16xf32>
    %exp3A_589 = math.exp %sub3A_588 : vector<16xf32>
    %add3A_590 = arith.addf %add3A_587, %exp3A_589 : vector<16xf32>
    %sub3A_591 = arith.subf %get3A_530, %select_n3A_564 : vector<16xf32>
    %exp3A_592 = math.exp %sub3A_591 : vector<16xf32>
    %add3A_593 = arith.addf %add3A_590, %exp3A_592 : vector<16xf32>
    %div3A_594 = arith.constant 1.000000e+00 : f32
    %div3A_595 = vector.broadcast %div3A_594 : f32 to vector<16xf32>
    %div3A_596 = arith.divf %div3A_595, %add3A_593 : vector<16xf32>
    %swap3A_597 = arith.constant 96 : index
    %swap3A_598 = tpu.vector_load %arg8[%swap3A_597] {strides = array<i32>} : memref<128xf32, #tpu.memory_space<vmem>>, vector<16xf32>,
    tpu.vector_store %arg8[%swap3A_597], %div3A_596 {strides = array<i32>} : memref<128xf32, #tpu.memory_space<vmem>>, vector<16xf32>,
    %get3A_599 = arith.constant 112 : index
    %get3A_600 = tpu.vector_load %arg6[%get3A_599] {strides = array<i32>} : memref<1024xf32, #tpu.memory_space<vmem>>, vector<16xf32>,
    %get3A_601 = arith.constant 240 : index
    %get3A_602 = tpu.vector_load %arg6[%get3A_601] {strides = array<i32>} : memref<1024xf32, #tpu.memory_space<vmem>>, vector<16xf32>,
    %get3A_603 = arith.constant 368 : index
    %get3A_604 = tpu.vector_load %arg6[%get3A_603] {strides = array<i32>} : memref<1024xf32, #tpu.memory_space<vmem>>, vector<16xf32>,
    %get3A_605 = arith.constant 496 : index
    %get3A_606 = tpu.vector_load %arg6[%get3A_605] {strides = array<i32>} : memref<1024xf32, #tpu.memory_space<vmem>>, vector<16xf32>,
    %get3A_607 = arith.constant 624 : index
    %get3A_608 = tpu.vector_load %arg6[%get3A_607] {strides = array<i32>} : memref<1024xf32, #tpu.memory_space<vmem>>, vector<16xf32>,
    %get3A_609 = arith.constant 752 : index
    %get3A_610 = tpu.vector_load %arg6[%get3A_609] {strides = array<i32>} : memref<1024xf32, #tpu.memory_space<vmem>>, vector<16xf32>,
    %get3A_611 = arith.constant 880 : index
    %get3A_612 = tpu.vector_load %arg6[%get3A_611] {strides = array<i32>} : memref<1024xf32, #tpu.memory_space<vmem>>, vector<16xf32>,
    %get3A_613 = arith.constant 1008 : index
    %get3A_614 = tpu.vector_load %arg6[%get3A_613] {strides = array<i32>} : memref<1024xf32, #tpu.memory_space<vmem>>, vector<16xf32>,
    %broadcast_in_dim3A_615 = arith.constant 0 : i32
    %broadcast_in_dim3A_616 = vector.broadcast %broadcast_in_dim3A_615 : i32 to vector<16xi32>
    %gt3A_617 = arith.cmpf ogt, %get3A_602, %get3A_600 : vector<16xf32>
    %select_n3A_618 = arith.select %gt3A_617, %get3A_602, %get3A_600 : vector<16xi1>, vector<16xf32>
    %broadcast_in_dim3A_619 = arith.constant 1 : i32
    %broadcast_in_dim3A_620 = vector.broadcast %broadcast_in_dim3A_619 : i32 to vector<16xi32>
    %select_n3A_621 = arith.select %gt3A_617, %broadcast_in_dim3A_620, %broadcast_in_dim3A_616 : vector<16xi1>, vector<16xi32>
    %gt3A_622 = arith.cmpf ogt, %get3A_604, %select_n3A_618 : vector<16xf32>
    %select_n3A_623 = arith.select %gt3A_622, %get3A_604, %select_n3A_618 : vector<16xi1>, vector<16xf32>
    %broadcast_in_dim3A_624 = arith.constant 2 : i32
    %broadcast_in_dim3A_625 = vector.broadcast %broadcast_in_dim3A_624 : i32 to vector<16xi32>
    %select_n3A_626 = arith.select %gt3A_622, %broadcast_in_dim3A_625, %select_n3A_621 : vector<16xi1>, vector<16xi32>
    %gt3A_627 = arith.cmpf ogt, %get3A_606, %select_n3A_623 : vector<16xf32>
    %select_n3A_628 = arith.select %gt3A_627, %get3A_606, %select_n3A_623 : vector<16xi1>, vector<16xf32>
    %broadcast_in_dim3A_629 = arith.constant 3 : i32
    %broadcast_in_dim3A_630 = vector.broadcast %broadcast_in_dim3A_629 : i32 to vector<16xi32>
    %select_n3A_631 = arith.select %gt3A_627, %broadcast_in_dim3A_630, %select_n3A_626 : vector<16xi1>, vector<16xi32>
    %gt3A_632 = arith.cmpf ogt, %get3A_608, %select_n3A_628 : vector<16xf32>
    %select_n3A_633 = arith.select %gt3A_632, %get3A_608, %select_n3A_628 : vector<16xi1>, vector<16xf32>
    %broadcast_in_dim3A_634 = arith.constant 4 : i32
    %broadcast_in_dim3A_635 = vector.broadcast %broadcast_in_dim3A_634 : i32 to vector<16xi32>
    %select_n3A_636 = arith.select %gt3A_632, %broadcast_in_dim3A_635, %select_n3A_631 : vector<16xi1>, vector<16xi32>
    %gt3A_637 = arith.cmpf ogt, %get3A_610, %select_n3A_633 : vector<16xf32>
    %select_n3A_638 = arith.select %gt3A_637, %get3A_610, %select_n3A_633 : vector<16xi1>, vector<16xf32>
    %broadcast_in_dim3A_639 = arith.constant 5 : i32
    %broadcast_in_dim3A_640 = vector.broadcast %broadcast_in_dim3A_639 : i32 to vector<16xi32>
    %select_n3A_641 = arith.select %gt3A_637, %broadcast_in_dim3A_640, %select_n3A_636 : vector<16xi1>, vector<16xi32>
    %gt3A_642 = arith.cmpf ogt, %get3A_612, %select_n3A_638 : vector<16xf32>
    %select_n3A_643 = arith.select %gt3A_642, %get3A_612, %select_n3A_638 : vector<16xi1>, vector<16xf32>
    %broadcast_in_dim3A_644 = arith.constant 6 : i32
    %broadcast_in_dim3A_645 = vector.broadcast %broadcast_in_dim3A_644 : i32 to vector<16xi32>
    %select_n3A_646 = arith.select %gt3A_642, %broadcast_in_dim3A_645, %select_n3A_641 : vector<16xi1>, vector<16xi32>
    %gt3A_647 = arith.cmpf ogt, %get3A_614, %select_n3A_643 : vector<16xf32>
    %select_n3A_648 = arith.select %gt3A_647, %get3A_614, %select_n3A_643 : vector<16xi1>, vector<16xf32>
    %broadcast_in_dim3A_649 = arith.constant 7 : i32
    %broadcast_in_dim3A_650 = vector.broadcast %broadcast_in_dim3A_649 : i32 to vector<16xi32>
    %select_n3A_651 = arith.select %gt3A_647, %broadcast_in_dim3A_650, %select_n3A_646 : vector<16xi1>, vector<16xi32>
    %broadcast_in_dim3A_652 = arith.constant 0.000000e+00 : f32
    %broadcast_in_dim3A_653 = vector.broadcast %broadcast_in_dim3A_652 : f32 to vector<16xf32>
    %sub3A_654 = arith.subf %get3A_600, %select_n3A_648 : vector<16xf32>
    %exp3A_655 = math.exp %sub3A_654 : vector<16xf32>
    %add3A_656 = arith.addf %broadcast_in_dim3A_653, %exp3A_655 : vector<16xf32>
    %sub3A_657 = arith.subf %get3A_602, %select_n3A_648 : vector<16xf32>
    %exp3A_658 = math.exp %sub3A_657 : vector<16xf32>
    %add3A_659 = arith.addf %add3A_656, %exp3A_658 : vector<16xf32>
    %sub3A_660 = arith.subf %get3A_604, %select_n3A_648 : vector<16xf32>
    %exp3A_661 = math.exp %sub3A_660 : vector<16xf32>
    %add3A_662 = arith.addf %add3A_659, %exp3A_661 : vector<16xf32>
    %sub3A_663 = arith.subf %get3A_606, %select_n3A_648 : vector<16xf32>
    %exp3A_664 = math.exp %sub3A_663 : vector<16xf32>
    %add3A_665 = arith.addf %add3A_662, %exp3A_664 : vector<16xf32>
    %sub3A_666 = arith.subf %get3A_608, %select_n3A_648 : vector<16xf32>
    %exp3A_667 = math.exp %sub3A_666 : vector<16xf32>
    %add3A_668 = arith.addf %add3A_665, %exp3A_667 : vector<16xf32>
    %sub3A_669 = arith.subf %get3A_610, %select_n3A_648 : vector<16xf32>
    %exp3A_670 = math.exp %sub3A_669 : vector<16xf32>
    %add3A_671 = arith.addf %add3A_668, %exp3A_670 : vector<16xf32>
    %sub3A_672 = arith.subf %get3A_612, %select_n3A_648 : vector<16xf32>
    %exp3A_673 = math.exp %sub3A_672 : vector<16xf32>
    %add3A_674 = arith.addf %add3A_671, %exp3A_673 : vector<16xf32>
    %sub3A_675 = arith.subf %get3A_614, %select_n3A_648 : vector<16xf32>
    %exp3A_676 = math.exp %sub3A_675 : vector<16xf32>
    %add3A_677 = arith.addf %add3A_674, %exp3A_676 : vector<16xf32>
    %div3A_678 = arith.constant 1.000000e+00 : f32
    %div3A_679 = vector.broadcast %div3A_678 : f32 to vector<16xf32>
    %div3A_680 = arith.divf %div3A_679, %add3A_677 : vector<16xf32>
    %swap3A_681 = arith.constant 112 : index
    %swap3A_682 = tpu.vector_load %arg8[%swap3A_681] {strides = array<i32>} : memref<128xf32, #tpu.memory_space<vmem>>, vector<16xf32>,
    tpu.vector_store %arg8[%swap3A_681], %div3A_680 {strides = array<i32>} : memref<128xf32, #tpu.memory_space<vmem>>, vector<16xf32>,
    %broadcast_in_dim3A_683 = arith.constant 0 : i32
    %broadcast_in_dim3A_684 = vector.broadcast %broadcast_in_dim3A_683 : i32 to vector<16xi32>
    %broadcast_in_dim3A_685 = arith.constant 0 : i32
    %broadcast_in_dim3A_686 = vector.broadcast %broadcast_in_dim3A_685 : i32 to vector<16xi32>
    %eq3A = arith.constant 0 : i32
    %eq3A_687 = vector.broadcast %eq3A : i32 to vector<16xi32>
    %eq3A_688 = arith.cmpi eq, %select_n3A_67, %eq3A_687 : vector<16xi32>
    %convert_element_type3A = arith.extui %eq3A_688 : vector<16xi1> to vector<16xi32>
    %broadcast_in_dim3A_689 = arith.constant true
    %broadcast_in_dim3A_690 = vector.broadcast %broadcast_in_dim3A_689 : i1 to vector<16xi1>
    %masked_cumsum3A = tpu.scan <sum>, %convert_element_type3A masked %broadcast_in_dim3A_690 : vector<16xi32>, vector<16xi1> -> vector<16xi32>
    %sub3A_691 = arith.subi %masked_cumsum3A, %convert_element_type3A : vector<16xi32>
    %add3A_692 = arith.addi %sub3A_691, %broadcast_in_dim3A_686 : vector<16xi32>
    %swap3A_693 = arith.constant 0 : index
    %swap3A_694 = tpu.vector_load %arg7[%swap3A_693] {strides = array<i32>} : memref<128xi32, #tpu.memory_space<vmem>>, vector<16xi32>,
    tpu.vector_store %arg7[%swap3A_693], %add3A_692 {strides = array<i32>} : memref<128xi32, #tpu.memory_space<vmem>>, vector<16xi32>,
    %reduce_sum3A = arith.constant true
    %reduce_sum3A_695 = vector.broadcast %reduce_sum3A : i1 to vector<16xi1>
    %reduce_sum3A_696 = tpu.scan <sum>, %convert_element_type3A masked %reduce_sum3A_695 : vector<16xi32>, vector<16xi1> -> vector<16xi32>
    %reduce_sum3A_697 = vector.extract %reduce_sum3A_696[15] : i32 from vector<16xi32>
    %add3A_698 = vector.broadcast %reduce_sum3A_697 : i32 to vector<16xi32>
    %add3A_699 = arith.addi %broadcast_in_dim3A_686, %add3A_698 : vector<16xi32>
    %eq3A_700 = arith.constant 0 : i32
    %eq3A_701 = vector.broadcast %eq3A_700 : i32 to vector<16xi32>
    %eq3A_702 = arith.cmpi eq, %select_n3A_147, %eq3A_701 : vector<16xi32>
    %convert_element_type3A_703 = arith.extui %eq3A_702 : vector<16xi1> to vector<16xi32>
    %broadcast_in_dim3A_704 = arith.constant true
    %broadcast_in_dim3A_705 = vector.broadcast %broadcast_in_dim3A_704 : i1 to vector<16xi1>
    %masked_cumsum3A_706 = tpu.scan <sum>, %convert_element_type3A_703 masked %broadcast_in_dim3A_705 : vector<16xi32>, vector<16xi1> -> vector<16xi32>
    %sub3A_707 = arith.subi %masked_cumsum3A_706, %convert_element_type3A_703 : vector<16xi32>
    %add3A_708 = arith.addi %sub3A_707, %add3A_699 : vector<16xi32>
    %swap3A_709 = arith.constant 16 : index
    %swap3A_710 = tpu.vector_load %arg7[%swap3A_709] {strides = array<i32>} : memref<128xi32, #tpu.memory_space<vmem>>, vector<16xi32>,
    tpu.vector_store %arg7[%swap3A_709], %add3A_708 {strides = array<i32>} : memref<128xi32, #tpu.memory_space<vmem>>, vector<16xi32>,
    %reduce_sum3A_711 = arith.constant true
    %reduce_sum3A_712 = vector.broadcast %reduce_sum3A_711 : i1 to vector<16xi1>
    %reduce_sum3A_713 = tpu.scan <sum>, %convert_element_type3A_703 masked %reduce_sum3A_712 : vector<16xi32>, vector<16xi1> -> vector<16xi32>
    %reduce_sum3A_714 = vector.extract %reduce_sum3A_713[15] : i32 from vector<16xi32>
    %add3A_715 = vector.broadcast %reduce_sum3A_714 : i32 to vector<16xi32>
    %add3A_716 = arith.addi %add3A_699, %add3A_715 : vector<16xi32>
    %eq3A_717 = arith.constant 0 : i32
    %eq3A_718 = vector.broadcast %eq3A_717 : i32 to vector<16xi32>
    %eq3A_719 = arith.cmpi eq, %select_n3A_231, %eq3A_718 : vector<16xi32>
    %convert_element_type3A_720 = arith.extui %eq3A_719 : vector<16xi1> to vector<16xi32>
    %broadcast_in_dim3A_721 = arith.constant true
    %broadcast_in_dim3A_722 = vector.broadcast %broadcast_in_dim3A_721 : i1 to vector<16xi1>
    %masked_cumsum3A_723 = tpu.scan <sum>, %convert_element_type3A_720 masked %broadcast_in_dim3A_722 : vector<16xi32>, vector<16xi1> -> vector<16xi32>
    %sub3A_724 = arith.subi %masked_cumsum3A_723, %convert_element_type3A_720 : vector<16xi32>
    %add3A_725 = arith.addi %sub3A_724, %add3A_716 : vector<16xi32>
    %swap3A_726 = arith.constant 32 : index
    %swap3A_727 = tpu.vector_load %arg7[%swap3A_726] {strides = array<i32>} : memref<128xi32, #tpu.memory_space<vmem>>, vector<16xi32>,
    tpu.vector_store %arg7[%swap3A_726], %add3A_725 {strides = array<i32>} : memref<128xi32, #tpu.memory_space<vmem>>, vector<16xi32>,
    %reduce_sum3A_728 = arith.constant true
    %reduce_sum3A_729 = vector.broadcast %reduce_sum3A_728 : i1 to vector<16xi1>
    %reduce_sum3A_730 = tpu.scan <sum>, %convert_element_type3A_720 masked %reduce_sum3A_729 : vector<16xi32>, vector<16xi1> -> vector<16xi32>
    %reduce_sum3A_731 = vector.extract %reduce_sum3A_730[15] : i32 from vector<16xi32>
    %add3A_732 = vector.broadcast %reduce_sum3A_731 : i32 to vector<16xi32>
    %add3A_733 = arith.addi %add3A_716, %add3A_732 : vector<16xi32>
    %eq3A_734 = arith.constant 0 : i32
    %eq3A_735 = vector.broadcast %eq3A_734 : i32 to vector<16xi32>
    %eq3A_736 = arith.cmpi eq, %select_n3A_315, %eq3A_735 : vector<16xi32>
    %convert_element_type3A_737 = arith.extui %eq3A_736 : vector<16xi1> to vector<16xi32>
    %broadcast_in_dim3A_738 = arith.constant true
    %broadcast_in_dim3A_739 = vector.broadcast %broadcast_in_dim3A_738 : i1 to vector<16xi1>
    %masked_cumsum3A_740 = tpu.scan <sum>, %convert_element_type3A_737 masked %broadcast_in_dim3A_739 : vector<16xi32>, vector<16xi1> -> vector<16xi32>
    %sub3A_741 = arith.subi %masked_cumsum3A_740, %convert_element_type3A_737 : vector<16xi32>
    %add3A_742 = arith.addi %sub3A_741, %add3A_733 : vector<16xi32>
    %swap3A_743 = arith.constant 48 : index
    %swap3A_744 = tpu.vector_load %arg7[%swap3A_743] {strides = array<i32>} : memref<128xi32, #tpu.memory_space<vmem>>, vector<16xi32>,
    tpu.vector_store %arg7[%swap3A_743], %add3A_742 {strides = array<i32>} : memref<128xi32, #tpu.memory_space<vmem>>, vector<16xi32>,
    %reduce_sum3A_745 = arith.constant true
    %reduce_sum3A_746 = vector.broadcast %reduce_sum3A_745 : i1 to vector<16xi1>
    %reduce_sum3A_747 = tpu.scan <sum>, %convert_element_type3A_737 masked %reduce_sum3A_746 : vector<16xi32>, vector<16xi1> -> vector<16xi32>
    %reduce_sum3A_748 = vector.extract %reduce_sum3A_747[15] : i32 from vector<16xi32>
    %add3A_749 = vector.broadcast %reduce_sum3A_748 : i32 to vector<16xi32>
    %add3A_750 = arith.addi %add3A_733, %add3A_749 : vector<16xi32>
    %eq3A_751 = arith.constant 0 : i32
    %eq3A_752 = vector.broadcast %eq3A_751 : i32 to vector<16xi32>
    %eq3A_753 = arith.cmpi eq, %select_n3A_399, %eq3A_752 : vector<16xi32>
    %convert_element_type3A_754 = arith.extui %eq3A_753 : vector<16xi1> to vector<16xi32>
    %broadcast_in_dim3A_755 = arith.constant true
    %broadcast_in_dim3A_756 = vector.broadcast %broadcast_in_dim3A_755 : i1 to vector<16xi1>
    %masked_cumsum3A_757 = tpu.scan <sum>, %convert_element_type3A_754 masked %broadcast_in_dim3A_756 : vector<16xi32>, vector<16xi1> -> vector<16xi32>
    %sub3A_758 = arith.subi %masked_cumsum3A_757, %convert_element_type3A_754 : vector<16xi32>
    %add3A_759 = arith.addi %sub3A_758, %add3A_750 : vector<16xi32>
    %swap3A_760 = arith.constant 64 : index
    %swap3A_761 = tpu.vector_load %arg7[%swap3A_760] {strides = array<i32>} : memref<128xi32, #tpu.memory_space<vmem>>, vector<16xi32>,
    tpu.vector_store %arg7[%swap3A_760], %add3A_759 {strides = array<i32>} : memref<128xi32, #tpu.memory_space<vmem>>, vector<16xi32>,
    %reduce_sum3A_762 = arith.constant true
    %reduce_sum3A_763 = vector.broadcast %reduce_sum3A_762 : i1 to vector<16xi1>
    %reduce_sum3A_764 = tpu.scan <sum>, %convert_element_type3A_754 masked %reduce_sum3A_763 : vector<16xi32>, vector<16xi1> -> vector<16xi32>
    %reduce_sum3A_765 = vector.extract %reduce_sum3A_764[15] : i32 from vector<16xi32>
    %add3A_766 = vector.broadcast %reduce_sum3A_765 : i32 to vector<16xi32>
    %add3A_767 = arith.addi %add3A_750, %add3A_766 : vector<16xi32>
    %eq3A_768 = arith.constant 0 : i32
    %eq3A_769 = vector.broadcast %eq3A_768 : i32 to vector<16xi32>
    %eq3A_770 = arith.cmpi eq, %select_n3A_483, %eq3A_769 : vector<16xi32>
    %convert_element_type3A_771 = arith.extui %eq3A_770 : vector<16xi1> to vector<16xi32>
    %broadcast_in_dim3A_772 = arith.constant true
    %broadcast_in_dim3A_773 = vector.broadcast %broadcast_in_dim3A_772 : i1 to vector<16xi1>
    %masked_cumsum3A_774 = tpu.scan <sum>, %convert_element_type3A_771 masked %broadcast_in_dim3A_773 : vector<16xi32>, vector<16xi1> -> vector<16xi32>
    %sub3A_775 = arith.subi %masked_cumsum3A_774, %convert_element_type3A_771 : vector<16xi32>
    %add3A_776 = arith.addi %sub3A_775, %add3A_767 : vector<16xi32>
    %swap3A_777 = arith.constant 80 : index
    %swap3A_778 = tpu.vector_load %arg7[%swap3A_777] {strides = array<i32>} : memref<128xi32, #tpu.memory_space<vmem>>, vector<16xi32>,
    tpu.vector_store %arg7[%swap3A_777], %add3A_776 {strides = array<i32>} : memref<128xi32, #tpu.memory_space<vmem>>, vector<16xi32>,
    %reduce_sum3A_779 = arith.constant true
    %reduce_sum3A_780 = vector.broadcast %reduce_sum3A_779 : i1 to vector<16xi1>
    %reduce_sum3A_781 = tpu.scan <sum>, %convert_element_type3A_771 masked %reduce_sum3A_780 : vector<16xi32>, vector<16xi1> -> vector<16xi32>
    %reduce_sum3A_782 = vector.extract %reduce_sum3A_781[15] : i32 from vector<16xi32>
    %add3A_783 = vector.broadcast %reduce_sum3A_782 : i32 to vector<16xi32>
    %add3A_784 = arith.addi %add3A_767, %add3A_783 : vector<16xi32>
    %eq3A_785 = arith.constant 0 : i32
    %eq3A_786 = vector.broadcast %eq3A_785 : i32 to vector<16xi32>
    %eq3A_787 = arith.cmpi eq, %select_n3A_567, %eq3A_786 : vector<16xi32>
    %convert_element_type3A_788 = arith.extui %eq3A_787 : vector<16xi1> to vector<16xi32>
    %broadcast_in_dim3A_789 = arith.constant true
    %broadcast_in_dim3A_790 = vector.broadcast %broadcast_in_dim3A_789 : i1 to vector<16xi1>
    %masked_cumsum3A_791 = tpu.scan <sum>, %convert_element_type3A_788 masked %broadcast_in_dim3A_790 : vector<16xi32>, vector<16xi1> -> vector<16xi32>
    %sub3A_792 = arith.subi %masked_cumsum3A_791, %convert_element_type3A_788 : vector<16xi32>
    %add3A_793 = arith.addi %sub3A_792, %add3A_784 : vector<16xi32>
    %swap3A_794 = arith.constant 96 : index
    %swap3A_795 = tpu.vector_load %arg7[%swap3A_794] {strides = array<i32>} : memref<128xi32, #tpu.memory_space<vmem>>, vector<16xi32>,
    tpu.vector_store %arg7[%swap3A_794], %add3A_793 {strides = array<i32>} : memref<128xi32, #tpu.memory_space<vmem>>, vector<16xi32>,
    %reduce_sum3A_796 = arith.constant true
    %reduce_sum3A_797 = vector.broadcast %reduce_sum3A_796 : i1 to vector<16xi1>
    %reduce_sum3A_798 = tpu.scan <sum>, %convert_element_type3A_788 masked %reduce_sum3A_797 : vector<16xi32>, vector<16xi1> -> vector<16xi32>
    %reduce_sum3A_799 = vector.extract %reduce_sum3A_798[15] : i32 from vector<16xi32>
    %add3A_800 = vector.broadcast %reduce_sum3A_799 : i32 to vector<16xi32>
    %add3A_801 = arith.addi %add3A_784, %add3A_800 : vector<16xi32>
    %eq3A_802 = arith.constant 0 : i32
    %eq3A_803 = vector.broadcast %eq3A_802 : i32 to vector<16xi32>
    %eq3A_804 = arith.cmpi eq, %select_n3A_651, %eq3A_803 : vector<16xi32>
    %convert_element_type3A_805 = arith.extui %eq3A_804 : vector<16xi1> to vector<16xi32>
    %broadcast_in_dim3A_806 = arith.constant true
    %broadcast_in_dim3A_807 = vector.broadcast %broadcast_in_dim3A_806 : i1 to vector<16xi1>
    %masked_cumsum3A_808 = tpu.scan <sum>, %convert_element_type3A_805 masked %broadcast_in_dim3A_807 : vector<16xi32>, vector<16xi1> -> vector<16xi32>
    %sub3A_809 = arith.subi %masked_cumsum3A_808, %convert_element_type3A_805 : vector<16xi32>
    %add3A_810 = arith.addi %sub3A_809, %add3A_801 : vector<16xi32>
    %swap3A_811 = arith.constant 112 : index
    %swap3A_812 = tpu.vector_load %arg7[%swap3A_811] {strides = array<i32>} : memref<128xi32, #tpu.memory_space<vmem>>, vector<16xi32>,
    tpu.vector_store %arg7[%swap3A_811], %add3A_810 {strides = array<i32>} : memref<128xi32, #tpu.memory_space<vmem>>, vector<16xi32>,
    %reduce_sum3A_813 = arith.constant true
    %reduce_sum3A_814 = vector.broadcast %reduce_sum3A_813 : i1 to vector<16xi1>
    %reduce_sum3A_815 = tpu.scan <sum>, %convert_element_type3A_805 masked %reduce_sum3A_814 : vector<16xi32>, vector<16xi1> -> vector<16xi32>
    %reduce_sum3A_816 = vector.extract %reduce_sum3A_815[15] : i32 from vector<16xi32>
    %add3A_817 = vector.broadcast %reduce_sum3A_816 : i32 to vector<16xi32>
    %add3A_818 = arith.addi %add3A_801, %add3A_817 : vector<16xi32>
    %eq3A_819 = arith.constant 0 : i32
    %eq3A_820 = vector.broadcast %eq3A_819 : i32 to vector<16xi32>
    %eq3A_821 = arith.cmpi eq, %iota3A, %eq3A_820 : vector<16xi32>
    %select_n3A_822 = arith.select %eq3A_821, %add3A_818, %broadcast_in_dim3A_684 : vector<16xi1>, vector<16xi32>
    %broadcast_in_dim3A_823 = arith.constant 0 : i32
    %broadcast_in_dim3A_824 = vector.broadcast %broadcast_in_dim3A_823 : i32 to vector<16xi32>
    %eq3A_825 = arith.constant 1 : i32
    %eq3A_826 = vector.broadcast %eq3A_825 : i32 to vector<16xi32>
    %eq3A_827 = arith.cmpi eq, %select_n3A_67, %eq3A_826 : vector<16xi32>
    %convert_element_type3A_828 = arith.extui %eq3A_827 : vector<16xi1> to vector<16xi32>
    %broadcast_in_dim3A_829 = arith.constant true
    %broadcast_in_dim3A_830 = vector.broadcast %broadcast_in_dim3A_829 : i1 to vector<16xi1>
    %masked_cumsum3A_831 = tpu.scan <sum>, %convert_element_type3A_828 masked %broadcast_in_dim3A_830 : vector<16xi32>, vector<16xi1> -> vector<16xi32>
    %sub3A_832 = arith.subi %masked_cumsum3A_831, %convert_element_type3A_828 : vector<16xi32>
    %add3A_833 = arith.addi %sub3A_832, %broadcast_in_dim3A_824 : vector<16xi32>
    %mul3A_834 = arith.constant 65536 : i32
    %mul3A_835 = vector.broadcast %mul3A_834 : i32 to vector<16xi32>
    %mul3A_836 = arith.muli %select_n3A_67, %mul3A_835 : vector<16xi32>
    %add3A_837 = arith.addi %mul3A_836, %add3A_833 : vector<16xi32>
    %get3A_838 = arith.constant 0 : index
    %get3A_839 = tpu.vector_load %arg7[%get3A_838] {strides = array<i32>} : memref<128xi32, #tpu.memory_space<vmem>>, vector<16xi32>,
    %select_n3A_840 = arith.select %eq3A_827, %add3A_837, %get3A_839 : vector<16xi1>, vector<16xi32>
    %swap3A_841 = arith.constant 0 : index
    %swap3A_842 = tpu.vector_load %arg7[%swap3A_841] {strides = array<i32>} : memref<128xi32, #tpu.memory_space<vmem>>, vector<16xi32>,
    tpu.vector_store %arg7[%swap3A_841], %select_n3A_840 {strides = array<i32>} : memref<128xi32, #tpu.memory_space<vmem>>, vector<16xi32>,
    %reduce_sum3A_843 = arith.constant true
    %reduce_sum3A_844 = vector.broadcast %reduce_sum3A_843 : i1 to vector<16xi1>
    %reduce_sum3A_845 = tpu.scan <sum>, %convert_element_type3A_828 masked %reduce_sum3A_844 : vector<16xi32>, vector<16xi1> -> vector<16xi32>
    %reduce_sum3A_846 = vector.extract %reduce_sum3A_845[15] : i32 from vector<16xi32>
    %add3A_847 = vector.broadcast %reduce_sum3A_846 : i32 to vector<16xi32>
    %add3A_848 = arith.addi %broadcast_in_dim3A_824, %add3A_847 : vector<16xi32>
    %eq3A_849 = arith.constant 1 : i32
    %eq3A_850 = vector.broadcast %eq3A_849 : i32 to vector<16xi32>
    %eq3A_851 = arith.cmpi eq, %select_n3A_147, %eq3A_850 : vector<16xi32>
    %convert_element_type3A_852 = arith.extui %eq3A_851 : vector<16xi1> to vector<16xi32>
    %broadcast_in_dim3A_853 = arith.constant true
    %broadcast_in_dim3A_854 = vector.broadcast %broadcast_in_dim3A_853 : i1 to vector<16xi1>
    %masked_cumsum3A_855 = tpu.scan <sum>, %convert_element_type3A_852 masked %broadcast_in_dim3A_854 : vector<16xi32>, vector<16xi1> -> vector<16xi32>
    %sub3A_856 = arith.subi %masked_cumsum3A_855, %convert_element_type3A_852 : vector<16xi32>
    %add3A_857 = arith.addi %sub3A_856, %add3A_848 : vector<16xi32>
    %mul3A_858 = arith.constant 65536 : i32
    %mul3A_859 = vector.broadcast %mul3A_858 : i32 to vector<16xi32>
    %mul3A_860 = arith.muli %select_n3A_147, %mul3A_859 : vector<16xi32>
    %add3A_861 = arith.addi %mul3A_860, %add3A_857 : vector<16xi32>
    %get3A_862 = arith.constant 16 : index
    %get3A_863 = tpu.vector_load %arg7[%get3A_862] {strides = array<i32>} : memref<128xi32, #tpu.memory_space<vmem>>, vector<16xi32>,
    %select_n3A_864 = arith.select %eq3A_851, %add3A_861, %get3A_863 : vector<16xi1>, vector<16xi32>
    %swap3A_865 = arith.constant 16 : index
    %swap3A_866 = tpu.vector_load %arg7[%swap3A_865] {strides = array<i32>} : memref<128xi32, #tpu.memory_space<vmem>>, vector<16xi32>,
    tpu.vector_store %arg7[%swap3A_865], %select_n3A_864 {strides = array<i32>} : memref<128xi32, #tpu.memory_space<vmem>>, vector<16xi32>,
    %reduce_sum3A_867 = arith.constant true
    %reduce_sum3A_868 = vector.broadcast %reduce_sum3A_867 : i1 to vector<16xi1>
    %reduce_sum3A_869 = tpu.scan <sum>, %convert_element_type3A_852 masked %reduce_sum3A_868 : vector<16xi32>, vector<16xi1> -> vector<16xi32>
    %reduce_sum3A_870 = vector.extract %reduce_sum3A_869[15] : i32 from vector<16xi32>
    %add3A_871 = vector.broadcast %reduce_sum3A_870 : i32 to vector<16xi32>
    %add3A_872 = arith.addi %add3A_848, %add3A_871 : vector<16xi32>
    %eq3A_873 = arith.constant 1 : i32
    %eq3A_874 = vector.broadcast %eq3A_873 : i32 to vector<16xi32>
    %eq3A_875 = arith.cmpi eq, %select_n3A_231, %eq3A_874 : vector<16xi32>
    %convert_element_type3A_876 = arith.extui %eq3A_875 : vector<16xi1> to vector<16xi32>
    %broadcast_in_dim3A_877 = arith.constant true
    %broadcast_in_dim3A_878 = vector.broadcast %broadcast_in_dim3A_877 : i1 to vector<16xi1>
    %masked_cumsum3A_879 = tpu.scan <sum>, %convert_element_type3A_876 masked %broadcast_in_dim3A_878 : vector<16xi32>, vector<16xi1> -> vector<16xi32>
    %sub3A_880 = arith.subi %masked_cumsum3A_879, %convert_element_type3A_876 : vector<16xi32>
    %add3A_881 = arith.addi %sub3A_880, %add3A_872 : vector<16xi32>
    %mul3A_882 = arith.constant 65536 : i32
    %mul3A_883 = vector.broadcast %mul3A_882 : i32 to vector<16xi32>
    %mul3A_884 = arith.muli %select_n3A_231, %mul3A_883 : vector<16xi32>
    %add3A_885 = arith.addi %mul3A_884, %add3A_881 : vector<16xi32>
    %get3A_886 = arith.constant 32 : index
    %get3A_887 = tpu.vector_load %arg7[%get3A_886] {strides = array<i32>} : memref<128xi32, #tpu.memory_space<vmem>>, vector<16xi32>,
    %select_n3A_888 = arith.select %eq3A_875, %add3A_885, %get3A_887 : vector<16xi1>, vector<16xi32>
    %swap3A_889 = arith.constant 32 : index
    %swap3A_890 = tpu.vector_load %arg7[%swap3A_889] {strides = array<i32>} : memref<128xi32, #tpu.memory_space<vmem>>, vector<16xi32>,
    tpu.vector_store %arg7[%swap3A_889], %select_n3A_888 {strides = array<i32>} : memref<128xi32, #tpu.memory_space<vmem>>, vector<16xi32>,
    %reduce_sum3A_891 = arith.constant true
    %reduce_sum3A_892 = vector.broadcast %reduce_sum3A_891 : i1 to vector<16xi1>
    %reduce_sum3A_893 = tpu.scan <sum>, %convert_element_type3A_876 masked %reduce_sum3A_892 : vector<16xi32>, vector<16xi1> -> vector<16xi32>
    %reduce_sum3A_894 = vector.extract %reduce_sum3A_893[15] : i32 from vector<16xi32>
    %add3A_895 = vector.broadcast %reduce_sum3A_894 : i32 to vector<16xi32>
    %add3A_896 = arith.addi %add3A_872, %add3A_895 : vector<16xi32>
    %eq3A_897 = arith.constant 1 : i32
    %eq3A_898 = vector.broadcast %eq3A_897 : i32 to vector<16xi32>
    %eq3A_899 = arith.cmpi eq, %select_n3A_315, %eq3A_898 : vector<16xi32>
    %convert_element_type3A_900 = arith.extui %eq3A_899 : vector<16xi1> to vector<16xi32>
    %broadcast_in_dim3A_901 = arith.constant true
    %broadcast_in_dim3A_902 = vector.broadcast %broadcast_in_dim3A_901 : i1 to vector<16xi1>
    %masked_cumsum3A_903 = tpu.scan <sum>, %convert_element_type3A_900 masked %broadcast_in_dim3A_902 : vector<16xi32>, vector<16xi1> -> vector<16xi32>
    %sub3A_904 = arith.subi %masked_cumsum3A_903, %convert_element_type3A_900 : vector<16xi32>
    %add3A_905 = arith.addi %sub3A_904, %add3A_896 : vector<16xi32>
    %mul3A_906 = arith.constant 65536 : i32
    %mul3A_907 = vector.broadcast %mul3A_906 : i32 to vector<16xi32>
    %mul3A_908 = arith.muli %select_n3A_315, %mul3A_907 : vector<16xi32>
    %add3A_909 = arith.addi %mul3A_908, %add3A_905 : vector<16xi32>
    %get3A_910 = arith.constant 48 : index
    %get3A_911 = tpu.vector_load %arg7[%get3A_910] {strides = array<i32>} : memref<128xi32, #tpu.memory_space<vmem>>, vector<16xi32>,
    %select_n3A_912 = arith.select %eq3A_899, %add3A_909, %get3A_911 : vector<16xi1>, vector<16xi32>
    %swap3A_913 = arith.constant 48 : index
    %swap3A_914 = tpu.vector_load %arg7[%swap3A_913] {strides = array<i32>} : memref<128xi32, #tpu.memory_space<vmem>>, vector<16xi32>,
    tpu.vector_store %arg7[%swap3A_913], %select_n3A_912 {strides = array<i32>} : memref<128xi32, #tpu.memory_space<vmem>>, vector<16xi32>,
    %reduce_sum3A_915 = arith.constant true
    %reduce_sum3A_916 = vector.broadcast %reduce_sum3A_915 : i1 to vector<16xi1>
    %reduce_sum3A_917 = tpu.scan <sum>, %convert_element_type3A_900 masked %reduce_sum3A_916 : vector<16xi32>, vector<16xi1> -> vector<16xi32>
    %reduce_sum3A_918 = vector.extract %reduce_sum3A_917[15] : i32 from vector<16xi32>
    %add3A_919 = vector.broadcast %reduce_sum3A_918 : i32 to vector<16xi32>
    %add3A_920 = arith.addi %add3A_896, %add3A_919 : vector<16xi32>
    %eq3A_921 = arith.constant 1 : i32
    %eq3A_922 = vector.broadcast %eq3A_921 : i32 to vector<16xi32>
    %eq3A_923 = arith.cmpi eq, %select_n3A_399, %eq3A_922 : vector<16xi32>
    %convert_element_type3A_924 = arith.extui %eq3A_923 : vector<16xi1> to vector<16xi32>
    %broadcast_in_dim3A_925 = arith.constant true
    %broadcast_in_dim3A_926 = vector.broadcast %broadcast_in_dim3A_925 : i1 to vector<16xi1>
    %masked_cumsum3A_927 = tpu.scan <sum>, %convert_element_type3A_924 masked %broadcast_in_dim3A_926 : vector<16xi32>, vector<16xi1> -> vector<16xi32>
    %sub3A_928 = arith.subi %masked_cumsum3A_927, %convert_element_type3A_924 : vector<16xi32>
    %add3A_929 = arith.addi %sub3A_928, %add3A_920 : vector<16xi32>
    %mul3A_930 = arith.constant 65536 : i32
    %mul3A_931 = vector.broadcast %mul3A_930 : i32 to vector<16xi32>
    %mul3A_932 = arith.muli %select_n3A_399, %mul3A_931 : vector<16xi32>
    %add3A_933 = arith.addi %mul3A_932, %add3A_929 : vector<16xi32>
    %get3A_934 = arith.constant 64 : index
    %get3A_935 = tpu.vector_load %arg7[%get3A_934] {strides = array<i32>} : memref<128xi32, #tpu.memory_space<vmem>>, vector<16xi32>,
    %select_n3A_936 = arith.select %eq3A_923, %add3A_933, %get3A_935 : vector<16xi1>, vector<16xi32>
    %swap3A_937 = arith.constant 64 : index
    %swap3A_938 = tpu.vector_load %arg7[%swap3A_937] {strides = array<i32>} : memref<128xi32, #tpu.memory_space<vmem>>, vector<16xi32>,
    tpu.vector_store %arg7[%swap3A_937], %select_n3A_936 {strides = array<i32>} : memref<128xi32, #tpu.memory_space<vmem>>, vector<16xi32>,
    %reduce_sum3A_939 = arith.constant true
    %reduce_sum3A_940 = vector.broadcast %reduce_sum3A_939 : i1 to vector<16xi1>
    %reduce_sum3A_941 = tpu.scan <sum>, %convert_element_type3A_924 masked %reduce_sum3A_940 : vector<16xi32>, vector<16xi1> -> vector<16xi32>
    %reduce_sum3A_942 = vector.extract %reduce_sum3A_941[15] : i32 from vector<16xi32>
    %add3A_943 = vector.broadcast %reduce_sum3A_942 : i32 to vector<16xi32>
    %add3A_944 = arith.addi %add3A_920, %add3A_943 : vector<16xi32>
    %eq3A_945 = arith.constant 1 : i32
    %eq3A_946 = vector.broadcast %eq3A_945 : i32 to vector<16xi32>
    %eq3A_947 = arith.cmpi eq, %select_n3A_483, %eq3A_946 : vector<16xi32>
    %convert_element_type3A_948 = arith.extui %eq3A_947 : vector<16xi1> to vector<16xi32>
    %broadcast_in_dim3A_949 = arith.constant true
    %broadcast_in_dim3A_950 = vector.broadcast %broadcast_in_dim3A_949 : i1 to vector<16xi1>
    %masked_cumsum3A_951 = tpu.scan <sum>, %convert_element_type3A_948 masked %broadcast_in_dim3A_950 : vector<16xi32>, vector<16xi1> -> vector<16xi32>
    %sub3A_952 = arith.subi %masked_cumsum3A_951, %convert_element_type3A_948 : vector<16xi32>
    %add3A_953 = arith.addi %sub3A_952, %add3A_944 : vector<16xi32>
    %mul3A_954 = arith.constant 65536 : i32
    %mul3A_955 = vector.broadcast %mul3A_954 : i32 to vector<16xi32>
    %mul3A_956 = arith.muli %select_n3A_483, %mul3A_955 : vector<16xi32>
    %add3A_957 = arith.addi %mul3A_956, %add3A_953 : vector<16xi32>
    %get3A_958 = arith.constant 80 : index
    %get3A_959 = tpu.vector_load %arg7[%get3A_958] {strides = array<i32>} : memref<128xi32, #tpu.memory_space<vmem>>, vector<16xi32>,
    %select_n3A_960 = arith.select %eq3A_947, %add3A_957, %get3A_959 : vector<16xi1>, vector<16xi32>
    %swap3A_961 = arith.constant 80 : index
    %swap3A_962 = tpu.vector_load %arg7[%swap3A_961] {strides = array<i32>} : memref<128xi32, #tpu.memory_space<vmem>>, vector<16xi32>,
    tpu.vector_store %arg7[%swap3A_961], %select_n3A_960 {strides = array<i32>} : memref<128xi32, #tpu.memory_space<vmem>>, vector<16xi32>,
    %reduce_sum3A_963 = arith.constant true
    %reduce_sum3A_964 = vector.broadcast %reduce_sum3A_963 : i1 to vector<16xi1>
    %reduce_sum3A_965 = tpu.scan <sum>, %convert_element_type3A_948 masked %reduce_sum3A_964 : vector<16xi32>, vector<16xi1> -> vector<16xi32>
    %reduce_sum3A_966 = vector.extract %reduce_sum3A_965[15] : i32 from vector<16xi32>
    %add3A_967 = vector.broadcast %reduce_sum3A_966 : i32 to vector<16xi32>
    %add3A_968 = arith.addi %add3A_944, %add3A_967 : vector<16xi32>
    %eq3A_969 = arith.constant 1 : i32
    %eq3A_970 = vector.broadcast %eq3A_969 : i32 to vector<16xi32>
    %eq3A_971 = arith.cmpi eq, %select_n3A_567, %eq3A_970 : vector<16xi32>
    %convert_element_type3A_972 = arith.extui %eq3A_971 : vector<16xi1> to vector<16xi32>
    %broadcast_in_dim3A_973 = arith.constant true
    %broadcast_in_dim3A_974 = vector.broadcast %broadcast_in_dim3A_973 : i1 to vector<16xi1>
    %masked_cumsum3A_975 = tpu.scan <sum>, %convert_element_type3A_972 masked %broadcast_in_dim3A_974 : vector<16xi32>, vector<16xi1> -> vector<16xi32>
    %sub3A_976 = arith.subi %masked_cumsum3A_975, %convert_element_type3A_972 : vector<16xi32>
    %add3A_977 = arith.addi %sub3A_976, %add3A_968 : vector<16xi32>
    %mul3A_978 = arith.constant 65536 : i32
    %mul3A_979 = vector.broadcast %mul3A_978 : i32 to vector<16xi32>
    %mul3A_980 = arith.muli %select_n3A_567, %mul3A_979 : vector<16xi32>
    %add3A_981 = arith.addi %mul3A_980, %add3A_977 : vector<16xi32>
    %get3A_982 = arith.constant 96 : index
    %get3A_983 = tpu.vector_load %arg7[%get3A_982] {strides = array<i32>} : memref<128xi32, #tpu.memory_space<vmem>>, vector<16xi32>,
    %select_n3A_984 = arith.select %eq3A_971, %add3A_981, %get3A_983 : vector<16xi1>, vector<16xi32>
    %swap3A_985 = arith.constant 96 : index
    %swap3A_986 = tpu.vector_load %arg7[%swap3A_985] {strides = array<i32>} : memref<128xi32, #tpu.memory_space<vmem>>, vector<16xi32>,
    tpu.vector_store %arg7[%swap3A_985], %select_n3A_984 {strides = array<i32>} : memref<128xi32, #tpu.memory_space<vmem>>, vector<16xi32>,
    %reduce_sum3A_987 = arith.constant true
    %reduce_sum3A_988 = vector.broadcast %reduce_sum3A_987 : i1 to vector<16xi1>
    %reduce_sum3A_989 = tpu.scan <sum>, %convert_element_type3A_972 masked %reduce_sum3A_988 : vector<16xi32>, vector<16xi1> -> vector<16xi32>
    %reduce_sum3A_990 = vector.extract %reduce_sum3A_989[15] : i32 from vector<16xi32>
    %add3A_991 = vector.broadcast %reduce_sum3A_990 : i32 to vector<16xi32>
    %add3A_992 = arith.addi %add3A_968, %add3A_991 : vector<16xi32>
    %eq3A_993 = arith.constant 1 : i32
    %eq3A_994 = vector.broadcast %eq3A_993 : i32 to vector<16xi32>
    %eq3A_995 = arith.cmpi eq, %select_n3A_651, %eq3A_994 : vector<16xi32>
    %convert_element_type3A_996 = arith.extui %eq3A_995 : vector<16xi1> to vector<16xi32>
    %broadcast_in_dim3A_997 = arith.constant true
    %broadcast_in_dim3A_998 = vector.broadcast %broadcast_in_dim3A_997 : i1 to vector<16xi1>
    %masked_cumsum3A_999 = tpu.scan <sum>, %convert_element_type3A_996 masked %broadcast_in_dim3A_998 : vector<16xi32>, vector<16xi1> -> vector<16xi32>
    %sub3A_1000 = arith.subi %masked_cumsum3A_999, %convert_element_type3A_996 : vector<16xi32>
    %add3A_1001 = arith.addi %sub3A_1000, %add3A_992 : vector<16xi32>
    %mul3A_1002 = arith.constant 65536 : i32
    %mul3A_1003 = vector.broadcast %mul3A_1002 : i32 to vector<16xi32>
    %mul3A_1004 = arith.muli %select_n3A_651, %mul3A_1003 : vector<16xi32>
    %add3A_1005 = arith.addi %mul3A_1004, %add3A_1001 : vector<16xi32>
    %get3A_1006 = arith.constant 112 : index
    %get3A_1007 = tpu.vector_load %arg7[%get3A_1006] {strides = array<i32>} : memref<128xi32, #tpu.memory_space<vmem>>, vector<16xi32>,
    %select_n3A_1008 = arith.select %eq3A_995, %add3A_1005, %get3A_1007 : vector<16xi1>, vector<16xi32>
    %swap3A_1009 = arith.constant 112 : index
    %swap3A_1010 = tpu.vector_load %arg7[%swap3A_1009] {strides = array<i32>} : memref<128xi32, #tpu.memory_space<vmem>>, vector<16xi32>,
    tpu.vector_store %arg7[%swap3A_1009], %select_n3A_1008 {strides = array<i32>} : memref<128xi32, #tpu.memory_space<vmem>>, vector<16xi32>,
    %reduce_sum3A_1011 = arith.constant true
    %reduce_sum3A_1012 = vector.broadcast %reduce_sum3A_1011 : i1 to vector<16xi1>
    %reduce_sum3A_1013 = tpu.scan <sum>, %convert_element_type3A_996 masked %reduce_sum3A_1012 : vector<16xi32>, vector<16xi1> -> vector<16xi32>
    %reduce_sum3A_1014 = vector.extract %reduce_sum3A_1013[15] : i32 from vector<16xi32>
    %add3A_1015 = vector.broadcast %reduce_sum3A_1014 : i32 to vector<16xi32>
    %add3A_1016 = arith.addi %add3A_992, %add3A_1015 : vector<16xi32>
    %eq3A_1017 = arith.constant 1 : i32
    %eq3A_1018 = vector.broadcast %eq3A_1017 : i32 to vector<16xi32>
    %eq3A_1019 = arith.cmpi eq, %iota3A, %eq3A_1018 : vector<16xi32>
    %select_n3A_1020 = arith.select %eq3A_1019, %add3A_1016, %select_n3A_822 : vector<16xi1>, vector<16xi32>
    %broadcast_in_dim3A_1021 = arith.constant 0 : i32
    %broadcast_in_dim3A_1022 = vector.broadcast %broadcast_in_dim3A_1021 : i32 to vector<16xi32>
    %eq3A_1023 = arith.constant 2 : i32
    %eq3A_1024 = vector.broadcast %eq3A_1023 : i32 to vector<16xi32>
    %eq3A_1025 = arith.cmpi eq, %select_n3A_67, %eq3A_1024 : vector<16xi32>
    %convert_element_type3A_1026 = arith.extui %eq3A_1025 : vector<16xi1> to vector<16xi32>
    %broadcast_in_dim3A_1027 = arith.constant true
    %broadcast_in_dim3A_1028 = vector.broadcast %broadcast_in_dim3A_1027 : i1 to vector<16xi1>
    %masked_cumsum3A_1029 = tpu.scan <sum>, %convert_element_type3A_1026 masked %broadcast_in_dim3A_1028 : vector<16xi32>, vector<16xi1> -> vector<16xi32>
    %sub3A_1030 = arith.subi %masked_cumsum3A_1029, %convert_element_type3A_1026 : vector<16xi32>
    %add3A_1031 = arith.addi %sub3A_1030, %broadcast_in_dim3A_1022 : vector<16xi32>
    %mul3A_1032 = arith.constant 65536 : i32
    %mul3A_1033 = vector.broadcast %mul3A_1032 : i32 to vector<16xi32>
    %mul3A_1034 = arith.muli %select_n3A_67, %mul3A_1033 : vector<16xi32>
    %add3A_1035 = arith.addi %mul3A_1034, %add3A_1031 : vector<16xi32>
    %get3A_1036 = arith.constant 0 : index
    %get3A_1037 = tpu.vector_load %arg7[%get3A_1036] {strides = array<i32>} : memref<128xi32, #tpu.memory_space<vmem>>, vector<16xi32>,
    %select_n3A_1038 = arith.select %eq3A_1025, %add3A_1035, %get3A_1037 : vector<16xi1>, vector<16xi32>
    %swap3A_1039 = arith.constant 0 : index
    %swap3A_1040 = tpu.vector_load %arg7[%swap3A_1039] {strides = array<i32>} : memref<128xi32, #tpu.memory_space<vmem>>, vector<16xi32>,
    tpu.vector_store %arg7[%swap3A_1039], %select_n3A_1038 {strides = array<i32>} : memref<128xi32, #tpu.memory_space<vmem>>, vector<16xi32>,
    %reduce_sum3A_1041 = arith.constant true
    %reduce_sum3A_1042 = vector.broadcast %reduce_sum3A_1041 : i1 to vector<16xi1>
    %reduce_sum3A_1043 = tpu.scan <sum>, %convert_element_type3A_1026 masked %reduce_sum3A_1042 : vector<16xi32>, vector<16xi1> -> vector<16xi32>
    %reduce_sum3A_1044 = vector.extract %reduce_sum3A_1043[15] : i32 from vector<16xi32>
    %add3A_1045 = vector.broadcast %reduce_sum3A_1044 : i32 to vector<16xi32>
    %add3A_1046 = arith.addi %broadcast_in_dim3A_1022, %add3A_1045 : vector<16xi32>
    %eq3A_1047 = arith.constant 2 : i32
    %eq3A_1048 = vector.broadcast %eq3A_1047 : i32 to vector<16xi32>
    %eq3A_1049 = arith.cmpi eq, %select_n3A_147, %eq3A_1048 : vector<16xi32>
    %convert_element_type3A_1050 = arith.extui %eq3A_1049 : vector<16xi1> to vector<16xi32>
    %broadcast_in_dim3A_1051 = arith.constant true
    %broadcast_in_dim3A_1052 = vector.broadcast %broadcast_in_dim3A_1051 : i1 to vector<16xi1>
    %masked_cumsum3A_1053 = tpu.scan <sum>, %convert_element_type3A_1050 masked %broadcast_in_dim3A_1052 : vector<16xi32>, vector<16xi1> -> vector<16xi32>
    %sub3A_1054 = arith.subi %masked_cumsum3A_1053, %convert_element_type3A_1050 : vector<16xi32>
    %add3A_1055 = arith.addi %sub3A_1054, %add3A_1046 : vector<16xi32>
    %mul3A_1056 = arith.constant 65536 : i32
    %mul3A_1057 = vector.broadcast %mul3A_1056 : i32 to vector<16xi32>
    %mul3A_1058 = arith.muli %select_n3A_147, %mul3A_1057 : vector<16xi32>
    %add3A_1059 = arith.addi %mul3A_1058, %add3A_1055 : vector<16xi32>
    %get3A_1060 = arith.constant 16 : index
    %get3A_1061 = tpu.vector_load %arg7[%get3A_1060] {strides = array<i32>} : memref<128xi32, #tpu.memory_space<vmem>>, vector<16xi32>,
    %select_n3A_1062 = arith.select %eq3A_1049, %add3A_1059, %get3A_1061 : vector<16xi1>, vector<16xi32>
    %swap3A_1063 = arith.constant 16 : index
    %swap3A_1064 = tpu.vector_load %arg7[%swap3A_1063] {strides = array<i32>} : memref<128xi32, #tpu.memory_space<vmem>>, vector<16xi32>,
    tpu.vector_store %arg7[%swap3A_1063], %select_n3A_1062 {strides = array<i32>} : memref<128xi32, #tpu.memory_space<vmem>>, vector<16xi32>,
    %reduce_sum3A_1065 = arith.constant true
    %reduce_sum3A_1066 = vector.broadcast %reduce_sum3A_1065 : i1 to vector<16xi1>
    %reduce_sum3A_1067 = tpu.scan <sum>, %convert_element_type3A_1050 masked %reduce_sum3A_1066 : vector<16xi32>, vector<16xi1> -> vector<16xi32>
    %reduce_sum3A_1068 = vector.extract %reduce_sum3A_1067[15] : i32 from vector<16xi32>
    %add3A_1069 = vector.broadcast %reduce_sum3A_1068 : i32 to vector<16xi32>
    %add3A_1070 = arith.addi %add3A_1046, %add3A_1069 : vector<16xi32>
    %eq3A_1071 = arith.constant 2 : i32
    %eq3A_1072 = vector.broadcast %eq3A_1071 : i32 to vector<16xi32>
    %eq3A_1073 = arith.cmpi eq, %select_n3A_231, %eq3A_1072 : vector<16xi32>
    %convert_element_type3A_1074 = arith.extui %eq3A_1073 : vector<16xi1> to vector<16xi32>
    %broadcast_in_dim3A_1075 = arith.constant true
    %broadcast_in_dim3A_1076 = vector.broadcast %broadcast_in_dim3A_1075 : i1 to vector<16xi1>
    %masked_cumsum3A_1077 = tpu.scan <sum>, %convert_element_type3A_1074 masked %broadcast_in_dim3A_1076 : vector<16xi32>, vector<16xi1> -> vector<16xi32>
    %sub3A_1078 = arith.subi %masked_cumsum3A_1077, %convert_element_type3A_1074 : vector<16xi32>
    %add3A_1079 = arith.addi %sub3A_1078, %add3A_1070 : vector<16xi32>
    %mul3A_1080 = arith.constant 65536 : i32
    %mul3A_1081 = vector.broadcast %mul3A_1080 : i32 to vector<16xi32>
    %mul3A_1082 = arith.muli %select_n3A_231, %mul3A_1081 : vector<16xi32>
    %add3A_1083 = arith.addi %mul3A_1082, %add3A_1079 : vector<16xi32>
    %get3A_1084 = arith.constant 32 : index
    %get3A_1085 = tpu.vector_load %arg7[%get3A_1084] {strides = array<i32>} : memref<128xi32, #tpu.memory_space<vmem>>, vector<16xi32>,
    %select_n3A_1086 = arith.select %eq3A_1073, %add3A_1083, %get3A_1085 : vector<16xi1>, vector<16xi32>
    %swap3A_1087 = arith.constant 32 : index
    %swap3A_1088 = tpu.vector_load %arg7[%swap3A_1087] {strides = array<i32>} : memref<128xi32, #tpu.memory_space<vmem>>, vector<16xi32>,
    tpu.vector_store %arg7[%swap3A_1087], %select_n3A_1086 {strides = array<i32>} : memref<128xi32, #tpu.memory_space<vmem>>, vector<16xi32>,
    %reduce_sum3A_1089 = arith.constant true
    %reduce_sum3A_1090 = vector.broadcast %reduce_sum3A_1089 : i1 to vector<16xi1>
    %reduce_sum3A_1091 = tpu.scan <sum>, %convert_element_type3A_1074 masked %reduce_sum3A_1090 : vector<16xi32>, vector<16xi1> -> vector<16xi32>
    %reduce_sum3A_1092 = vector.extract %reduce_sum3A_1091[15] : i32 from vector<16xi32>
    %add3A_1093 = vector.broadcast %reduce_sum3A_1092 : i32 to vector<16xi32>
    %add3A_1094 = arith.addi %add3A_1070, %add3A_1093 : vector<16xi32>
    %eq3A_1095 = arith.constant 2 : i32
    %eq3A_1096 = vector.broadcast %eq3A_1095 : i32 to vector<16xi32>
    %eq3A_1097 = arith.cmpi eq, %select_n3A_315, %eq3A_1096 : vector<16xi32>
    %convert_element_type3A_1098 = arith.extui %eq3A_1097 : vector<16xi1> to vector<16xi32>
    %broadcast_in_dim3A_1099 = arith.constant true
    %broadcast_in_dim3A_1100 = vector.broadcast %broadcast_in_dim3A_1099 : i1 to vector<16xi1>
    %masked_cumsum3A_1101 = tpu.scan <sum>, %convert_element_type3A_1098 masked %broadcast_in_dim3A_1100 : vector<16xi32>, vector<16xi1> -> vector<16xi32>
    %sub3A_1102 = arith.subi %masked_cumsum3A_1101, %convert_element_type3A_1098 : vector<16xi32>
    %add3A_1103 = arith.addi %sub3A_1102, %add3A_1094 : vector<16xi32>
    %mul3A_1104 = arith.constant 65536 : i32
    %mul3A_1105 = vector.broadcast %mul3A_1104 : i32 to vector<16xi32>
    %mul3A_1106 = arith.muli %select_n3A_315, %mul3A_1105 : vector<16xi32>
    %add3A_1107 = arith.addi %mul3A_1106, %add3A_1103 : vector<16xi32>
    %get3A_1108 = arith.constant 48 : index
    %get3A_1109 = tpu.vector_load %arg7[%get3A_1108] {strides = array<i32>} : memref<128xi32, #tpu.memory_space<vmem>>, vector<16xi32>,
    %select_n3A_1110 = arith.select %eq3A_1097, %add3A_1107, %get3A_1109 : vector<16xi1>, vector<16xi32>
    %swap3A_1111 = arith.constant 48 : index
    %swap3A_1112 = tpu.vector_load %arg7[%swap3A_1111] {strides = array<i32>} : memref<128xi32, #tpu.memory_space<vmem>>, vector<16xi32>,
    tpu.vector_store %arg7[%swap3A_1111], %select_n3A_1110 {strides = array<i32>} : memref<128xi32, #tpu.memory_space<vmem>>, vector<16xi32>,
    %reduce_sum3A_1113 = arith.constant true
    %reduce_sum3A_1114 = vector.broadcast %reduce_sum3A_1113 : i1 to vector<16xi1>
    %reduce_sum3A_1115 = tpu.scan <sum>, %convert_element_type3A_1098 masked %reduce_sum3A_1114 : vector<16xi32>, vector<16xi1> -> vector<16xi32>
    %reduce_sum3A_1116 = vector.extract %reduce_sum3A_1115[15] : i32 from vector<16xi32>
    %add3A_1117 = vector.broadcast %reduce_sum3A_1116 : i32 to vector<16xi32>
    %add3A_1118 = arith.addi %add3A_1094, %add3A_1117 : vector<16xi32>
    %eq3A_1119 = arith.constant 2 : i32
    %eq3A_1120 = vector.broadcast %eq3A_1119 : i32 to vector<16xi32>
    %eq3A_1121 = arith.cmpi eq, %select_n3A_399, %eq3A_1120 : vector<16xi32>
    %convert_element_type3A_1122 = arith.extui %eq3A_1121 : vector<16xi1> to vector<16xi32>
    %broadcast_in_dim3A_1123 = arith.constant true
    %broadcast_in_dim3A_1124 = vector.broadcast %broadcast_in_dim3A_1123 : i1 to vector<16xi1>
    %masked_cumsum3A_1125 = tpu.scan <sum>, %convert_element_type3A_1122 masked %broadcast_in_dim3A_1124 : vector<16xi32>, vector<16xi1> -> vector<16xi32>
    %sub3A_1126 = arith.subi %masked_cumsum3A_1125, %convert_element_type3A_1122 : vector<16xi32>
    %add3A_1127 = arith.addi %sub3A_1126, %add3A_1118 : vector<16xi32>
    %mul3A_1128 = arith.constant 65536 : i32
    %mul3A_1129 = vector.broadcast %mul3A_1128 : i32 to vector<16xi32>
    %mul3A_1130 = arith.muli %select_n3A_399, %mul3A_1129 : vector<16xi32>
    %add3A_1131 = arith.addi %mul3A_1130, %add3A_1127 : vector<16xi32>
    %get3A_1132 = arith.constant 64 : index
    %get3A_1133 = tpu.vector_load %arg7[%get3A_1132] {strides = array<i32>} : memref<128xi32, #tpu.memory_space<vmem>>, vector<16xi32>,
    %select_n3A_1134 = arith.select %eq3A_1121, %add3A_1131, %get3A_1133 : vector<16xi1>, vector<16xi32>
    %swap3A_1135 = arith.constant 64 : index
    %swap3A_1136 = tpu.vector_load %arg7[%swap3A_1135] {strides = array<i32>} : memref<128xi32, #tpu.memory_space<vmem>>, vector<16xi32>,
    tpu.vector_store %arg7[%swap3A_1135], %select_n3A_1134 {strides = array<i32>} : memref<128xi32, #tpu.memory_space<vmem>>, vector<16xi32>,
    %reduce_sum3A_1137 = arith.constant true
    %reduce_sum3A_1138 = vector.broadcast %reduce_sum3A_1137 : i1 to vector<16xi1>
    %reduce_sum3A_1139 = tpu.scan <sum>, %convert_element_type3A_1122 masked %reduce_sum3A_1138 : vector<16xi32>, vector<16xi1> -> vector<16xi32>
    %reduce_sum3A_1140 = vector.extract %reduce_sum3A_1139[15] : i32 from vector<16xi32>
    %add3A_1141 = vector.broadcast %reduce_sum3A_1140 : i32 to vector<16xi32>
    %add3A_1142 = arith.addi %add3A_1118, %add3A_1141 : vector<16xi32>
    %eq3A_1143 = arith.constant 2 : i32
    %eq3A_1144 = vector.broadcast %eq3A_1143 : i32 to vector<16xi32>
    %eq3A_1145 = arith.cmpi eq, %select_n3A_483, %eq3A_1144 : vector<16xi32>
    %convert_element_type3A_1146 = arith.extui %eq3A_1145 : vector<16xi1> to vector<16xi32>
    %broadcast_in_dim3A_1147 = arith.constant true
    %broadcast_in_dim3A_1148 = vector.broadcast %broadcast_in_dim3A_1147 : i1 to vector<16xi1>
    %masked_cumsum3A_1149 = tpu.scan <sum>, %convert_element_type3A_1146 masked %broadcast_in_dim3A_1148 : vector<16xi32>, vector<16xi1> -> vector<16xi32>
    %sub3A_1150 = arith.subi %masked_cumsum3A_1149, %convert_element_type3A_1146 : vector<16xi32>
    %add3A_1151 = arith.addi %sub3A_1150, %add3A_1142 : vector<16xi32>
    %mul3A_1152 = arith.constant 65536 : i32
    %mul3A_1153 = vector.broadcast %mul3A_1152 : i32 to vector<16xi32>
    %mul3A_1154 = arith.muli %select_n3A_483, %mul3A_1153 : vector<16xi32>
    %add3A_1155 = arith.addi %mul3A_1154, %add3A_1151 : vector<16xi32>
    %get3A_1156 = arith.constant 80 : index
    %get3A_1157 = tpu.vector_load %arg7[%get3A_1156] {strides = array<i32>} : memref<128xi32, #tpu.memory_space<vmem>>, vector<16xi32>,
    %select_n3A_1158 = arith.select %eq3A_1145, %add3A_1155, %get3A_1157 : vector<16xi1>, vector<16xi32>
    %swap3A_1159 = arith.constant 80 : index
    %swap3A_1160 = tpu.vector_load %arg7[%swap3A_1159] {strides = array<i32>} : memref<128xi32, #tpu.memory_space<vmem>>, vector<16xi32>,
    tpu.vector_store %arg7[%swap3A_1159], %select_n3A_1158 {strides = array<i32>} : memref<128xi32, #tpu.memory_space<vmem>>, vector<16xi32>,
    %reduce_sum3A_1161 = arith.constant true
    %reduce_sum3A_1162 = vector.broadcast %reduce_sum3A_1161 : i1 to vector<16xi1>
    %reduce_sum3A_1163 = tpu.scan <sum>, %convert_element_type3A_1146 masked %reduce_sum3A_1162 : vector<16xi32>, vector<16xi1> -> vector<16xi32>
    %reduce_sum3A_1164 = vector.extract %reduce_sum3A_1163[15] : i32 from vector<16xi32>
    %add3A_1165 = vector.broadcast %reduce_sum3A_1164 : i32 to vector<16xi32>
    %add3A_1166 = arith.addi %add3A_1142, %add3A_1165 : vector<16xi32>
    %eq3A_1167 = arith.constant 2 : i32
    %eq3A_1168 = vector.broadcast %eq3A_1167 : i32 to vector<16xi32>
    %eq3A_1169 = arith.cmpi eq, %select_n3A_567, %eq3A_1168 : vector<16xi32>
    %convert_element_type3A_1170 = arith.extui %eq3A_1169 : vector<16xi1> to vector<16xi32>
    %broadcast_in_dim3A_1171 = arith.constant true
    %broadcast_in_dim3A_1172 = vector.broadcast %broadcast_in_dim3A_1171 : i1 to vector<16xi1>
    %masked_cumsum3A_1173 = tpu.scan <sum>, %convert_element_type3A_1170 masked %broadcast_in_dim3A_1172 : vector<16xi32>, vector<16xi1> -> vector<16xi32>
    %sub3A_1174 = arith.subi %masked_cumsum3A_1173, %convert_element_type3A_1170 : vector<16xi32>
    %add3A_1175 = arith.addi %sub3A_1174, %add3A_1166 : vector<16xi32>
    %mul3A_1176 = arith.constant 65536 : i32
    %mul3A_1177 = vector.broadcast %mul3A_1176 : i32 to vector<16xi32>
    %mul3A_1178 = arith.muli %select_n3A_567, %mul3A_1177 : vector<16xi32>
    %add3A_1179 = arith.addi %mul3A_1178, %add3A_1175 : vector<16xi32>
    %get3A_1180 = arith.constant 96 : index
    %get3A_1181 = tpu.vector_load %arg7[%get3A_1180] {strides = array<i32>} : memref<128xi32, #tpu.memory_space<vmem>>, vector<16xi32>,
    %select_n3A_1182 = arith.select %eq3A_1169, %add3A_1179, %get3A_1181 : vector<16xi1>, vector<16xi32>
    %swap3A_1183 = arith.constant 96 : index
    %swap3A_1184 = tpu.vector_load %arg7[%swap3A_1183] {strides = array<i32>} : memref<128xi32, #tpu.memory_space<vmem>>, vector<16xi32>,
    tpu.vector_store %arg7[%swap3A_1183], %select_n3A_1182 {strides = array<i32>} : memref<128xi32, #tpu.memory_space<vmem>>, vector<16xi32>,
    %reduce_sum3A_1185 = arith.constant true
    %reduce_sum3A_1186 = vector.broadcast %reduce_sum3A_1185 : i1 to vector<16xi1>
    %reduce_sum3A_1187 = tpu.scan <sum>, %convert_element_type3A_1170 masked %reduce_sum3A_1186 : vector<16xi32>, vector<16xi1> -> vector<16xi32>
    %reduce_sum3A_1188 = vector.extract %reduce_sum3A_1187[15] : i32 from vector<16xi32>
    %add3A_1189 = vector.broadcast %reduce_sum3A_1188 : i32 to vector<16xi32>
    %add3A_1190 = arith.addi %add3A_1166, %add3A_1189 : vector<16xi32>
    %eq3A_1191 = arith.constant 2 : i32
    %eq3A_1192 = vector.broadcast %eq3A_1191 : i32 to vector<16xi32>
    %eq3A_1193 = arith.cmpi eq, %select_n3A_651, %eq3A_1192 : vector<16xi32>
    %convert_element_type3A_1194 = arith.extui %eq3A_1193 : vector<16xi1> to vector<16xi32>
    %broadcast_in_dim3A_1195 = arith.constant true
    %broadcast_in_dim3A_1196 = vector.broadcast %broadcast_in_dim3A_1195 : i1 to vector<16xi1>
    %masked_cumsum3A_1197 = tpu.scan <sum>, %convert_element_type3A_1194 masked %broadcast_in_dim3A_1196 : vector<16xi32>, vector<16xi1> -> vector<16xi32>
    %sub3A_1198 = arith.subi %masked_cumsum3A_1197, %convert_element_type3A_1194 : vector<16xi32>
    %add3A_1199 = arith.addi %sub3A_1198, %add3A_1190 : vector<16xi32>
    %mul3A_1200 = arith.constant 65536 : i32
    %mul3A_1201 = vector.broadcast %mul3A_1200 : i32 to vector<16xi32>
    %mul3A_1202 = arith.muli %select_n3A_651, %mul3A_1201 : vector<16xi32>
    %add3A_1203 = arith.addi %mul3A_1202, %add3A_1199 : vector<16xi32>
    %get3A_1204 = arith.constant 112 : index
    %get3A_1205 = tpu.vector_load %arg7[%get3A_1204] {strides = array<i32>} : memref<128xi32, #tpu.memory_space<vmem>>, vector<16xi32>,
    %select_n3A_1206 = arith.select %eq3A_1193, %add3A_1203, %get3A_1205 : vector<16xi1>, vector<16xi32>
    %swap3A_1207 = arith.constant 112 : index
    %swap3A_1208 = tpu.vector_load %arg7[%swap3A_1207] {strides = array<i32>} : memref<128xi32, #tpu.memory_space<vmem>>, vector<16xi32>,
    tpu.vector_store %arg7[%swap3A_1207], %select_n3A_1206 {strides = array<i32>} : memref<128xi32, #tpu.memory_space<vmem>>, vector<16xi32>,
    %reduce_sum3A_1209 = arith.constant true
    %reduce_sum3A_1210 = vector.broadcast %reduce_sum3A_1209 : i1 to vector<16xi1>
    %reduce_sum3A_1211 = tpu.scan <sum>, %convert_element_type3A_1194 masked %reduce_sum3A_1210 : vector<16xi32>, vector<16xi1> -> vector<16xi32>
    %reduce_sum3A_1212 = vector.extract %reduce_sum3A_1211[15] : i32 from vector<16xi32>
    %add3A_1213 = vector.broadcast %reduce_sum3A_1212 : i32 to vector<16xi32>
    %add3A_1214 = arith.addi %add3A_1190, %add3A_1213 : vector<16xi32>
    %eq3A_1215 = arith.constant 2 : i32
    %eq3A_1216 = vector.broadcast %eq3A_1215 : i32 to vector<16xi32>
    %eq3A_1217 = arith.cmpi eq, %iota3A, %eq3A_1216 : vector<16xi32>
    %select_n3A_1218 = arith.select %eq3A_1217, %add3A_1214, %select_n3A_1020 : vector<16xi1>, vector<16xi32>
    %broadcast_in_dim3A_1219 = arith.constant 0 : i32
    %broadcast_in_dim3A_1220 = vector.broadcast %broadcast_in_dim3A_1219 : i32 to vector<16xi32>
    %eq3A_1221 = arith.constant 3 : i32
    %eq3A_1222 = vector.broadcast %eq3A_1221 : i32 to vector<16xi32>
    %eq3A_1223 = arith.cmpi eq, %select_n3A_67, %eq3A_1222 : vector<16xi32>
    %convert_element_type3A_1224 = arith.extui %eq3A_1223 : vector<16xi1> to vector<16xi32>
    %broadcast_in_dim3A_1225 = arith.constant true
    %broadcast_in_dim3A_1226 = vector.broadcast %broadcast_in_dim3A_1225 : i1 to vector<16xi1>
    %masked_cumsum3A_1227 = tpu.scan <sum>, %convert_element_type3A_1224 masked %broadcast_in_dim3A_1226 : vector<16xi32>, vector<16xi1> -> vector<16xi32>
    %sub3A_1228 = arith.subi %masked_cumsum3A_1227, %convert_element_type3A_1224 : vector<16xi32>
    %add3A_1229 = arith.addi %sub3A_1228, %broadcast_in_dim3A_1220 : vector<16xi32>
    %mul3A_1230 = arith.constant 65536 : i32
    %mul3A_1231 = vector.broadcast %mul3A_1230 : i32 to vector<16xi32>
    %mul3A_1232 = arith.muli %select_n3A_67, %mul3A_1231 : vector<16xi32>
    %add3A_1233 = arith.addi %mul3A_1232, %add3A_1229 : vector<16xi32>
    %get3A_1234 = arith.constant 0 : index
    %get3A_1235 = tpu.vector_load %arg7[%get3A_1234] {strides = array<i32>} : memref<128xi32, #tpu.memory_space<vmem>>, vector<16xi32>,
    %select_n3A_1236 = arith.select %eq3A_1223, %add3A_1233, %get3A_1235 : vector<16xi1>, vector<16xi32>
    %swap3A_1237 = arith.constant 0 : index
    %swap3A_1238 = tpu.vector_load %arg7[%swap3A_1237] {strides = array<i32>} : memref<128xi32, #tpu.memory_space<vmem>>, vector<16xi32>,
    tpu.vector_store %arg7[%swap3A_1237], %select_n3A_1236 {strides = array<i32>} : memref<128xi32, #tpu.memory_space<vmem>>, vector<16xi32>,
    %reduce_sum3A_1239 = arith.constant true
    %reduce_sum3A_1240 = vector.broadcast %reduce_sum3A_1239 : i1 to vector<16xi1>
    %reduce_sum3A_1241 = tpu.scan <sum>, %convert_element_type3A_1224 masked %reduce_sum3A_1240 : vector<16xi32>, vector<16xi1> -> vector<16xi32>
    %reduce_sum3A_1242 = vector.extract %reduce_sum3A_1241[15] : i32 from vector<16xi32>
    %add3A_1243 = vector.broadcast %reduce_sum3A_1242 : i32 to vector<16xi32>
    %add3A_1244 = arith.addi %broadcast_in_dim3A_1220, %add3A_1243 : vector<16xi32>
    %eq3A_1245 = arith.constant 3 : i32
    %eq3A_1246 = vector.broadcast %eq3A_1245 : i32 to vector<16xi32>
    %eq3A_1247 = arith.cmpi eq, %select_n3A_147, %eq3A_1246 : vector<16xi32>
    %convert_element_type3A_1248 = arith.extui %eq3A_1247 : vector<16xi1> to vector<16xi32>
    %broadcast_in_dim3A_1249 = arith.constant true
    %broadcast_in_dim3A_1250 = vector.broadcast %broadcast_in_dim3A_1249 : i1 to vector<16xi1>
    %masked_cumsum3A_1251 = tpu.scan <sum>, %convert_element_type3A_1248 masked %broadcast_in_dim3A_1250 : vector<16xi32>, vector<16xi1> -> vector<16xi32>
    %sub3A_1252 = arith.subi %masked_cumsum3A_1251, %convert_element_type3A_1248 : vector<16xi32>
    %add3A_1253 = arith.addi %sub3A_1252, %add3A_1244 : vector<16xi32>
    %mul3A_1254 = arith.constant 65536 : i32
    %mul3A_1255 = vector.broadcast %mul3A_1254 : i32 to vector<16xi32>
    %mul3A_1256 = arith.muli %select_n3A_147, %mul3A_1255 : vector<16xi32>
    %add3A_1257 = arith.addi %mul3A_1256, %add3A_1253 : vector<16xi32>
    %get3A_1258 = arith.constant 16 : index
    %get3A_1259 = tpu.vector_load %arg7[%get3A_1258] {strides = array<i32>} : memref<128xi32, #tpu.memory_space<vmem>>, vector<16xi32>,
    %select_n3A_1260 = arith.select %eq3A_1247, %add3A_1257, %get3A_1259 : vector<16xi1>, vector<16xi32>
    %swap3A_1261 = arith.constant 16 : index
    %swap3A_1262 = tpu.vector_load %arg7[%swap3A_1261] {strides = array<i32>} : memref<128xi32, #tpu.memory_space<vmem>>, vector<16xi32>,
    tpu.vector_store %arg7[%swap3A_1261], %select_n3A_1260 {strides = array<i32>} : memref<128xi32, #tpu.memory_space<vmem>>, vector<16xi32>,
    %reduce_sum3A_1263 = arith.constant true
    %reduce_sum3A_1264 = vector.broadcast %reduce_sum3A_1263 : i1 to vector<16xi1>
    %reduce_sum3A_1265 = tpu.scan <sum>, %convert_element_type3A_1248 masked %reduce_sum3A_1264 : vector<16xi32>, vector<16xi1> -> vector<16xi32>
    %reduce_sum3A_1266 = vector.extract %reduce_sum3A_1265[15] : i32 from vector<16xi32>
    %add3A_1267 = vector.broadcast %reduce_sum3A_1266 : i32 to vector<16xi32>
    %add3A_1268 = arith.addi %add3A_1244, %add3A_1267 : vector<16xi32>
    %eq3A_1269 = arith.constant 3 : i32
    %eq3A_1270 = vector.broadcast %eq3A_1269 : i32 to vector<16xi32>
    %eq3A_1271 = arith.cmpi eq, %select_n3A_231, %eq3A_1270 : vector<16xi32>
    %convert_element_type3A_1272 = arith.extui %eq3A_1271 : vector<16xi1> to vector<16xi32>
    %broadcast_in_dim3A_1273 = arith.constant true
    %broadcast_in_dim3A_1274 = vector.broadcast %broadcast_in_dim3A_1273 : i1 to vector<16xi1>
    %masked_cumsum3A_1275 = tpu.scan <sum>, %convert_element_type3A_1272 masked %broadcast_in_dim3A_1274 : vector<16xi32>, vector<16xi1> -> vector<16xi32>
    %sub3A_1276 = arith.subi %masked_cumsum3A_1275, %convert_element_type3A_1272 : vector<16xi32>
    %add3A_1277 = arith.addi %sub3A_1276, %add3A_1268 : vector<16xi32>
    %mul3A_1278 = arith.constant 65536 : i32
    %mul3A_1279 = vector.broadcast %mul3A_1278 : i32 to vector<16xi32>
    %mul3A_1280 = arith.muli %select_n3A_231, %mul3A_1279 : vector<16xi32>
    %add3A_1281 = arith.addi %mul3A_1280, %add3A_1277 : vector<16xi32>
    %get3A_1282 = arith.constant 32 : index
    %get3A_1283 = tpu.vector_load %arg7[%get3A_1282] {strides = array<i32>} : memref<128xi32, #tpu.memory_space<vmem>>, vector<16xi32>,
    %select_n3A_1284 = arith.select %eq3A_1271, %add3A_1281, %get3A_1283 : vector<16xi1>, vector<16xi32>
    %swap3A_1285 = arith.constant 32 : index
    %swap3A_1286 = tpu.vector_load %arg7[%swap3A_1285] {strides = array<i32>} : memref<128xi32, #tpu.memory_space<vmem>>, vector<16xi32>,
    tpu.vector_store %arg7[%swap3A_1285], %select_n3A_1284 {strides = array<i32>} : memref<128xi32, #tpu.memory_space<vmem>>, vector<16xi32>,
    %reduce_sum3A_1287 = arith.constant true
    %reduce_sum3A_1288 = vector.broadcast %reduce_sum3A_1287 : i1 to vector<16xi1>
    %reduce_sum3A_1289 = tpu.scan <sum>, %convert_element_type3A_1272 masked %reduce_sum3A_1288 : vector<16xi32>, vector<16xi1> -> vector<16xi32>
    %reduce_sum3A_1290 = vector.extract %reduce_sum3A_1289[15] : i32 from vector<16xi32>
    %add3A_1291 = vector.broadcast %reduce_sum3A_1290 : i32 to vector<16xi32>
    %add3A_1292 = arith.addi %add3A_1268, %add3A_1291 : vector<16xi32>
    %eq3A_1293 = arith.constant 3 : i32
    %eq3A_1294 = vector.broadcast %eq3A_1293 : i32 to vector<16xi32>
    %eq3A_1295 = arith.cmpi eq, %select_n3A_315, %eq3A_1294 : vector<16xi32>
    %convert_element_type3A_1296 = arith.extui %eq3A_1295 : vector<16xi1> to vector<16xi32>
    %broadcast_in_dim3A_1297 = arith.constant true
    %broadcast_in_dim3A_1298 = vector.broadcast %broadcast_in_dim3A_1297 : i1 to vector<16xi1>
    %masked_cumsum3A_1299 = tpu.scan <sum>, %convert_element_type3A_1296 masked %broadcast_in_dim3A_1298 : vector<16xi32>, vector<16xi1> -> vector<16xi32>
    %sub3A_1300 = arith.subi %masked_cumsum3A_1299, %convert_element_type3A_1296 : vector<16xi32>
    %add3A_1301 = arith.addi %sub3A_1300, %add3A_1292 : vector<16xi32>
    %mul3A_1302 = arith.constant 65536 : i32
    %mul3A_1303 = vector.broadcast %mul3A_1302 : i32 to vector<16xi32>
    %mul3A_1304 = arith.muli %select_n3A_315, %mul3A_1303 : vector<16xi32>
    %add3A_1305 = arith.addi %mul3A_1304, %add3A_1301 : vector<16xi32>
    %get3A_1306 = arith.constant 48 : index
    %get3A_1307 = tpu.vector_load %arg7[%get3A_1306] {strides = array<i32>} : memref<128xi32, #tpu.memory_space<vmem>>, vector<16xi32>,
    %select_n3A_1308 = arith.select %eq3A_1295, %add3A_1305, %get3A_1307 : vector<16xi1>, vector<16xi32>
    %swap3A_1309 = arith.constant 48 : index
    %swap3A_1310 = tpu.vector_load %arg7[%swap3A_1309] {strides = array<i32>} : memref<128xi32, #tpu.memory_space<vmem>>, vector<16xi32>,
    tpu.vector_store %arg7[%swap3A_1309], %select_n3A_1308 {strides = array<i32>} : memref<128xi32, #tpu.memory_space<vmem>>, vector<16xi32>,
    %reduce_sum3A_1311 = arith.constant true
    %reduce_sum3A_1312 = vector.broadcast %reduce_sum3A_1311 : i1 to vector<16xi1>
    %reduce_sum3A_1313 = tpu.scan <sum>, %convert_element_type3A_1296 masked %reduce_sum3A_1312 : vector<16xi32>, vector<16xi1> -> vector<16xi32>
    %reduce_sum3A_1314 = vector.extract %reduce_sum3A_1313[15] : i32 from vector<16xi32>
    %add3A_1315 = vector.broadcast %reduce_sum3A_1314 : i32 to vector<16xi32>
    %add3A_1316 = arith.addi %add3A_1292, %add3A_1315 : vector<16xi32>
    %eq3A_1317 = arith.constant 3 : i32
    %eq3A_1318 = vector.broadcast %eq3A_1317 : i32 to vector<16xi32>
    %eq3A_1319 = arith.cmpi eq, %select_n3A_399, %eq3A_1318 : vector<16xi32>
    %convert_element_type3A_1320 = arith.extui %eq3A_1319 : vector<16xi1> to vector<16xi32>
    %broadcast_in_dim3A_1321 = arith.constant true
    %broadcast_in_dim3A_1322 = vector.broadcast %broadcast_in_dim3A_1321 : i1 to vector<16xi1>
    %masked_cumsum3A_1323 = tpu.scan <sum>, %convert_element_type3A_1320 masked %broadcast_in_dim3A_1322 : vector<16xi32>, vector<16xi1> -> vector<16xi32>
    %sub3A_1324 = arith.subi %masked_cumsum3A_1323, %convert_element_type3A_1320 : vector<16xi32>
    %add3A_1325 = arith.addi %sub3A_1324, %add3A_1316 : vector<16xi32>
    %mul3A_1326 = arith.constant 65536 : i32
    %mul3A_1327 = vector.broadcast %mul3A_1326 : i32 to vector<16xi32>
    %mul3A_1328 = arith.muli %select_n3A_399, %mul3A_1327 : vector<16xi32>
    %add3A_1329 = arith.addi %mul3A_1328, %add3A_1325 : vector<16xi32>
    %get3A_1330 = arith.constant 64 : index
    %get3A_1331 = tpu.vector_load %arg7[%get3A_1330] {strides = array<i32>} : memref<128xi32, #tpu.memory_space<vmem>>, vector<16xi32>,
    %select_n3A_1332 = arith.select %eq3A_1319, %add3A_1329, %get3A_1331 : vector<16xi1>, vector<16xi32>
    %swap3A_1333 = arith.constant 64 : index
    %swap3A_1334 = tpu.vector_load %arg7[%swap3A_1333] {strides = array<i32>} : memref<128xi32, #tpu.memory_space<vmem>>, vector<16xi32>,
    tpu.vector_store %arg7[%swap3A_1333], %select_n3A_1332 {strides = array<i32>} : memref<128xi32, #tpu.memory_space<vmem>>, vector<16xi32>,
    %reduce_sum3A_1335 = arith.constant true
    %reduce_sum3A_1336 = vector.broadcast %reduce_sum3A_1335 : i1 to vector<16xi1>
    %reduce_sum3A_1337 = tpu.scan <sum>, %convert_element_type3A_1320 masked %reduce_sum3A_1336 : vector<16xi32>, vector<16xi1> -> vector<16xi32>
    %reduce_sum3A_1338 = vector.extract %reduce_sum3A_1337[15] : i32 from vector<16xi32>
    %add3A_1339 = vector.broadcast %reduce_sum3A_1338 : i32 to vector<16xi32>
    %add3A_1340 = arith.addi %add3A_1316, %add3A_1339 : vector<16xi32>
    %eq3A_1341 = arith.constant 3 : i32
    %eq3A_1342 = vector.broadcast %eq3A_1341 : i32 to vector<16xi32>
    %eq3A_1343 = arith.cmpi eq, %select_n3A_483, %eq3A_1342 : vector<16xi32>
    %convert_element_type3A_1344 = arith.extui %eq3A_1343 : vector<16xi1> to vector<16xi32>
    %broadcast_in_dim3A_1345 = arith.constant true
    %broadcast_in_dim3A_1346 = vector.broadcast %broadcast_in_dim3A_1345 : i1 to vector<16xi1>
    %masked_cumsum3A_1347 = tpu.scan <sum>, %convert_element_type3A_1344 masked %broadcast_in_dim3A_1346 : vector<16xi32>, vector<16xi1> -> vector<16xi32>
    %sub3A_1348 = arith.subi %masked_cumsum3A_1347, %convert_element_type3A_1344 : vector<16xi32>
    %add3A_1349 = arith.addi %sub3A_1348, %add3A_1340 : vector<16xi32>
    %mul3A_1350 = arith.constant 65536 : i32
    %mul3A_1351 = vector.broadcast %mul3A_1350 : i32 to vector<16xi32>
    %mul3A_1352 = arith.muli %select_n3A_483, %mul3A_1351 : vector<16xi32>
    %add3A_1353 = arith.addi %mul3A_1352, %add3A_1349 : vector<16xi32>
    %get3A_1354 = arith.constant 80 : index
    %get3A_1355 = tpu.vector_load %arg7[%get3A_1354] {strides = array<i32>} : memref<128xi32, #tpu.memory_space<vmem>>, vector<16xi32>,
    %select_n3A_1356 = arith.select %eq3A_1343, %add3A_1353, %get3A_1355 : vector<16xi1>, vector<16xi32>
    %swap3A_1357 = arith.constant 80 : index
    %swap3A_1358 = tpu.vector_load %arg7[%swap3A_1357] {strides = array<i32>} : memref<128xi32, #tpu.memory_space<vmem>>, vector<16xi32>,
    tpu.vector_store %arg7[%swap3A_1357], %select_n3A_1356 {strides = array<i32>} : memref<128xi32, #tpu.memory_space<vmem>>, vector<16xi32>,
    %reduce_sum3A_1359 = arith.constant true
    %reduce_sum3A_1360 = vector.broadcast %reduce_sum3A_1359 : i1 to vector<16xi1>
    %reduce_sum3A_1361 = tpu.scan <sum>, %convert_element_type3A_1344 masked %reduce_sum3A_1360 : vector<16xi32>, vector<16xi1> -> vector<16xi32>
    %reduce_sum3A_1362 = vector.extract %reduce_sum3A_1361[15] : i32 from vector<16xi32>
    %add3A_1363 = vector.broadcast %reduce_sum3A_1362 : i32 to vector<16xi32>
    %add3A_1364 = arith.addi %add3A_1340, %add3A_1363 : vector<16xi32>
    %eq3A_1365 = arith.constant 3 : i32
    %eq3A_1366 = vector.broadcast %eq3A_1365 : i32 to vector<16xi32>
    %eq3A_1367 = arith.cmpi eq, %select_n3A_567, %eq3A_1366 : vector<16xi32>
    %convert_element_type3A_1368 = arith.extui %eq3A_1367 : vector<16xi1> to vector<16xi32>
    %broadcast_in_dim3A_1369 = arith.constant true
    %broadcast_in_dim3A_1370 = vector.broadcast %broadcast_in_dim3A_1369 : i1 to vector<16xi1>
    %masked_cumsum3A_1371 = tpu.scan <sum>, %convert_element_type3A_1368 masked %broadcast_in_dim3A_1370 : vector<16xi32>, vector<16xi1> -> vector<16xi32>
    %sub3A_1372 = arith.subi %masked_cumsum3A_1371, %convert_element_type3A_1368 : vector<16xi32>
    %add3A_1373 = arith.addi %sub3A_1372, %add3A_1364 : vector<16xi32>
    %mul3A_1374 = arith.constant 65536 : i32
    %mul3A_1375 = vector.broadcast %mul3A_1374 : i32 to vector<16xi32>
    %mul3A_1376 = arith.muli %select_n3A_567, %mul3A_1375 : vector<16xi32>
    %add3A_1377 = arith.addi %mul3A_1376, %add3A_1373 : vector<16xi32>
    %get3A_1378 = arith.constant 96 : index
    %get3A_1379 = tpu.vector_load %arg7[%get3A_1378] {strides = array<i32>} : memref<128xi32, #tpu.memory_space<vmem>>, vector<16xi32>,
    %select_n3A_1380 = arith.select %eq3A_1367, %add3A_1377, %get3A_1379 : vector<16xi1>, vector<16xi32>
    %swap3A_1381 = arith.constant 96 : index
    %swap3A_1382 = tpu.vector_load %arg7[%swap3A_1381] {strides = array<i32>} : memref<128xi32, #tpu.memory_space<vmem>>, vector<16xi32>,
    tpu.vector_store %arg7[%swap3A_1381], %select_n3A_1380 {strides = array<i32>} : memref<128xi32, #tpu.memory_space<vmem>>, vector<16xi32>,
    %reduce_sum3A_1383 = arith.constant true
    %reduce_sum3A_1384 = vector.broadcast %reduce_sum3A_1383 : i1 to vector<16xi1>
    %reduce_sum3A_1385 = tpu.scan <sum>, %convert_element_type3A_1368 masked %reduce_sum3A_1384 : vector<16xi32>, vector<16xi1> -> vector<16xi32>
    %reduce_sum3A_1386 = vector.extract %reduce_sum3A_1385[15] : i32 from vector<16xi32>
    %add3A_1387 = vector.broadcast %reduce_sum3A_1386 : i32 to vector<16xi32>
    %add3A_1388 = arith.addi %add3A_1364, %add3A_1387 : vector<16xi32>
    %eq3A_1389 = arith.constant 3 : i32
    %eq3A_1390 = vector.broadcast %eq3A_1389 : i32 to vector<16xi32>
    %eq3A_1391 = arith.cmpi eq, %select_n3A_651, %eq3A_1390 : vector<16xi32>
    %convert_element_type3A_1392 = arith.extui %eq3A_1391 : vector<16xi1> to vector<16xi32>
    %broadcast_in_dim3A_1393 = arith.constant true
    %broadcast_in_dim3A_1394 = vector.broadcast %broadcast_in_dim3A_1393 : i1 to vector<16xi1>
    %masked_cumsum3A_1395 = tpu.scan <sum>, %convert_element_type3A_1392 masked %broadcast_in_dim3A_1394 : vector<16xi32>, vector<16xi1> -> vector<16xi32>
    %sub3A_1396 = arith.subi %masked_cumsum3A_1395, %convert_element_type3A_1392 : vector<16xi32>
    %add3A_1397 = arith.addi %sub3A_1396, %add3A_1388 : vector<16xi32>
    %mul3A_1398 = arith.constant 65536 : i32
    %mul3A_1399 = vector.broadcast %mul3A_1398 : i32 to vector<16xi32>
    %mul3A_1400 = arith.muli %select_n3A_651, %mul3A_1399 : vector<16xi32>
    %add3A_1401 = arith.addi %mul3A_1400, %add3A_1397 : vector<16xi32>
    %get3A_1402 = arith.constant 112 : index
    %get3A_1403 = tpu.vector_load %arg7[%get3A_1402] {strides = array<i32>} : memref<128xi32, #tpu.memory_space<vmem>>, vector<16xi32>,
    %select_n3A_1404 = arith.select %eq3A_1391, %add3A_1401, %get3A_1403 : vector<16xi1>, vector<16xi32>
    %swap3A_1405 = arith.constant 112 : index
    %swap3A_1406 = tpu.vector_load %arg7[%swap3A_1405] {strides = array<i32>} : memref<128xi32, #tpu.memory_space<vmem>>, vector<16xi32>,
    tpu.vector_store %arg7[%swap3A_1405], %select_n3A_1404 {strides = array<i32>} : memref<128xi32, #tpu.memory_space<vmem>>, vector<16xi32>,
    %reduce_sum3A_1407 = arith.constant true
    %reduce_sum3A_1408 = vector.broadcast %reduce_sum3A_1407 : i1 to vector<16xi1>
    %reduce_sum3A_1409 = tpu.scan <sum>, %convert_element_type3A_1392 masked %reduce_sum3A_1408 : vector<16xi32>, vector<16xi1> -> vector<16xi32>
    %reduce_sum3A_1410 = vector.extract %reduce_sum3A_1409[15] : i32 from vector<16xi32>
    %add3A_1411 = vector.broadcast %reduce_sum3A_1410 : i32 to vector<16xi32>
    %add3A_1412 = arith.addi %add3A_1388, %add3A_1411 : vector<16xi32>
    %eq3A_1413 = arith.constant 3 : i32
    %eq3A_1414 = vector.broadcast %eq3A_1413 : i32 to vector<16xi32>
    %eq3A_1415 = arith.cmpi eq, %iota3A, %eq3A_1414 : vector<16xi32>
    %select_n3A_1416 = arith.select %eq3A_1415, %add3A_1412, %select_n3A_1218 : vector<16xi1>, vector<16xi32>
    %broadcast_in_dim3A_1417 = arith.constant 0 : i32
    %broadcast_in_dim3A_1418 = vector.broadcast %broadcast_in_dim3A_1417 : i32 to vector<16xi32>
    %eq3A_1419 = arith.constant 4 : i32
    %eq3A_1420 = vector.broadcast %eq3A_1419 : i32 to vector<16xi32>
    %eq3A_1421 = arith.cmpi eq, %select_n3A_67, %eq3A_1420 : vector<16xi32>
    %convert_element_type3A_1422 = arith.extui %eq3A_1421 : vector<16xi1> to vector<16xi32>
    %broadcast_in_dim3A_1423 = arith.constant true
    %broadcast_in_dim3A_1424 = vector.broadcast %broadcast_in_dim3A_1423 : i1 to vector<16xi1>
    %masked_cumsum3A_1425 = tpu.scan <sum>, %convert_element_type3A_1422 masked %broadcast_in_dim3A_1424 : vector<16xi32>, vector<16xi1> -> vector<16xi32>
    %sub3A_1426 = arith.subi %masked_cumsum3A_1425, %convert_element_type3A_1422 : vector<16xi32>
    %add3A_1427 = arith.addi %sub3A_1426, %broadcast_in_dim3A_1418 : vector<16xi32>
    %mul3A_1428 = arith.constant 65536 : i32
    %mul3A_1429 = vector.broadcast %mul3A_1428 : i32 to vector<16xi32>
    %mul3A_1430 = arith.muli %select_n3A_67, %mul3A_1429 : vector<16xi32>
    %add3A_1431 = arith.addi %mul3A_1430, %add3A_1427 : vector<16xi32>
    %get3A_1432 = arith.constant 0 : index
    %get3A_1433 = tpu.vector_load %arg7[%get3A_1432] {strides = array<i32>} : memref<128xi32, #tpu.memory_space<vmem>>, vector<16xi32>,
    %select_n3A_1434 = arith.select %eq3A_1421, %add3A_1431, %get3A_1433 : vector<16xi1>, vector<16xi32>
    %swap3A_1435 = arith.constant 0 : index
    %swap3A_1436 = tpu.vector_load %arg7[%swap3A_1435] {strides = array<i32>} : memref<128xi32, #tpu.memory_space<vmem>>, vector<16xi32>,
    tpu.vector_store %arg7[%swap3A_1435], %select_n3A_1434 {strides = array<i32>} : memref<128xi32, #tpu.memory_space<vmem>>, vector<16xi32>,
    %reduce_sum3A_1437 = arith.constant true
    %reduce_sum3A_1438 = vector.broadcast %reduce_sum3A_1437 : i1 to vector<16xi1>
    %reduce_sum3A_1439 = tpu.scan <sum>, %convert_element_type3A_1422 masked %reduce_sum3A_1438 : vector<16xi32>, vector<16xi1> -> vector<16xi32>
    %reduce_sum3A_1440 = vector.extract %reduce_sum3A_1439[15] : i32 from vector<16xi32>
    %add3A_1441 = vector.broadcast %reduce_sum3A_1440 : i32 to vector<16xi32>
    %add3A_1442 = arith.addi %broadcast_in_dim3A_1418, %add3A_1441 : vector<16xi32>
    %eq3A_1443 = arith.constant 4 : i32
    %eq3A_1444 = vector.broadcast %eq3A_1443 : i32 to vector<16xi32>
    %eq3A_1445 = arith.cmpi eq, %select_n3A_147, %eq3A_1444 : vector<16xi32>
    %convert_element_type3A_1446 = arith.extui %eq3A_1445 : vector<16xi1> to vector<16xi32>
    %broadcast_in_dim3A_1447 = arith.constant true
    %broadcast_in_dim3A_1448 = vector.broadcast %broadcast_in_dim3A_1447 : i1 to vector<16xi1>
    %masked_cumsum3A_1449 = tpu.scan <sum>, %convert_element_type3A_1446 masked %broadcast_in_dim3A_1448 : vector<16xi32>, vector<16xi1> -> vector<16xi32>
    %sub3A_1450 = arith.subi %masked_cumsum3A_1449, %convert_element_type3A_1446 : vector<16xi32>
    %add3A_1451 = arith.addi %sub3A_1450, %add3A_1442 : vector<16xi32>
    %mul3A_1452 = arith.constant 65536 : i32
    %mul3A_1453 = vector.broadcast %mul3A_1452 : i32 to vector<16xi32>
    %mul3A_1454 = arith.muli %select_n3A_147, %mul3A_1453 : vector<16xi32>
    %add3A_1455 = arith.addi %mul3A_1454, %add3A_1451 : vector<16xi32>
    %get3A_1456 = arith.constant 16 : index
    %get3A_1457 = tpu.vector_load %arg7[%get3A_1456] {strides = array<i32>} : memref<128xi32, #tpu.memory_space<vmem>>, vector<16xi32>,
    %select_n3A_1458 = arith.select %eq3A_1445, %add3A_1455, %get3A_1457 : vector<16xi1>, vector<16xi32>
    %swap3A_1459 = arith.constant 16 : index
    %swap3A_1460 = tpu.vector_load %arg7[%swap3A_1459] {strides = array<i32>} : memref<128xi32, #tpu.memory_space<vmem>>, vector<16xi32>,
    tpu.vector_store %arg7[%swap3A_1459], %select_n3A_1458 {strides = array<i32>} : memref<128xi32, #tpu.memory_space<vmem>>, vector<16xi32>,
    %reduce_sum3A_1461 = arith.constant true
    %reduce_sum3A_1462 = vector.broadcast %reduce_sum3A_1461 : i1 to vector<16xi1>
    %reduce_sum3A_1463 = tpu.scan <sum>, %convert_element_type3A_1446 masked %reduce_sum3A_1462 : vector<16xi32>, vector<16xi1> -> vector<16xi32>
    %reduce_sum3A_1464 = vector.extract %reduce_sum3A_1463[15] : i32 from vector<16xi32>
    %add3A_1465 = vector.broadcast %reduce_sum3A_1464 : i32 to vector<16xi32>
    %add3A_1466 = arith.addi %add3A_1442, %add3A_1465 : vector<16xi32>
    %eq3A_1467 = arith.constant 4 : i32
    %eq3A_1468 = vector.broadcast %eq3A_1467 : i32 to vector<16xi32>
    %eq3A_1469 = arith.cmpi eq, %select_n3A_231, %eq3A_1468 : vector<16xi32>
    %convert_element_type3A_1470 = arith.extui %eq3A_1469 : vector<16xi1> to vector<16xi32>
    %broadcast_in_dim3A_1471 = arith.constant true
    %broadcast_in_dim3A_1472 = vector.broadcast %broadcast_in_dim3A_1471 : i1 to vector<16xi1>
    %masked_cumsum3A_1473 = tpu.scan <sum>, %convert_element_type3A_1470 masked %broadcast_in_dim3A_1472 : vector<16xi32>, vector<16xi1> -> vector<16xi32>
    %sub3A_1474 = arith.subi %masked_cumsum3A_1473, %convert_element_type3A_1470 : vector<16xi32>
    %add3A_1475 = arith.addi %sub3A_1474, %add3A_1466 : vector<16xi32>
    %mul3A_1476 = arith.constant 65536 : i32
    %mul3A_1477 = vector.broadcast %mul3A_1476 : i32 to vector<16xi32>
    %mul3A_1478 = arith.muli %select_n3A_231, %mul3A_1477 : vector<16xi32>
    %add3A_1479 = arith.addi %mul3A_1478, %add3A_1475 : vector<16xi32>
    %get3A_1480 = arith.constant 32 : index
    %get3A_1481 = tpu.vector_load %arg7[%get3A_1480] {strides = array<i32>} : memref<128xi32, #tpu.memory_space<vmem>>, vector<16xi32>,
    %select_n3A_1482 = arith.select %eq3A_1469, %add3A_1479, %get3A_1481 : vector<16xi1>, vector<16xi32>
    %swap3A_1483 = arith.constant 32 : index
    %swap3A_1484 = tpu.vector_load %arg7[%swap3A_1483] {strides = array<i32>} : memref<128xi32, #tpu.memory_space<vmem>>, vector<16xi32>,
    tpu.vector_store %arg7[%swap3A_1483], %select_n3A_1482 {strides = array<i32>} : memref<128xi32, #tpu.memory_space<vmem>>, vector<16xi32>,
    %reduce_sum3A_1485 = arith.constant true
    %reduce_sum3A_1486 = vector.broadcast %reduce_sum3A_1485 : i1 to vector<16xi1>
    %reduce_sum3A_1487 = tpu.scan <sum>, %convert_element_type3A_1470 masked %reduce_sum3A_1486 : vector<16xi32>, vector<16xi1> -> vector<16xi32>
    %reduce_sum3A_1488 = vector.extract %reduce_sum3A_1487[15] : i32 from vector<16xi32>
    %add3A_1489 = vector.broadcast %reduce_sum3A_1488 : i32 to vector<16xi32>
    %add3A_1490 = arith.addi %add3A_1466, %add3A_1489 : vector<16xi32>
    %eq3A_1491 = arith.constant 4 : i32
    %eq3A_1492 = vector.broadcast %eq3A_1491 : i32 to vector<16xi32>
    %eq3A_1493 = arith.cmpi eq, %select_n3A_315, %eq3A_1492 : vector<16xi32>
    %convert_element_type3A_1494 = arith.extui %eq3A_1493 : vector<16xi1> to vector<16xi32>
    %broadcast_in_dim3A_1495 = arith.constant true
    %broadcast_in_dim3A_1496 = vector.broadcast %broadcast_in_dim3A_1495 : i1 to vector<16xi1>
    %masked_cumsum3A_1497 = tpu.scan <sum>, %convert_element_type3A_1494 masked %broadcast_in_dim3A_1496 : vector<16xi32>, vector<16xi1> -> vector<16xi32>
    %sub3A_1498 = arith.subi %masked_cumsum3A_1497, %convert_element_type3A_1494 : vector<16xi32>
    %add3A_1499 = arith.addi %sub3A_1498, %add3A_1490 : vector<16xi32>
    %mul3A_1500 = arith.constant 65536 : i32
    %mul3A_1501 = vector.broadcast %mul3A_1500 : i32 to vector<16xi32>
    %mul3A_1502 = arith.muli %select_n3A_315, %mul3A_1501 : vector<16xi32>
    %add3A_1503 = arith.addi %mul3A_1502, %add3A_1499 : vector<16xi32>
    %get3A_1504 = arith.constant 48 : index
    %get3A_1505 = tpu.vector_load %arg7[%get3A_1504] {strides = array<i32>} : memref<128xi32, #tpu.memory_space<vmem>>, vector<16xi32>,
    %select_n3A_1506 = arith.select %eq3A_1493, %add3A_1503, %get3A_1505 : vector<16xi1>, vector<16xi32>
    %swap3A_1507 = arith.constant 48 : index
    %swap3A_1508 = tpu.vector_load %arg7[%swap3A_1507] {strides = array<i32>} : memref<128xi32, #tpu.memory_space<vmem>>, vector<16xi32>,
    tpu.vector_store %arg7[%swap3A_1507], %select_n3A_1506 {strides = array<i32>} : memref<128xi32, #tpu.memory_space<vmem>>, vector<16xi32>,
    %reduce_sum3A_1509 = arith.constant true
    %reduce_sum3A_1510 = vector.broadcast %reduce_sum3A_1509 : i1 to vector<16xi1>
    %reduce_sum3A_1511 = tpu.scan <sum>, %convert_element_type3A_1494 masked %reduce_sum3A_1510 : vector<16xi32>, vector<16xi1> -> vector<16xi32>
    %reduce_sum3A_1512 = vector.extract %reduce_sum3A_1511[15] : i32 from vector<16xi32>
    %add3A_1513 = vector.broadcast %reduce_sum3A_1512 : i32 to vector<16xi32>
    %add3A_1514 = arith.addi %add3A_1490, %add3A_1513 : vector<16xi32>
    %eq3A_1515 = arith.constant 4 : i32
    %eq3A_1516 = vector.broadcast %eq3A_1515 : i32 to vector<16xi32>
    %eq3A_1517 = arith.cmpi eq, %select_n3A_399, %eq3A_1516 : vector<16xi32>
    %convert_element_type3A_1518 = arith.extui %eq3A_1517 : vector<16xi1> to vector<16xi32>
    %broadcast_in_dim3A_1519 = arith.constant true
    %broadcast_in_dim3A_1520 = vector.broadcast %broadcast_in_dim3A_1519 : i1 to vector<16xi1>
    %masked_cumsum3A_1521 = tpu.scan <sum>, %convert_element_type3A_1518 masked %broadcast_in_dim3A_1520 : vector<16xi32>, vector<16xi1> -> vector<16xi32>
    %sub3A_1522 = arith.subi %masked_cumsum3A_1521, %convert_element_type3A_1518 : vector<16xi32>
    %add3A_1523 = arith.addi %sub3A_1522, %add3A_1514 : vector<16xi32>
    %mul3A_1524 = arith.constant 65536 : i32
    %mul3A_1525 = vector.broadcast %mul3A_1524 : i32 to vector<16xi32>
    %mul3A_1526 = arith.muli %select_n3A_399, %mul3A_1525 : vector<16xi32>
    %add3A_1527 = arith.addi %mul3A_1526, %add3A_1523 : vector<16xi32>
    %get3A_1528 = arith.constant 64 : index
    %get3A_1529 = tpu.vector_load %arg7[%get3A_1528] {strides = array<i32>} : memref<128xi32, #tpu.memory_space<vmem>>, vector<16xi32>,
    %select_n3A_1530 = arith.select %eq3A_1517, %add3A_1527, %get3A_1529 : vector<16xi1>, vector<16xi32>
    %swap3A_1531 = arith.constant 64 : index
    %swap3A_1532 = tpu.vector_load %arg7[%swap3A_1531] {strides = array<i32>} : memref<128xi32, #tpu.memory_space<vmem>>, vector<16xi32>,
    tpu.vector_store %arg7[%swap3A_1531], %select_n3A_1530 {strides = array<i32>} : memref<128xi32, #tpu.memory_space<vmem>>, vector<16xi32>,
    %reduce_sum3A_1533 = arith.constant true
    %reduce_sum3A_1534 = vector.broadcast %reduce_sum3A_1533 : i1 to vector<16xi1>
    %reduce_sum3A_1535 = tpu.scan <sum>, %convert_element_type3A_1518 masked %reduce_sum3A_1534 : vector<16xi32>, vector<16xi1> -> vector<16xi32>
    %reduce_sum3A_1536 = vector.extract %reduce_sum3A_1535[15] : i32 from vector<16xi32>
    %add3A_1537 = vector.broadcast %reduce_sum3A_1536 : i32 to vector<16xi32>
    %add3A_1538 = arith.addi %add3A_1514, %add3A_1537 : vector<16xi32>
    %eq3A_1539 = arith.constant 4 : i32
    %eq3A_1540 = vector.broadcast %eq3A_1539 : i32 to vector<16xi32>
    %eq3A_1541 = arith.cmpi eq, %select_n3A_483, %eq3A_1540 : vector<16xi32>
    %convert_element_type3A_1542 = arith.extui %eq3A_1541 : vector<16xi1> to vector<16xi32>
    %broadcast_in_dim3A_1543 = arith.constant true
    %broadcast_in_dim3A_1544 = vector.broadcast %broadcast_in_dim3A_1543 : i1 to vector<16xi1>
    %masked_cumsum3A_1545 = tpu.scan <sum>, %convert_element_type3A_1542 masked %broadcast_in_dim3A_1544 : vector<16xi32>, vector<16xi1> -> vector<16xi32>
    %sub3A_1546 = arith.subi %masked_cumsum3A_1545, %convert_element_type3A_1542 : vector<16xi32>
    %add3A_1547 = arith.addi %sub3A_1546, %add3A_1538 : vector<16xi32>
    %mul3A_1548 = arith.constant 65536 : i32
    %mul3A_1549 = vector.broadcast %mul3A_1548 : i32 to vector<16xi32>
    %mul3A_1550 = arith.muli %select_n3A_483, %mul3A_1549 : vector<16xi32>
    %add3A_1551 = arith.addi %mul3A_1550, %add3A_1547 : vector<16xi32>
    %get3A_1552 = arith.constant 80 : index
    %get3A_1553 = tpu.vector_load %arg7[%get3A_1552] {strides = array<i32>} : memref<128xi32, #tpu.memory_space<vmem>>, vector<16xi32>,
    %select_n3A_1554 = arith.select %eq3A_1541, %add3A_1551, %get3A_1553 : vector<16xi1>, vector<16xi32>
    %swap3A_1555 = arith.constant 80 : index
    %swap3A_1556 = tpu.vector_load %arg7[%swap3A_1555] {strides = array<i32>} : memref<128xi32, #tpu.memory_space<vmem>>, vector<16xi32>,
    tpu.vector_store %arg7[%swap3A_1555], %select_n3A_1554 {strides = array<i32>} : memref<128xi32, #tpu.memory_space<vmem>>, vector<16xi32>,
    %reduce_sum3A_1557 = arith.constant true
    %reduce_sum3A_1558 = vector.broadcast %reduce_sum3A_1557 : i1 to vector<16xi1>
    %reduce_sum3A_1559 = tpu.scan <sum>, %convert_element_type3A_1542 masked %reduce_sum3A_1558 : vector<16xi32>, vector<16xi1> -> vector<16xi32>
    %reduce_sum3A_1560 = vector.extract %reduce_sum3A_1559[15] : i32 from vector<16xi32>
    %add3A_1561 = vector.broadcast %reduce_sum3A_1560 : i32 to vector<16xi32>
    %add3A_1562 = arith.addi %add3A_1538, %add3A_1561 : vector<16xi32>
    %eq3A_1563 = arith.constant 4 : i32
    %eq3A_1564 = vector.broadcast %eq3A_1563 : i32 to vector<16xi32>
    %eq3A_1565 = arith.cmpi eq, %select_n3A_567, %eq3A_1564 : vector<16xi32>
    %convert_element_type3A_1566 = arith.extui %eq3A_1565 : vector<16xi1> to vector<16xi32>
    %broadcast_in_dim3A_1567 = arith.constant true
    %broadcast_in_dim3A_1568 = vector.broadcast %broadcast_in_dim3A_1567 : i1 to vector<16xi1>
    %masked_cumsum3A_1569 = tpu.scan <sum>, %convert_element_type3A_1566 masked %broadcast_in_dim3A_1568 : vector<16xi32>, vector<16xi1> -> vector<16xi32>
    %sub3A_1570 = arith.subi %masked_cumsum3A_1569, %convert_element_type3A_1566 : vector<16xi32>
    %add3A_1571 = arith.addi %sub3A_1570, %add3A_1562 : vector<16xi32>
    %mul3A_1572 = arith.constant 65536 : i32
    %mul3A_1573 = vector.broadcast %mul3A_1572 : i32 to vector<16xi32>
    %mul3A_1574 = arith.muli %select_n3A_567, %mul3A_1573 : vector<16xi32>
    %add3A_1575 = arith.addi %mul3A_1574, %add3A_1571 : vector<16xi32>
    %get3A_1576 = arith.constant 96 : index
    %get3A_1577 = tpu.vector_load %arg7[%get3A_1576] {strides = array<i32>} : memref<128xi32, #tpu.memory_space<vmem>>, vector<16xi32>,
    %select_n3A_1578 = arith.select %eq3A_1565, %add3A_1575, %get3A_1577 : vector<16xi1>, vector<16xi32>
    %swap3A_1579 = arith.constant 96 : index
    %swap3A_1580 = tpu.vector_load %arg7[%swap3A_1579] {strides = array<i32>} : memref<128xi32, #tpu.memory_space<vmem>>, vector<16xi32>,
    tpu.vector_store %arg7[%swap3A_1579], %select_n3A_1578 {strides = array<i32>} : memref<128xi32, #tpu.memory_space<vmem>>, vector<16xi32>,
    %reduce_sum3A_1581 = arith.constant true
    %reduce_sum3A_1582 = vector.broadcast %reduce_sum3A_1581 : i1 to vector<16xi1>
    %reduce_sum3A_1583 = tpu.scan <sum>, %convert_element_type3A_1566 masked %reduce_sum3A_1582 : vector<16xi32>, vector<16xi1> -> vector<16xi32>
    %reduce_sum3A_1584 = vector.extract %reduce_sum3A_1583[15] : i32 from vector<16xi32>
    %add3A_1585 = vector.broadcast %reduce_sum3A_1584 : i32 to vector<16xi32>
    %add3A_1586 = arith.addi %add3A_1562, %add3A_1585 : vector<16xi32>
    %eq3A_1587 = arith.constant 4 : i32
    %eq3A_1588 = vector.broadcast %eq3A_1587 : i32 to vector<16xi32>
    %eq3A_1589 = arith.cmpi eq, %select_n3A_651, %eq3A_1588 : vector<16xi32>
    %convert_element_type3A_1590 = arith.extui %eq3A_1589 : vector<16xi1> to vector<16xi32>
    %broadcast_in_dim3A_1591 = arith.constant true
    %broadcast_in_dim3A_1592 = vector.broadcast %broadcast_in_dim3A_1591 : i1 to vector<16xi1>
    %masked_cumsum3A_1593 = tpu.scan <sum>, %convert_element_type3A_1590 masked %broadcast_in_dim3A_1592 : vector<16xi32>, vector<16xi1> -> vector<16xi32>
    %sub3A_1594 = arith.subi %masked_cumsum3A_1593, %convert_element_type3A_1590 : vector<16xi32>
    %add3A_1595 = arith.addi %sub3A_1594, %add3A_1586 : vector<16xi32>
    %mul3A_1596 = arith.constant 65536 : i32
    %mul3A_1597 = vector.broadcast %mul3A_1596 : i32 to vector<16xi32>
    %mul3A_1598 = arith.muli %select_n3A_651, %mul3A_1597 : vector<16xi32>
    %add3A_1599 = arith.addi %mul3A_1598, %add3A_1595 : vector<16xi32>
    %get3A_1600 = arith.constant 112 : index
    %get3A_1601 = tpu.vector_load %arg7[%get3A_1600] {strides = array<i32>} : memref<128xi32, #tpu.memory_space<vmem>>, vector<16xi32>,
    %select_n3A_1602 = arith.select %eq3A_1589, %add3A_1599, %get3A_1601 : vector<16xi1>, vector<16xi32>
    %swap3A_1603 = arith.constant 112 : index
    %swap3A_1604 = tpu.vector_load %arg7[%swap3A_1603] {strides = array<i32>} : memref<128xi32, #tpu.memory_space<vmem>>, vector<16xi32>,
    tpu.vector_store %arg7[%swap3A_1603], %select_n3A_1602 {strides = array<i32>} : memref<128xi32, #tpu.memory_space<vmem>>, vector<16xi32>,
    %reduce_sum3A_1605 = arith.constant true
    %reduce_sum3A_1606 = vector.broadcast %reduce_sum3A_1605 : i1 to vector<16xi1>
    %reduce_sum3A_1607 = tpu.scan <sum>, %convert_element_type3A_1590 masked %reduce_sum3A_1606 : vector<16xi32>, vector<16xi1> -> vector<16xi32>
    %reduce_sum3A_1608 = vector.extract %reduce_sum3A_1607[15] : i32 from vector<16xi32>
    %add3A_1609 = vector.broadcast %reduce_sum3A_1608 : i32 to vector<16xi32>
    %add3A_1610 = arith.addi %add3A_1586, %add3A_1609 : vector<16xi32>
    %eq3A_1611 = arith.constant 4 : i32
    %eq3A_1612 = vector.broadcast %eq3A_1611 : i32 to vector<16xi32>
    %eq3A_1613 = arith.cmpi eq, %iota3A, %eq3A_1612 : vector<16xi32>
    %select_n3A_1614 = arith.select %eq3A_1613, %add3A_1610, %select_n3A_1416 : vector<16xi1>, vector<16xi32>
    %broadcast_in_dim3A_1615 = arith.constant 0 : i32
    %broadcast_in_dim3A_1616 = vector.broadcast %broadcast_in_dim3A_1615 : i32 to vector<16xi32>
    %eq3A_1617 = arith.constant 5 : i32
    %eq3A_1618 = vector.broadcast %eq3A_1617 : i32 to vector<16xi32>
    %eq3A_1619 = arith.cmpi eq, %select_n3A_67, %eq3A_1618 : vector<16xi32>
    %convert_element_type3A_1620 = arith.extui %eq3A_1619 : vector<16xi1> to vector<16xi32>
    %broadcast_in_dim3A_1621 = arith.constant true
    %broadcast_in_dim3A_1622 = vector.broadcast %broadcast_in_dim3A_1621 : i1 to vector<16xi1>
    %masked_cumsum3A_1623 = tpu.scan <sum>, %convert_element_type3A_1620 masked %broadcast_in_dim3A_1622 : vector<16xi32>, vector<16xi1> -> vector<16xi32>
    %sub3A_1624 = arith.subi %masked_cumsum3A_1623, %convert_element_type3A_1620 : vector<16xi32>
    %add3A_1625 = arith.addi %sub3A_1624, %broadcast_in_dim3A_1616 : vector<16xi32>
    %mul3A_1626 = arith.constant 65536 : i32
    %mul3A_1627 = vector.broadcast %mul3A_1626 : i32 to vector<16xi32>
    %mul3A_1628 = arith.muli %select_n3A_67, %mul3A_1627 : vector<16xi32>
    %add3A_1629 = arith.addi %mul3A_1628, %add3A_1625 : vector<16xi32>
    %get3A_1630 = arith.constant 0 : index
    %get3A_1631 = tpu.vector_load %arg7[%get3A_1630] {strides = array<i32>} : memref<128xi32, #tpu.memory_space<vmem>>, vector<16xi32>,
    %select_n3A_1632 = arith.select %eq3A_1619, %add3A_1629, %get3A_1631 : vector<16xi1>, vector<16xi32>
    %swap3A_1633 = arith.constant 0 : index
    %swap3A_1634 = tpu.vector_load %arg7[%swap3A_1633] {strides = array<i32>} : memref<128xi32, #tpu.memory_space<vmem>>, vector<16xi32>,
    tpu.vector_store %arg7[%swap3A_1633], %select_n3A_1632 {strides = array<i32>} : memref<128xi32, #tpu.memory_space<vmem>>, vector<16xi32>,
    %reduce_sum3A_1635 = arith.constant true
    %reduce_sum3A_1636 = vector.broadcast %reduce_sum3A_1635 : i1 to vector<16xi1>
    %reduce_sum3A_1637 = tpu.scan <sum>, %convert_element_type3A_1620 masked %reduce_sum3A_1636 : vector<16xi32>, vector<16xi1> -> vector<16xi32>
    %reduce_sum3A_1638 = vector.extract %reduce_sum3A_1637[15] : i32 from vector<16xi32>
    %add3A_1639 = vector.broadcast %reduce_sum3A_1638 : i32 to vector<16xi32>
    %add3A_1640 = arith.addi %broadcast_in_dim3A_1616, %add3A_1639 : vector<16xi32>
    %eq3A_1641 = arith.constant 5 : i32
    %eq3A_1642 = vector.broadcast %eq3A_1641 : i32 to vector<16xi32>
    %eq3A_1643 = arith.cmpi eq, %select_n3A_147, %eq3A_1642 : vector<16xi32>
    %convert_element_type3A_1644 = arith.extui %eq3A_1643 : vector<16xi1> to vector<16xi32>
    %broadcast_in_dim3A_1645 = arith.constant true
    %broadcast_in_dim3A_1646 = vector.broadcast %broadcast_in_dim3A_1645 : i1 to vector<16xi1>
    %masked_cumsum3A_1647 = tpu.scan <sum>, %convert_element_type3A_1644 masked %broadcast_in_dim3A_1646 : vector<16xi32>, vector<16xi1> -> vector<16xi32>
    %sub3A_1648 = arith.subi %masked_cumsum3A_1647, %convert_element_type3A_1644 : vector<16xi32>
    %add3A_1649 = arith.addi %sub3A_1648, %add3A_1640 : vector<16xi32>
    %mul3A_1650 = arith.constant 65536 : i32
    %mul3A_1651 = vector.broadcast %mul3A_1650 : i32 to vector<16xi32>
    %mul3A_1652 = arith.muli %select_n3A_147, %mul3A_1651 : vector<16xi32>
    %add3A_1653 = arith.addi %mul3A_1652, %add3A_1649 : vector<16xi32>
    %get3A_1654 = arith.constant 16 : index
    %get3A_1655 = tpu.vector_load %arg7[%get3A_1654] {strides = array<i32>} : memref<128xi32, #tpu.memory_space<vmem>>, vector<16xi32>,
    %select_n3A_1656 = arith.select %eq3A_1643, %add3A_1653, %get3A_1655 : vector<16xi1>, vector<16xi32>
    %swap3A_1657 = arith.constant 16 : index
    %swap3A_1658 = tpu.vector_load %arg7[%swap3A_1657] {strides = array<i32>} : memref<128xi32, #tpu.memory_space<vmem>>, vector<16xi32>,
    tpu.vector_store %arg7[%swap3A_1657], %select_n3A_1656 {strides = array<i32>} : memref<128xi32, #tpu.memory_space<vmem>>, vector<16xi32>,
    %reduce_sum3A_1659 = arith.constant true
    %reduce_sum3A_1660 = vector.broadcast %reduce_sum3A_1659 : i1 to vector<16xi1>
    %reduce_sum3A_1661 = tpu.scan <sum>, %convert_element_type3A_1644 masked %reduce_sum3A_1660 : vector<16xi32>, vector<16xi1> -> vector<16xi32>
    %reduce_sum3A_1662 = vector.extract %reduce_sum3A_1661[15] : i32 from vector<16xi32>
    %add3A_1663 = vector.broadcast %reduce_sum3A_1662 : i32 to vector<16xi32>
    %add3A_1664 = arith.addi %add3A_1640, %add3A_1663 : vector<16xi32>
    %eq3A_1665 = arith.constant 5 : i32
    %eq3A_1666 = vector.broadcast %eq3A_1665 : i32 to vector<16xi32>
    %eq3A_1667 = arith.cmpi eq, %select_n3A_231, %eq3A_1666 : vector<16xi32>
    %convert_element_type3A_1668 = arith.extui %eq3A_1667 : vector<16xi1> to vector<16xi32>
    %broadcast_in_dim3A_1669 = arith.constant true
    %broadcast_in_dim3A_1670 = vector.broadcast %broadcast_in_dim3A_1669 : i1 to vector<16xi1>
    %masked_cumsum3A_1671 = tpu.scan <sum>, %convert_element_type3A_1668 masked %broadcast_in_dim3A_1670 : vector<16xi32>, vector<16xi1> -> vector<16xi32>
    %sub3A_1672 = arith.subi %masked_cumsum3A_1671, %convert_element_type3A_1668 : vector<16xi32>
    %add3A_1673 = arith.addi %sub3A_1672, %add3A_1664 : vector<16xi32>
    %mul3A_1674 = arith.constant 65536 : i32
    %mul3A_1675 = vector.broadcast %mul3A_1674 : i32 to vector<16xi32>
    %mul3A_1676 = arith.muli %select_n3A_231, %mul3A_1675 : vector<16xi32>
    %add3A_1677 = arith.addi %mul3A_1676, %add3A_1673 : vector<16xi32>
    %get3A_1678 = arith.constant 32 : index
    %get3A_1679 = tpu.vector_load %arg7[%get3A_1678] {strides = array<i32>} : memref<128xi32, #tpu.memory_space<vmem>>, vector<16xi32>,
    %select_n3A_1680 = arith.select %eq3A_1667, %add3A_1677, %get3A_1679 : vector<16xi1>, vector<16xi32>
    %swap3A_1681 = arith.constant 32 : index
    %swap3A_1682 = tpu.vector_load %arg7[%swap3A_1681] {strides = array<i32>} : memref<128xi32, #tpu.memory_space<vmem>>, vector<16xi32>,
    tpu.vector_store %arg7[%swap3A_1681], %select_n3A_1680 {strides = array<i32>} : memref<128xi32, #tpu.memory_space<vmem>>, vector<16xi32>,
    %reduce_sum3A_1683 = arith.constant true
    %reduce_sum3A_1684 = vector.broadcast %reduce_sum3A_1683 : i1 to vector<16xi1>
    %reduce_sum3A_1685 = tpu.scan <sum>, %convert_element_type3A_1668 masked %reduce_sum3A_1684 : vector<16xi32>, vector<16xi1> -> vector<16xi32>
    %reduce_sum3A_1686 = vector.extract %reduce_sum3A_1685[15] : i32 from vector<16xi32>
    %add3A_1687 = vector.broadcast %reduce_sum3A_1686 : i32 to vector<16xi32>
    %add3A_1688 = arith.addi %add3A_1664, %add3A_1687 : vector<16xi32>
    %eq3A_1689 = arith.constant 5 : i32
    %eq3A_1690 = vector.broadcast %eq3A_1689 : i32 to vector<16xi32>
    %eq3A_1691 = arith.cmpi eq, %select_n3A_315, %eq3A_1690 : vector<16xi32>
    %convert_element_type3A_1692 = arith.extui %eq3A_1691 : vector<16xi1> to vector<16xi32>
    %broadcast_in_dim3A_1693 = arith.constant true
    %broadcast_in_dim3A_1694 = vector.broadcast %broadcast_in_dim3A_1693 : i1 to vector<16xi1>
    %masked_cumsum3A_1695 = tpu.scan <sum>, %convert_element_type3A_1692 masked %broadcast_in_dim3A_1694 : vector<16xi32>, vector<16xi1> -> vector<16xi32>
    %sub3A_1696 = arith.subi %masked_cumsum3A_1695, %convert_element_type3A_1692 : vector<16xi32>
    %add3A_1697 = arith.addi %sub3A_1696, %add3A_1688 : vector<16xi32>
    %mul3A_1698 = arith.constant 65536 : i32
    %mul3A_1699 = vector.broadcast %mul3A_1698 : i32 to vector<16xi32>
    %mul3A_1700 = arith.muli %select_n3A_315, %mul3A_1699 : vector<16xi32>
    %add3A_1701 = arith.addi %mul3A_1700, %add3A_1697 : vector<16xi32>
    %get3A_1702 = arith.constant 48 : index
    %get3A_1703 = tpu.vector_load %arg7[%get3A_1702] {strides = array<i32>} : memref<128xi32, #tpu.memory_space<vmem>>, vector<16xi32>,
    %select_n3A_1704 = arith.select %eq3A_1691, %add3A_1701, %get3A_1703 : vector<16xi1>, vector<16xi32>
    %swap3A_1705 = arith.constant 48 : index
    %swap3A_1706 = tpu.vector_load %arg7[%swap3A_1705] {strides = array<i32>} : memref<128xi32, #tpu.memory_space<vmem>>, vector<16xi32>,
    tpu.vector_store %arg7[%swap3A_1705], %select_n3A_1704 {strides = array<i32>} : memref<128xi32, #tpu.memory_space<vmem>>, vector<16xi32>,
    %reduce_sum3A_1707 = arith.constant true
    %reduce_sum3A_1708 = vector.broadcast %reduce_sum3A_1707 : i1 to vector<16xi1>
    %reduce_sum3A_1709 = tpu.scan <sum>, %convert_element_type3A_1692 masked %reduce_sum3A_1708 : vector<16xi32>, vector<16xi1> -> vector<16xi32>
    %reduce_sum3A_1710 = vector.extract %reduce_sum3A_1709[15] : i32 from vector<16xi32>
    %add3A_1711 = vector.broadcast %reduce_sum3A_1710 : i32 to vector<16xi32>
    %add3A_1712 = arith.addi %add3A_1688, %add3A_1711 : vector<16xi32>
    %eq3A_1713 = arith.constant 5 : i32
    %eq3A_1714 = vector.broadcast %eq3A_1713 : i32 to vector<16xi32>
    %eq3A_1715 = arith.cmpi eq, %select_n3A_399, %eq3A_1714 : vector<16xi32>
    %convert_element_type3A_1716 = arith.extui %eq3A_1715 : vector<16xi1> to vector<16xi32>
    %broadcast_in_dim3A_1717 = arith.constant true
    %broadcast_in_dim3A_1718 = vector.broadcast %broadcast_in_dim3A_1717 : i1 to vector<16xi1>
    %masked_cumsum3A_1719 = tpu.scan <sum>, %convert_element_type3A_1716 masked %broadcast_in_dim3A_1718 : vector<16xi32>, vector<16xi1> -> vector<16xi32>
    %sub3A_1720 = arith.subi %masked_cumsum3A_1719, %convert_element_type3A_1716 : vector<16xi32>
    %add3A_1721 = arith.addi %sub3A_1720, %add3A_1712 : vector<16xi32>
    %mul3A_1722 = arith.constant 65536 : i32
    %mul3A_1723 = vector.broadcast %mul3A_1722 : i32 to vector<16xi32>
    %mul3A_1724 = arith.muli %select_n3A_399, %mul3A_1723 : vector<16xi32>
    %add3A_1725 = arith.addi %mul3A_1724, %add3A_1721 : vector<16xi32>
    %get3A_1726 = arith.constant 64 : index
    %get3A_1727 = tpu.vector_load %arg7[%get3A_1726] {strides = array<i32>} : memref<128xi32, #tpu.memory_space<vmem>>, vector<16xi32>,
    %select_n3A_1728 = arith.select %eq3A_1715, %add3A_1725, %get3A_1727 : vector<16xi1>, vector<16xi32>
    %swap3A_1729 = arith.constant 64 : index
    %swap3A_1730 = tpu.vector_load %arg7[%swap3A_1729] {strides = array<i32>} : memref<128xi32, #tpu.memory_space<vmem>>, vector<16xi32>,
    tpu.vector_store %arg7[%swap3A_1729], %select_n3A_1728 {strides = array<i32>} : memref<128xi32, #tpu.memory_space<vmem>>, vector<16xi32>,
    %reduce_sum3A_1731 = arith.constant true
    %reduce_sum3A_1732 = vector.broadcast %reduce_sum3A_1731 : i1 to vector<16xi1>
    %reduce_sum3A_1733 = tpu.scan <sum>, %convert_element_type3A_1716 masked %reduce_sum3A_1732 : vector<16xi32>, vector<16xi1> -> vector<16xi32>
    %reduce_sum3A_1734 = vector.extract %reduce_sum3A_1733[15] : i32 from vector<16xi32>
    %add3A_1735 = vector.broadcast %reduce_sum3A_1734 : i32 to vector<16xi32>
    %add3A_1736 = arith.addi %add3A_1712, %add3A_1735 : vector<16xi32>
    %eq3A_1737 = arith.constant 5 : i32
    %eq3A_1738 = vector.broadcast %eq3A_1737 : i32 to vector<16xi32>
    %eq3A_1739 = arith.cmpi eq, %select_n3A_483, %eq3A_1738 : vector<16xi32>
    %convert_element_type3A_1740 = arith.extui %eq3A_1739 : vector<16xi1> to vector<16xi32>
    %broadcast_in_dim3A_1741 = arith.constant true
    %broadcast_in_dim3A_1742 = vector.broadcast %broadcast_in_dim3A_1741 : i1 to vector<16xi1>
    %masked_cumsum3A_1743 = tpu.scan <sum>, %convert_element_type3A_1740 masked %broadcast_in_dim3A_1742 : vector<16xi32>, vector<16xi1> -> vector<16xi32>
    %sub3A_1744 = arith.subi %masked_cumsum3A_1743, %convert_element_type3A_1740 : vector<16xi32>
    %add3A_1745 = arith.addi %sub3A_1744, %add3A_1736 : vector<16xi32>
    %mul3A_1746 = arith.constant 65536 : i32
    %mul3A_1747 = vector.broadcast %mul3A_1746 : i32 to vector<16xi32>
    %mul3A_1748 = arith.muli %select_n3A_483, %mul3A_1747 : vector<16xi32>
    %add3A_1749 = arith.addi %mul3A_1748, %add3A_1745 : vector<16xi32>
    %get3A_1750 = arith.constant 80 : index
    %get3A_1751 = tpu.vector_load %arg7[%get3A_1750] {strides = array<i32>} : memref<128xi32, #tpu.memory_space<vmem>>, vector<16xi32>,
    %select_n3A_1752 = arith.select %eq3A_1739, %add3A_1749, %get3A_1751 : vector<16xi1>, vector<16xi32>
    %swap3A_1753 = arith.constant 80 : index
    %swap3A_1754 = tpu.vector_load %arg7[%swap3A_1753] {strides = array<i32>} : memref<128xi32, #tpu.memory_space<vmem>>, vector<16xi32>,
    tpu.vector_store %arg7[%swap3A_1753], %select_n3A_1752 {strides = array<i32>} : memref<128xi32, #tpu.memory_space<vmem>>, vector<16xi32>,
    %reduce_sum3A_1755 = arith.constant true
    %reduce_sum3A_1756 = vector.broadcast %reduce_sum3A_1755 : i1 to vector<16xi1>
    %reduce_sum3A_1757 = tpu.scan <sum>, %convert_element_type3A_1740 masked %reduce_sum3A_1756 : vector<16xi32>, vector<16xi1> -> vector<16xi32>
    %reduce_sum3A_1758 = vector.extract %reduce_sum3A_1757[15] : i32 from vector<16xi32>
    %add3A_1759 = vector.broadcast %reduce_sum3A_1758 : i32 to vector<16xi32>
    %add3A_1760 = arith.addi %add3A_1736, %add3A_1759 : vector<16xi32>
    %eq3A_1761 = arith.constant 5 : i32
    %eq3A_1762 = vector.broadcast %eq3A_1761 : i32 to vector<16xi32>
    %eq3A_1763 = arith.cmpi eq, %select_n3A_567, %eq3A_1762 : vector<16xi32>
    %convert_element_type3A_1764 = arith.extui %eq3A_1763 : vector<16xi1> to vector<16xi32>
    %broadcast_in_dim3A_1765 = arith.constant true
    %broadcast_in_dim3A_1766 = vector.broadcast %broadcast_in_dim3A_1765 : i1 to vector<16xi1>
    %masked_cumsum3A_1767 = tpu.scan <sum>, %convert_element_type3A_1764 masked %broadcast_in_dim3A_1766 : vector<16xi32>, vector<16xi1> -> vector<16xi32>
    %sub3A_1768 = arith.subi %masked_cumsum3A_1767, %convert_element_type3A_1764 : vector<16xi32>
    %add3A_1769 = arith.addi %sub3A_1768, %add3A_1760 : vector<16xi32>
    %mul3A_1770 = arith.constant 65536 : i32
    %mul3A_1771 = vector.broadcast %mul3A_1770 : i32 to vector<16xi32>
    %mul3A_1772 = arith.muli %select_n3A_567, %mul3A_1771 : vector<16xi32>
    %add3A_1773 = arith.addi %mul3A_1772, %add3A_1769 : vector<16xi32>
    %get3A_1774 = arith.constant 96 : index
    %get3A_1775 = tpu.vector_load %arg7[%get3A_1774] {strides = array<i32>} : memref<128xi32, #tpu.memory_space<vmem>>, vector<16xi32>,
    %select_n3A_1776 = arith.select %eq3A_1763, %add3A_1773, %get3A_1775 : vector<16xi1>, vector<16xi32>
    %swap3A_1777 = arith.constant 96 : index
    %swap3A_1778 = tpu.vector_load %arg7[%swap3A_1777] {strides = array<i32>} : memref<128xi32, #tpu.memory_space<vmem>>, vector<16xi32>,
    tpu.vector_store %arg7[%swap3A_1777], %select_n3A_1776 {strides = array<i32>} : memref<128xi32, #tpu.memory_space<vmem>>, vector<16xi32>,
    %reduce_sum3A_1779 = arith.constant true
    %reduce_sum3A_1780 = vector.broadcast %reduce_sum3A_1779 : i1 to vector<16xi1>
    %reduce_sum3A_1781 = tpu.scan <sum>, %convert_element_type3A_1764 masked %reduce_sum3A_1780 : vector<16xi32>, vector<16xi1> -> vector<16xi32>
    %reduce_sum3A_1782 = vector.extract %reduce_sum3A_1781[15] : i32 from vector<16xi32>
    %add3A_1783 = vector.broadcast %reduce_sum3A_1782 : i32 to vector<16xi32>
    %add3A_1784 = arith.addi %add3A_1760, %add3A_1783 : vector<16xi32>
    %eq3A_1785 = arith.constant 5 : i32
    %eq3A_1786 = vector.broadcast %eq3A_1785 : i32 to vector<16xi32>
    %eq3A_1787 = arith.cmpi eq, %select_n3A_651, %eq3A_1786 : vector<16xi32>
    %convert_element_type3A_1788 = arith.extui %eq3A_1787 : vector<16xi1> to vector<16xi32>
    %broadcast_in_dim3A_1789 = arith.constant true
    %broadcast_in_dim3A_1790 = vector.broadcast %broadcast_in_dim3A_1789 : i1 to vector<16xi1>
    %masked_cumsum3A_1791 = tpu.scan <sum>, %convert_element_type3A_1788 masked %broadcast_in_dim3A_1790 : vector<16xi32>, vector<16xi1> -> vector<16xi32>
    %sub3A_1792 = arith.subi %masked_cumsum3A_1791, %convert_element_type3A_1788 : vector<16xi32>
    %add3A_1793 = arith.addi %sub3A_1792, %add3A_1784 : vector<16xi32>
    %mul3A_1794 = arith.constant 65536 : i32
    %mul3A_1795 = vector.broadcast %mul3A_1794 : i32 to vector<16xi32>
    %mul3A_1796 = arith.muli %select_n3A_651, %mul3A_1795 : vector<16xi32>
    %add3A_1797 = arith.addi %mul3A_1796, %add3A_1793 : vector<16xi32>
    %get3A_1798 = arith.constant 112 : index
    %get3A_1799 = tpu.vector_load %arg7[%get3A_1798] {strides = array<i32>} : memref<128xi32, #tpu.memory_space<vmem>>, vector<16xi32>,
    %select_n3A_1800 = arith.select %eq3A_1787, %add3A_1797, %get3A_1799 : vector<16xi1>, vector<16xi32>
    %swap3A_1801 = arith.constant 112 : index
    %swap3A_1802 = tpu.vector_load %arg7[%swap3A_1801] {strides = array<i32>} : memref<128xi32, #tpu.memory_space<vmem>>, vector<16xi32>,
    tpu.vector_store %arg7[%swap3A_1801], %select_n3A_1800 {strides = array<i32>} : memref<128xi32, #tpu.memory_space<vmem>>, vector<16xi32>,
    %reduce_sum3A_1803 = arith.constant true
    %reduce_sum3A_1804 = vector.broadcast %reduce_sum3A_1803 : i1 to vector<16xi1>
    %reduce_sum3A_1805 = tpu.scan <sum>, %convert_element_type3A_1788 masked %reduce_sum3A_1804 : vector<16xi32>, vector<16xi1> -> vector<16xi32>
    %reduce_sum3A_1806 = vector.extract %reduce_sum3A_1805[15] : i32 from vector<16xi32>
    %add3A_1807 = vector.broadcast %reduce_sum3A_1806 : i32 to vector<16xi32>
    %add3A_1808 = arith.addi %add3A_1784, %add3A_1807 : vector<16xi32>
    %eq3A_1809 = arith.constant 5 : i32
    %eq3A_1810 = vector.broadcast %eq3A_1809 : i32 to vector<16xi32>
    %eq3A_1811 = arith.cmpi eq, %iota3A, %eq3A_1810 : vector<16xi32>
    %select_n3A_1812 = arith.select %eq3A_1811, %add3A_1808, %select_n3A_1614 : vector<16xi1>, vector<16xi32>
    %broadcast_in_dim3A_1813 = arith.constant 0 : i32
    %broadcast_in_dim3A_1814 = vector.broadcast %broadcast_in_dim3A_1813 : i32 to vector<16xi32>
    %eq3A_1815 = arith.constant 6 : i32
    %eq3A_1816 = vector.broadcast %eq3A_1815 : i32 to vector<16xi32>
    %eq3A_1817 = arith.cmpi eq, %select_n3A_67, %eq3A_1816 : vector<16xi32>
    %convert_element_type3A_1818 = arith.extui %eq3A_1817 : vector<16xi1> to vector<16xi32>
    %broadcast_in_dim3A_1819 = arith.constant true
    %broadcast_in_dim3A_1820 = vector.broadcast %broadcast_in_dim3A_1819 : i1 to vector<16xi1>
    %masked_cumsum3A_1821 = tpu.scan <sum>, %convert_element_type3A_1818 masked %broadcast_in_dim3A_1820 : vector<16xi32>, vector<16xi1> -> vector<16xi32>
    %sub3A_1822 = arith.subi %masked_cumsum3A_1821, %convert_element_type3A_1818 : vector<16xi32>
    %add3A_1823 = arith.addi %sub3A_1822, %broadcast_in_dim3A_1814 : vector<16xi32>
    %mul3A_1824 = arith.constant 65536 : i32
    %mul3A_1825 = vector.broadcast %mul3A_1824 : i32 to vector<16xi32>
    %mul3A_1826 = arith.muli %select_n3A_67, %mul3A_1825 : vector<16xi32>
    %add3A_1827 = arith.addi %mul3A_1826, %add3A_1823 : vector<16xi32>
    %get3A_1828 = arith.constant 0 : index
    %get3A_1829 = tpu.vector_load %arg7[%get3A_1828] {strides = array<i32>} : memref<128xi32, #tpu.memory_space<vmem>>, vector<16xi32>,
    %select_n3A_1830 = arith.select %eq3A_1817, %add3A_1827, %get3A_1829 : vector<16xi1>, vector<16xi32>
    %swap3A_1831 = arith.constant 0 : index
    %swap3A_1832 = tpu.vector_load %arg7[%swap3A_1831] {strides = array<i32>} : memref<128xi32, #tpu.memory_space<vmem>>, vector<16xi32>,
    tpu.vector_store %arg7[%swap3A_1831], %select_n3A_1830 {strides = array<i32>} : memref<128xi32, #tpu.memory_space<vmem>>, vector<16xi32>,
    %reduce_sum3A_1833 = arith.constant true
    %reduce_sum3A_1834 = vector.broadcast %reduce_sum3A_1833 : i1 to vector<16xi1>
    %reduce_sum3A_1835 = tpu.scan <sum>, %convert_element_type3A_1818 masked %reduce_sum3A_1834 : vector<16xi32>, vector<16xi1> -> vector<16xi32>
    %reduce_sum3A_1836 = vector.extract %reduce_sum3A_1835[15] : i32 from vector<16xi32>
    %add3A_1837 = vector.broadcast %reduce_sum3A_1836 : i32 to vector<16xi32>
    %add3A_1838 = arith.addi %broadcast_in_dim3A_1814, %add3A_1837 : vector<16xi32>
    %eq3A_1839 = arith.constant 6 : i32
    %eq3A_1840 = vector.broadcast %eq3A_1839 : i32 to vector<16xi32>
    %eq3A_1841 = arith.cmpi eq, %select_n3A_147, %eq3A_1840 : vector<16xi32>
    %convert_element_type3A_1842 = arith.extui %eq3A_1841 : vector<16xi1> to vector<16xi32>
    %broadcast_in_dim3A_1843 = arith.constant true
    %broadcast_in_dim3A_1844 = vector.broadcast %broadcast_in_dim3A_1843 : i1 to vector<16xi1>
    %masked_cumsum3A_1845 = tpu.scan <sum>, %convert_element_type3A_1842 masked %broadcast_in_dim3A_1844 : vector<16xi32>, vector<16xi1> -> vector<16xi32>
    %sub3A_1846 = arith.subi %masked_cumsum3A_1845, %convert_element_type3A_1842 : vector<16xi32>
    %add3A_1847 = arith.addi %sub3A_1846, %add3A_1838 : vector<16xi32>
    %mul3A_1848 = arith.constant 65536 : i32
    %mul3A_1849 = vector.broadcast %mul3A_1848 : i32 to vector<16xi32>
    %mul3A_1850 = arith.muli %select_n3A_147, %mul3A_1849 : vector<16xi32>
    %add3A_1851 = arith.addi %mul3A_1850, %add3A_1847 : vector<16xi32>
    %get3A_1852 = arith.constant 16 : index
    %get3A_1853 = tpu.vector_load %arg7[%get3A_1852] {strides = array<i32>} : memref<128xi32, #tpu.memory_space<vmem>>, vector<16xi32>,
    %select_n3A_1854 = arith.select %eq3A_1841, %add3A_1851, %get3A_1853 : vector<16xi1>, vector<16xi32>
    %swap3A_1855 = arith.constant 16 : index
    %swap3A_1856 = tpu.vector_load %arg7[%swap3A_1855] {strides = array<i32>} : memref<128xi32, #tpu.memory_space<vmem>>, vector<16xi32>,
    tpu.vector_store %arg7[%swap3A_1855], %select_n3A_1854 {strides = array<i32>} : memref<128xi32, #tpu.memory_space<vmem>>, vector<16xi32>,
    %reduce_sum3A_1857 = arith.constant true
    %reduce_sum3A_1858 = vector.broadcast %reduce_sum3A_1857 : i1 to vector<16xi1>
    %reduce_sum3A_1859 = tpu.scan <sum>, %convert_element_type3A_1842 masked %reduce_sum3A_1858 : vector<16xi32>, vector<16xi1> -> vector<16xi32>
    %reduce_sum3A_1860 = vector.extract %reduce_sum3A_1859[15] : i32 from vector<16xi32>
    %add3A_1861 = vector.broadcast %reduce_sum3A_1860 : i32 to vector<16xi32>
    %add3A_1862 = arith.addi %add3A_1838, %add3A_1861 : vector<16xi32>
    %eq3A_1863 = arith.constant 6 : i32
    %eq3A_1864 = vector.broadcast %eq3A_1863 : i32 to vector<16xi32>
    %eq3A_1865 = arith.cmpi eq, %select_n3A_231, %eq3A_1864 : vector<16xi32>
    %convert_element_type3A_1866 = arith.extui %eq3A_1865 : vector<16xi1> to vector<16xi32>
    %broadcast_in_dim3A_1867 = arith.constant true
    %broadcast_in_dim3A_1868 = vector.broadcast %broadcast_in_dim3A_1867 : i1 to vector<16xi1>
    %masked_cumsum3A_1869 = tpu.scan <sum>, %convert_element_type3A_1866 masked %broadcast_in_dim3A_1868 : vector<16xi32>, vector<16xi1> -> vector<16xi32>
    %sub3A_1870 = arith.subi %masked_cumsum3A_1869, %convert_element_type3A_1866 : vector<16xi32>
    %add3A_1871 = arith.addi %sub3A_1870, %add3A_1862 : vector<16xi32>
    %mul3A_1872 = arith.constant 65536 : i32
    %mul3A_1873 = vector.broadcast %mul3A_1872 : i32 to vector<16xi32>
    %mul3A_1874 = arith.muli %select_n3A_231, %mul3A_1873 : vector<16xi32>
    %add3A_1875 = arith.addi %mul3A_1874, %add3A_1871 : vector<16xi32>
    %get3A_1876 = arith.constant 32 : index
    %get3A_1877 = tpu.vector_load %arg7[%get3A_1876] {strides = array<i32>} : memref<128xi32, #tpu.memory_space<vmem>>, vector<16xi32>,
    %select_n3A_1878 = arith.select %eq3A_1865, %add3A_1875, %get3A_1877 : vector<16xi1>, vector<16xi32>
    %swap3A_1879 = arith.constant 32 : index
    %swap3A_1880 = tpu.vector_load %arg7[%swap3A_1879] {strides = array<i32>} : memref<128xi32, #tpu.memory_space<vmem>>, vector<16xi32>,
    tpu.vector_store %arg7[%swap3A_1879], %select_n3A_1878 {strides = array<i32>} : memref<128xi32, #tpu.memory_space<vmem>>, vector<16xi32>,
    %reduce_sum3A_1881 = arith.constant true
    %reduce_sum3A_1882 = vector.broadcast %reduce_sum3A_1881 : i1 to vector<16xi1>
    %reduce_sum3A_1883 = tpu.scan <sum>, %convert_element_type3A_1866 masked %reduce_sum3A_1882 : vector<16xi32>, vector<16xi1> -> vector<16xi32>
    %reduce_sum3A_1884 = vector.extract %reduce_sum3A_1883[15] : i32 from vector<16xi32>
    %add3A_1885 = vector.broadcast %reduce_sum3A_1884 : i32 to vector<16xi32>
    %add3A_1886 = arith.addi %add3A_1862, %add3A_1885 : vector<16xi32>
    %eq3A_1887 = arith.constant 6 : i32
    %eq3A_1888 = vector.broadcast %eq3A_1887 : i32 to vector<16xi32>
    %eq3A_1889 = arith.cmpi eq, %select_n3A_315, %eq3A_1888 : vector<16xi32>
    %convert_element_type3A_1890 = arith.extui %eq3A_1889 : vector<16xi1> to vector<16xi32>
    %broadcast_in_dim3A_1891 = arith.constant true
    %broadcast_in_dim3A_1892 = vector.broadcast %broadcast_in_dim3A_1891 : i1 to vector<16xi1>
    %masked_cumsum3A_1893 = tpu.scan <sum>, %convert_element_type3A_1890 masked %broadcast_in_dim3A_1892 : vector<16xi32>, vector<16xi1> -> vector<16xi32>
    %sub3A_1894 = arith.subi %masked_cumsum3A_1893, %convert_element_type3A_1890 : vector<16xi32>
    %add3A_1895 = arith.addi %sub3A_1894, %add3A_1886 : vector<16xi32>
    %mul3A_1896 = arith.constant 65536 : i32
    %mul3A_1897 = vector.broadcast %mul3A_1896 : i32 to vector<16xi32>
    %mul3A_1898 = arith.muli %select_n3A_315, %mul3A_1897 : vector<16xi32>
    %add3A_1899 = arith.addi %mul3A_1898, %add3A_1895 : vector<16xi32>
    %get3A_1900 = arith.constant 48 : index
    %get3A_1901 = tpu.vector_load %arg7[%get3A_1900] {strides = array<i32>} : memref<128xi32, #tpu.memory_space<vmem>>, vector<16xi32>,
    %select_n3A_1902 = arith.select %eq3A_1889, %add3A_1899, %get3A_1901 : vector<16xi1>, vector<16xi32>
    %swap3A_1903 = arith.constant 48 : index
    %swap3A_1904 = tpu.vector_load %arg7[%swap3A_1903] {strides = array<i32>} : memref<128xi32, #tpu.memory_space<vmem>>, vector<16xi32>,
    tpu.vector_store %arg7[%swap3A_1903], %select_n3A_1902 {strides = array<i32>} : memref<128xi32, #tpu.memory_space<vmem>>, vector<16xi32>,
    %reduce_sum3A_1905 = arith.constant true
    %reduce_sum3A_1906 = vector.broadcast %reduce_sum3A_1905 : i1 to vector<16xi1>
    %reduce_sum3A_1907 = tpu.scan <sum>, %convert_element_type3A_1890 masked %reduce_sum3A_1906 : vector<16xi32>, vector<16xi1> -> vector<16xi32>
    %reduce_sum3A_1908 = vector.extract %reduce_sum3A_1907[15] : i32 from vector<16xi32>
    %add3A_1909 = vector.broadcast %reduce_sum3A_1908 : i32 to vector<16xi32>
    %add3A_1910 = arith.addi %add3A_1886, %add3A_1909 : vector<16xi32>
    %eq3A_1911 = arith.constant 6 : i32
    %eq3A_1912 = vector.broadcast %eq3A_1911 : i32 to vector<16xi32>
    %eq3A_1913 = arith.cmpi eq, %select_n3A_399, %eq3A_1912 : vector<16xi32>
    %convert_element_type3A_1914 = arith.extui %eq3A_1913 : vector<16xi1> to vector<16xi32>
    %broadcast_in_dim3A_1915 = arith.constant true
    %broadcast_in_dim3A_1916 = vector.broadcast %broadcast_in_dim3A_1915 : i1 to vector<16xi1>
    %masked_cumsum3A_1917 = tpu.scan <sum>, %convert_element_type3A_1914 masked %broadcast_in_dim3A_1916 : vector<16xi32>, vector<16xi1> -> vector<16xi32>
    %sub3A_1918 = arith.subi %masked_cumsum3A_1917, %convert_element_type3A_1914 : vector<16xi32>
    %add3A_1919 = arith.addi %sub3A_1918, %add3A_1910 : vector<16xi32>
    %mul3A_1920 = arith.constant 65536 : i32
    %mul3A_1921 = vector.broadcast %mul3A_1920 : i32 to vector<16xi32>
    %mul3A_1922 = arith.muli %select_n3A_399, %mul3A_1921 : vector<16xi32>
    %add3A_1923 = arith.addi %mul3A_1922, %add3A_1919 : vector<16xi32>
    %get3A_1924 = arith.constant 64 : index
    %get3A_1925 = tpu.vector_load %arg7[%get3A_1924] {strides = array<i32>} : memref<128xi32, #tpu.memory_space<vmem>>, vector<16xi32>,
    %select_n3A_1926 = arith.select %eq3A_1913, %add3A_1923, %get3A_1925 : vector<16xi1>, vector<16xi32>
    %swap3A_1927 = arith.constant 64 : index
    %swap3A_1928 = tpu.vector_load %arg7[%swap3A_1927] {strides = array<i32>} : memref<128xi32, #tpu.memory_space<vmem>>, vector<16xi32>,
    tpu.vector_store %arg7[%swap3A_1927], %select_n3A_1926 {strides = array<i32>} : memref<128xi32, #tpu.memory_space<vmem>>, vector<16xi32>,
    %reduce_sum3A_1929 = arith.constant true
    %reduce_sum3A_1930 = vector.broadcast %reduce_sum3A_1929 : i1 to vector<16xi1>
    %reduce_sum3A_1931 = tpu.scan <sum>, %convert_element_type3A_1914 masked %reduce_sum3A_1930 : vector<16xi32>, vector<16xi1> -> vector<16xi32>
    %reduce_sum3A_1932 = vector.extract %reduce_sum3A_1931[15] : i32 from vector<16xi32>
    %add3A_1933 = vector.broadcast %reduce_sum3A_1932 : i32 to vector<16xi32>
    %add3A_1934 = arith.addi %add3A_1910, %add3A_1933 : vector<16xi32>
    %eq3A_1935 = arith.constant 6 : i32
    %eq3A_1936 = vector.broadcast %eq3A_1935 : i32 to vector<16xi32>
    %eq3A_1937 = arith.cmpi eq, %select_n3A_483, %eq3A_1936 : vector<16xi32>
    %convert_element_type3A_1938 = arith.extui %eq3A_1937 : vector<16xi1> to vector<16xi32>
    %broadcast_in_dim3A_1939 = arith.constant true
    %broadcast_in_dim3A_1940 = vector.broadcast %broadcast_in_dim3A_1939 : i1 to vector<16xi1>
    %masked_cumsum3A_1941 = tpu.scan <sum>, %convert_element_type3A_1938 masked %broadcast_in_dim3A_1940 : vector<16xi32>, vector<16xi1> -> vector<16xi32>
    %sub3A_1942 = arith.subi %masked_cumsum3A_1941, %convert_element_type3A_1938 : vector<16xi32>
    %add3A_1943 = arith.addi %sub3A_1942, %add3A_1934 : vector<16xi32>
    %mul3A_1944 = arith.constant 65536 : i32
    %mul3A_1945 = vector.broadcast %mul3A_1944 : i32 to vector<16xi32>
    %mul3A_1946 = arith.muli %select_n3A_483, %mul3A_1945 : vector<16xi32>
    %add3A_1947 = arith.addi %mul3A_1946, %add3A_1943 : vector<16xi32>
    %get3A_1948 = arith.constant 80 : index
    %get3A_1949 = tpu.vector_load %arg7[%get3A_1948] {strides = array<i32>} : memref<128xi32, #tpu.memory_space<vmem>>, vector<16xi32>,
    %select_n3A_1950 = arith.select %eq3A_1937, %add3A_1947, %get3A_1949 : vector<16xi1>, vector<16xi32>
    %swap3A_1951 = arith.constant 80 : index
    %swap3A_1952 = tpu.vector_load %arg7[%swap3A_1951] {strides = array<i32>} : memref<128xi32, #tpu.memory_space<vmem>>, vector<16xi32>,
    tpu.vector_store %arg7[%swap3A_1951], %select_n3A_1950 {strides = array<i32>} : memref<128xi32, #tpu.memory_space<vmem>>, vector<16xi32>,
    %reduce_sum3A_1953 = arith.constant true
    %reduce_sum3A_1954 = vector.broadcast %reduce_sum3A_1953 : i1 to vector<16xi1>
    %reduce_sum3A_1955 = tpu.scan <sum>, %convert_element_type3A_1938 masked %reduce_sum3A_1954 : vector<16xi32>, vector<16xi1> -> vector<16xi32>
    %reduce_sum3A_1956 = vector.extract %reduce_sum3A_1955[15] : i32 from vector<16xi32>
    %add3A_1957 = vector.broadcast %reduce_sum3A_1956 : i32 to vector<16xi32>
    %add3A_1958 = arith.addi %add3A_1934, %add3A_1957 : vector<16xi32>
    %eq3A_1959 = arith.constant 6 : i32
    %eq3A_1960 = vector.broadcast %eq3A_1959 : i32 to vector<16xi32>
    %eq3A_1961 = arith.cmpi eq, %select_n3A_567, %eq3A_1960 : vector<16xi32>
    %convert_element_type3A_1962 = arith.extui %eq3A_1961 : vector<16xi1> to vector<16xi32>
    %broadcast_in_dim3A_1963 = arith.constant true
    %broadcast_in_dim3A_1964 = vector.broadcast %broadcast_in_dim3A_1963 : i1 to vector<16xi1>
    %masked_cumsum3A_1965 = tpu.scan <sum>, %convert_element_type3A_1962 masked %broadcast_in_dim3A_1964 : vector<16xi32>, vector<16xi1> -> vector<16xi32>
    %sub3A_1966 = arith.subi %masked_cumsum3A_1965, %convert_element_type3A_1962 : vector<16xi32>
    %add3A_1967 = arith.addi %sub3A_1966, %add3A_1958 : vector<16xi32>
    %mul3A_1968 = arith.constant 65536 : i32
    %mul3A_1969 = vector.broadcast %mul3A_1968 : i32 to vector<16xi32>
    %mul3A_1970 = arith.muli %select_n3A_567, %mul3A_1969 : vector<16xi32>
    %add3A_1971 = arith.addi %mul3A_1970, %add3A_1967 : vector<16xi32>
    %get3A_1972 = arith.constant 96 : index
    %get3A_1973 = tpu.vector_load %arg7[%get3A_1972] {strides = array<i32>} : memref<128xi32, #tpu.memory_space<vmem>>, vector<16xi32>,
    %select_n3A_1974 = arith.select %eq3A_1961, %add3A_1971, %get3A_1973 : vector<16xi1>, vector<16xi32>
    %swap3A_1975 = arith.constant 96 : index
    %swap3A_1976 = tpu.vector_load %arg7[%swap3A_1975] {strides = array<i32>} : memref<128xi32, #tpu.memory_space<vmem>>, vector<16xi32>,
    tpu.vector_store %arg7[%swap3A_1975], %select_n3A_1974 {strides = array<i32>} : memref<128xi32, #tpu.memory_space<vmem>>, vector<16xi32>,
    %reduce_sum3A_1977 = arith.constant true
    %reduce_sum3A_1978 = vector.broadcast %reduce_sum3A_1977 : i1 to vector<16xi1>
    %reduce_sum3A_1979 = tpu.scan <sum>, %convert_element_type3A_1962 masked %reduce_sum3A_1978 : vector<16xi32>, vector<16xi1> -> vector<16xi32>
    %reduce_sum3A_1980 = vector.extract %reduce_sum3A_1979[15] : i32 from vector<16xi32>
    %add3A_1981 = vector.broadcast %reduce_sum3A_1980 : i32 to vector<16xi32>
    %add3A_1982 = arith.addi %add3A_1958, %add3A_1981 : vector<16xi32>
    %eq3A_1983 = arith.constant 6 : i32
    %eq3A_1984 = vector.broadcast %eq3A_1983 : i32 to vector<16xi32>
    %eq3A_1985 = arith.cmpi eq, %select_n3A_651, %eq3A_1984 : vector<16xi32>
    %convert_element_type3A_1986 = arith.extui %eq3A_1985 : vector<16xi1> to vector<16xi32>
    %broadcast_in_dim3A_1987 = arith.constant true
    %broadcast_in_dim3A_1988 = vector.broadcast %broadcast_in_dim3A_1987 : i1 to vector<16xi1>
    %masked_cumsum3A_1989 = tpu.scan <sum>, %convert_element_type3A_1986 masked %broadcast_in_dim3A_1988 : vector<16xi32>, vector<16xi1> -> vector<16xi32>
    %sub3A_1990 = arith.subi %masked_cumsum3A_1989, %convert_element_type3A_1986 : vector<16xi32>
    %add3A_1991 = arith.addi %sub3A_1990, %add3A_1982 : vector<16xi32>
    %mul3A_1992 = arith.constant 65536 : i32
    %mul3A_1993 = vector.broadcast %mul3A_1992 : i32 to vector<16xi32>
    %mul3A_1994 = arith.muli %select_n3A_651, %mul3A_1993 : vector<16xi32>
    %add3A_1995 = arith.addi %mul3A_1994, %add3A_1991 : vector<16xi32>
    %get3A_1996 = arith.constant 112 : index
    %get3A_1997 = tpu.vector_load %arg7[%get3A_1996] {strides = array<i32>} : memref<128xi32, #tpu.memory_space<vmem>>, vector<16xi32>,
    %select_n3A_1998 = arith.select %eq3A_1985, %add3A_1995, %get3A_1997 : vector<16xi1>, vector<16xi32>
    %swap3A_1999 = arith.constant 112 : index
    %swap3A_2000 = tpu.vector_load %arg7[%swap3A_1999] {strides = array<i32>} : memref<128xi32, #tpu.memory_space<vmem>>, vector<16xi32>,
    tpu.vector_store %arg7[%swap3A_1999], %select_n3A_1998 {strides = array<i32>} : memref<128xi32, #tpu.memory_space<vmem>>, vector<16xi32>,
    %reduce_sum3A_2001 = arith.constant true
    %reduce_sum3A_2002 = vector.broadcast %reduce_sum3A_2001 : i1 to vector<16xi1>
    %reduce_sum3A_2003 = tpu.scan <sum>, %convert_element_type3A_1986 masked %reduce_sum3A_2002 : vector<16xi32>, vector<16xi1> -> vector<16xi32>
    %reduce_sum3A_2004 = vector.extract %reduce_sum3A_2003[15] : i32 from vector<16xi32>
    %add3A_2005 = vector.broadcast %reduce_sum3A_2004 : i32 to vector<16xi32>
    %add3A_2006 = arith.addi %add3A_1982, %add3A_2005 : vector<16xi32>
    %eq3A_2007 = arith.constant 6 : i32
    %eq3A_2008 = vector.broadcast %eq3A_2007 : i32 to vector<16xi32>
    %eq3A_2009 = arith.cmpi eq, %iota3A, %eq3A_2008 : vector<16xi32>
    %select_n3A_2010 = arith.select %eq3A_2009, %add3A_2006, %select_n3A_1812 : vector<16xi1>, vector<16xi32>
    %broadcast_in_dim3A_2011 = arith.constant 0 : i32
    %broadcast_in_dim3A_2012 = vector.broadcast %broadcast_in_dim3A_2011 : i32 to vector<16xi32>
    %eq3A_2013 = arith.constant 7 : i32
    %eq3A_2014 = vector.broadcast %eq3A_2013 : i32 to vector<16xi32>
    %eq3A_2015 = arith.cmpi eq, %select_n3A_67, %eq3A_2014 : vector<16xi32>
    %convert_element_type3A_2016 = arith.extui %eq3A_2015 : vector<16xi1> to vector<16xi32>
    %broadcast_in_dim3A_2017 = arith.constant true
    %broadcast_in_dim3A_2018 = vector.broadcast %broadcast_in_dim3A_2017 : i1 to vector<16xi1>
    %masked_cumsum3A_2019 = tpu.scan <sum>, %convert_element_type3A_2016 masked %broadcast_in_dim3A_2018 : vector<16xi32>, vector<16xi1> -> vector<16xi32>
    %sub3A_2020 = arith.subi %masked_cumsum3A_2019, %convert_element_type3A_2016 : vector<16xi32>
    %add3A_2021 = arith.addi %sub3A_2020, %broadcast_in_dim3A_2012 : vector<16xi32>
    %mul3A_2022 = arith.constant 65536 : i32
    %mul3A_2023 = vector.broadcast %mul3A_2022 : i32 to vector<16xi32>
    %mul3A_2024 = arith.muli %select_n3A_67, %mul3A_2023 : vector<16xi32>
    %add3A_2025 = arith.addi %mul3A_2024, %add3A_2021 : vector<16xi32>
    %get3A_2026 = arith.constant 0 : index
    %get3A_2027 = tpu.vector_load %arg7[%get3A_2026] {strides = array<i32>} : memref<128xi32, #tpu.memory_space<vmem>>, vector<16xi32>,
    %select_n3A_2028 = arith.select %eq3A_2015, %add3A_2025, %get3A_2027 : vector<16xi1>, vector<16xi32>
    %swap3A_2029 = arith.constant 0 : index
    %swap3A_2030 = tpu.vector_load %arg7[%swap3A_2029] {strides = array<i32>} : memref<128xi32, #tpu.memory_space<vmem>>, vector<16xi32>,
    tpu.vector_store %arg7[%swap3A_2029], %select_n3A_2028 {strides = array<i32>} : memref<128xi32, #tpu.memory_space<vmem>>, vector<16xi32>,
    %reduce_sum3A_2031 = arith.constant true
    %reduce_sum3A_2032 = vector.broadcast %reduce_sum3A_2031 : i1 to vector<16xi1>
    %reduce_sum3A_2033 = tpu.scan <sum>, %convert_element_type3A_2016 masked %reduce_sum3A_2032 : vector<16xi32>, vector<16xi1> -> vector<16xi32>
    %reduce_sum3A_2034 = vector.extract %reduce_sum3A_2033[15] : i32 from vector<16xi32>
    %add3A_2035 = vector.broadcast %reduce_sum3A_2034 : i32 to vector<16xi32>
    %add3A_2036 = arith.addi %broadcast_in_dim3A_2012, %add3A_2035 : vector<16xi32>
    %eq3A_2037 = arith.constant 7 : i32
    %eq3A_2038 = vector.broadcast %eq3A_2037 : i32 to vector<16xi32>
    %eq3A_2039 = arith.cmpi eq, %select_n3A_147, %eq3A_2038 : vector<16xi32>
    %convert_element_type3A_2040 = arith.extui %eq3A_2039 : vector<16xi1> to vector<16xi32>
    %broadcast_in_dim3A_2041 = arith.constant true
    %broadcast_in_dim3A_2042 = vector.broadcast %broadcast_in_dim3A_2041 : i1 to vector<16xi1>
    %masked_cumsum3A_2043 = tpu.scan <sum>, %convert_element_type3A_2040 masked %broadcast_in_dim3A_2042 : vector<16xi32>, vector<16xi1> -> vector<16xi32>
    %sub3A_2044 = arith.subi %masked_cumsum3A_2043, %convert_element_type3A_2040 : vector<16xi32>
    %add3A_2045 = arith.addi %sub3A_2044, %add3A_2036 : vector<16xi32>
    %mul3A_2046 = arith.constant 65536 : i32
    %mul3A_2047 = vector.broadcast %mul3A_2046 : i32 to vector<16xi32>
    %mul3A_2048 = arith.muli %select_n3A_147, %mul3A_2047 : vector<16xi32>
    %add3A_2049 = arith.addi %mul3A_2048, %add3A_2045 : vector<16xi32>
    %get3A_2050 = arith.constant 16 : index
    %get3A_2051 = tpu.vector_load %arg7[%get3A_2050] {strides = array<i32>} : memref<128xi32, #tpu.memory_space<vmem>>, vector<16xi32>,
    %select_n3A_2052 = arith.select %eq3A_2039, %add3A_2049, %get3A_2051 : vector<16xi1>, vector<16xi32>
    %swap3A_2053 = arith.constant 16 : index
    %swap3A_2054 = tpu.vector_load %arg7[%swap3A_2053] {strides = array<i32>} : memref<128xi32, #tpu.memory_space<vmem>>, vector<16xi32>,
    tpu.vector_store %arg7[%swap3A_2053], %select_n3A_2052 {strides = array<i32>} : memref<128xi32, #tpu.memory_space<vmem>>, vector<16xi32>,
    %reduce_sum3A_2055 = arith.constant true
    %reduce_sum3A_2056 = vector.broadcast %reduce_sum3A_2055 : i1 to vector<16xi1>
    %reduce_sum3A_2057 = tpu.scan <sum>, %convert_element_type3A_2040 masked %reduce_sum3A_2056 : vector<16xi32>, vector<16xi1> -> vector<16xi32>
    %reduce_sum3A_2058 = vector.extract %reduce_sum3A_2057[15] : i32 from vector<16xi32>
    %add3A_2059 = vector.broadcast %reduce_sum3A_2058 : i32 to vector<16xi32>
    %add3A_2060 = arith.addi %add3A_2036, %add3A_2059 : vector<16xi32>
    %eq3A_2061 = arith.constant 7 : i32
    %eq3A_2062 = vector.broadcast %eq3A_2061 : i32 to vector<16xi32>
    %eq3A_2063 = arith.cmpi eq, %select_n3A_231, %eq3A_2062 : vector<16xi32>
    %convert_element_type3A_2064 = arith.extui %eq3A_2063 : vector<16xi1> to vector<16xi32>
    %broadcast_in_dim3A_2065 = arith.constant true
    %broadcast_in_dim3A_2066 = vector.broadcast %broadcast_in_dim3A_2065 : i1 to vector<16xi1>
    %masked_cumsum3A_2067 = tpu.scan <sum>, %convert_element_type3A_2064 masked %broadcast_in_dim3A_2066 : vector<16xi32>, vector<16xi1> -> vector<16xi32>
    %sub3A_2068 = arith.subi %masked_cumsum3A_2067, %convert_element_type3A_2064 : vector<16xi32>
    %add3A_2069 = arith.addi %sub3A_2068, %add3A_2060 : vector<16xi32>
    %mul3A_2070 = arith.constant 65536 : i32
    %mul3A_2071 = vector.broadcast %mul3A_2070 : i32 to vector<16xi32>
    %mul3A_2072 = arith.muli %select_n3A_231, %mul3A_2071 : vector<16xi32>
    %add3A_2073 = arith.addi %mul3A_2072, %add3A_2069 : vector<16xi32>
    %get3A_2074 = arith.constant 32 : index
    %get3A_2075 = tpu.vector_load %arg7[%get3A_2074] {strides = array<i32>} : memref<128xi32, #tpu.memory_space<vmem>>, vector<16xi32>,
    %select_n3A_2076 = arith.select %eq3A_2063, %add3A_2073, %get3A_2075 : vector<16xi1>, vector<16xi32>
    %swap3A_2077 = arith.constant 32 : index
    %swap3A_2078 = tpu.vector_load %arg7[%swap3A_2077] {strides = array<i32>} : memref<128xi32, #tpu.memory_space<vmem>>, vector<16xi32>,
    tpu.vector_store %arg7[%swap3A_2077], %select_n3A_2076 {strides = array<i32>} : memref<128xi32, #tpu.memory_space<vmem>>, vector<16xi32>,
    %reduce_sum3A_2079 = arith.constant true
    %reduce_sum3A_2080 = vector.broadcast %reduce_sum3A_2079 : i1 to vector<16xi1>
    %reduce_sum3A_2081 = tpu.scan <sum>, %convert_element_type3A_2064 masked %reduce_sum3A_2080 : vector<16xi32>, vector<16xi1> -> vector<16xi32>
    %reduce_sum3A_2082 = vector.extract %reduce_sum3A_2081[15] : i32 from vector<16xi32>
    %add3A_2083 = vector.broadcast %reduce_sum3A_2082 : i32 to vector<16xi32>
    %add3A_2084 = arith.addi %add3A_2060, %add3A_2083 : vector<16xi32>
    %eq3A_2085 = arith.constant 7 : i32
    %eq3A_2086 = vector.broadcast %eq3A_2085 : i32 to vector<16xi32>
    %eq3A_2087 = arith.cmpi eq, %select_n3A_315, %eq3A_2086 : vector<16xi32>
    %convert_element_type3A_2088 = arith.extui %eq3A_2087 : vector<16xi1> to vector<16xi32>
    %broadcast_in_dim3A_2089 = arith.constant true
    %broadcast_in_dim3A_2090 = vector.broadcast %broadcast_in_dim3A_2089 : i1 to vector<16xi1>
    %masked_cumsum3A_2091 = tpu.scan <sum>, %convert_element_type3A_2088 masked %broadcast_in_dim3A_2090 : vector<16xi32>, vector<16xi1> -> vector<16xi32>
    %sub3A_2092 = arith.subi %masked_cumsum3A_2091, %convert_element_type3A_2088 : vector<16xi32>
    %add3A_2093 = arith.addi %sub3A_2092, %add3A_2084 : vector<16xi32>
    %mul3A_2094 = arith.constant 65536 : i32
    %mul3A_2095 = vector.broadcast %mul3A_2094 : i32 to vector<16xi32>
    %mul3A_2096 = arith.muli %select_n3A_315, %mul3A_2095 : vector<16xi32>
    %add3A_2097 = arith.addi %mul3A_2096, %add3A_2093 : vector<16xi32>
    %get3A_2098 = arith.constant 48 : index
    %get3A_2099 = tpu.vector_load %arg7[%get3A_2098] {strides = array<i32>} : memref<128xi32, #tpu.memory_space<vmem>>, vector<16xi32>,
    %select_n3A_2100 = arith.select %eq3A_2087, %add3A_2097, %get3A_2099 : vector<16xi1>, vector<16xi32>
    %swap3A_2101 = arith.constant 48 : index
    %swap3A_2102 = tpu.vector_load %arg7[%swap3A_2101] {strides = array<i32>} : memref<128xi32, #tpu.memory_space<vmem>>, vector<16xi32>,
    tpu.vector_store %arg7[%swap3A_2101], %select_n3A_2100 {strides = array<i32>} : memref<128xi32, #tpu.memory_space<vmem>>, vector<16xi32>,
    %reduce_sum3A_2103 = arith.constant true
    %reduce_sum3A_2104 = vector.broadcast %reduce_sum3A_2103 : i1 to vector<16xi1>
    %reduce_sum3A_2105 = tpu.scan <sum>, %convert_element_type3A_2088 masked %reduce_sum3A_2104 : vector<16xi32>, vector<16xi1> -> vector<16xi32>
    %reduce_sum3A_2106 = vector.extract %reduce_sum3A_2105[15] : i32 from vector<16xi32>
    %add3A_2107 = vector.broadcast %reduce_sum3A_2106 : i32 to vector<16xi32>
    %add3A_2108 = arith.addi %add3A_2084, %add3A_2107 : vector<16xi32>
    %eq3A_2109 = arith.constant 7 : i32
    %eq3A_2110 = vector.broadcast %eq3A_2109 : i32 to vector<16xi32>
    %eq3A_2111 = arith.cmpi eq, %select_n3A_399, %eq3A_2110 : vector<16xi32>
    %convert_element_type3A_2112 = arith.extui %eq3A_2111 : vector<16xi1> to vector<16xi32>
    %broadcast_in_dim3A_2113 = arith.constant true
    %broadcast_in_dim3A_2114 = vector.broadcast %broadcast_in_dim3A_2113 : i1 to vector<16xi1>
    %masked_cumsum3A_2115 = tpu.scan <sum>, %convert_element_type3A_2112 masked %broadcast_in_dim3A_2114 : vector<16xi32>, vector<16xi1> -> vector<16xi32>
    %sub3A_2116 = arith.subi %masked_cumsum3A_2115, %convert_element_type3A_2112 : vector<16xi32>
    %add3A_2117 = arith.addi %sub3A_2116, %add3A_2108 : vector<16xi32>
    %mul3A_2118 = arith.constant 65536 : i32
    %mul3A_2119 = vector.broadcast %mul3A_2118 : i32 to vector<16xi32>
    %mul3A_2120 = arith.muli %select_n3A_399, %mul3A_2119 : vector<16xi32>
    %add3A_2121 = arith.addi %mul3A_2120, %add3A_2117 : vector<16xi32>
    %get3A_2122 = arith.constant 64 : index
    %get3A_2123 = tpu.vector_load %arg7[%get3A_2122] {strides = array<i32>} : memref<128xi32, #tpu.memory_space<vmem>>, vector<16xi32>,
    %select_n3A_2124 = arith.select %eq3A_2111, %add3A_2121, %get3A_2123 : vector<16xi1>, vector<16xi32>
    %swap3A_2125 = arith.constant 64 : index
    %swap3A_2126 = tpu.vector_load %arg7[%swap3A_2125] {strides = array<i32>} : memref<128xi32, #tpu.memory_space<vmem>>, vector<16xi32>,
    tpu.vector_store %arg7[%swap3A_2125], %select_n3A_2124 {strides = array<i32>} : memref<128xi32, #tpu.memory_space<vmem>>, vector<16xi32>,
    %reduce_sum3A_2127 = arith.constant true
    %reduce_sum3A_2128 = vector.broadcast %reduce_sum3A_2127 : i1 to vector<16xi1>
    %reduce_sum3A_2129 = tpu.scan <sum>, %convert_element_type3A_2112 masked %reduce_sum3A_2128 : vector<16xi32>, vector<16xi1> -> vector<16xi32>
    %reduce_sum3A_2130 = vector.extract %reduce_sum3A_2129[15] : i32 from vector<16xi32>
    %add3A_2131 = vector.broadcast %reduce_sum3A_2130 : i32 to vector<16xi32>
    %add3A_2132 = arith.addi %add3A_2108, %add3A_2131 : vector<16xi32>
    %eq3A_2133 = arith.constant 7 : i32
    %eq3A_2134 = vector.broadcast %eq3A_2133 : i32 to vector<16xi32>
    %eq3A_2135 = arith.cmpi eq, %select_n3A_483, %eq3A_2134 : vector<16xi32>
    %convert_element_type3A_2136 = arith.extui %eq3A_2135 : vector<16xi1> to vector<16xi32>
    %broadcast_in_dim3A_2137 = arith.constant true
    %broadcast_in_dim3A_2138 = vector.broadcast %broadcast_in_dim3A_2137 : i1 to vector<16xi1>
    %masked_cumsum3A_2139 = tpu.scan <sum>, %convert_element_type3A_2136 masked %broadcast_in_dim3A_2138 : vector<16xi32>, vector<16xi1> -> vector<16xi32>
    %sub3A_2140 = arith.subi %masked_cumsum3A_2139, %convert_element_type3A_2136 : vector<16xi32>
    %add3A_2141 = arith.addi %sub3A_2140, %add3A_2132 : vector<16xi32>
    %mul3A_2142 = arith.constant 65536 : i32
    %mul3A_2143 = vector.broadcast %mul3A_2142 : i32 to vector<16xi32>
    %mul3A_2144 = arith.muli %select_n3A_483, %mul3A_2143 : vector<16xi32>
    %add3A_2145 = arith.addi %mul3A_2144, %add3A_2141 : vector<16xi32>
    %get3A_2146 = arith.constant 80 : index
    %get3A_2147 = tpu.vector_load %arg7[%get3A_2146] {strides = array<i32>} : memref<128xi32, #tpu.memory_space<vmem>>, vector<16xi32>,
    %select_n3A_2148 = arith.select %eq3A_2135, %add3A_2145, %get3A_2147 : vector<16xi1>, vector<16xi32>
    %swap3A_2149 = arith.constant 80 : index
    %swap3A_2150 = tpu.vector_load %arg7[%swap3A_2149] {strides = array<i32>} : memref<128xi32, #tpu.memory_space<vmem>>, vector<16xi32>,
    tpu.vector_store %arg7[%swap3A_2149], %select_n3A_2148 {strides = array<i32>} : memref<128xi32, #tpu.memory_space<vmem>>, vector<16xi32>,
    %reduce_sum3A_2151 = arith.constant true
    %reduce_sum3A_2152 = vector.broadcast %reduce_sum3A_2151 : i1 to vector<16xi1>
    %reduce_sum3A_2153 = tpu.scan <sum>, %convert_element_type3A_2136 masked %reduce_sum3A_2152 : vector<16xi32>, vector<16xi1> -> vector<16xi32>
    %reduce_sum3A_2154 = vector.extract %reduce_sum3A_2153[15] : i32 from vector<16xi32>
    %add3A_2155 = vector.broadcast %reduce_sum3A_2154 : i32 to vector<16xi32>
    %add3A_2156 = arith.addi %add3A_2132, %add3A_2155 : vector<16xi32>
    %eq3A_2157 = arith.constant 7 : i32
    %eq3A_2158 = vector.broadcast %eq3A_2157 : i32 to vector<16xi32>
    %eq3A_2159 = arith.cmpi eq, %select_n3A_567, %eq3A_2158 : vector<16xi32>
    %convert_element_type3A_2160 = arith.extui %eq3A_2159 : vector<16xi1> to vector<16xi32>
    %broadcast_in_dim3A_2161 = arith.constant true
    %broadcast_in_dim3A_2162 = vector.broadcast %broadcast_in_dim3A_2161 : i1 to vector<16xi1>
    %masked_cumsum3A_2163 = tpu.scan <sum>, %convert_element_type3A_2160 masked %broadcast_in_dim3A_2162 : vector<16xi32>, vector<16xi1> -> vector<16xi32>
    %sub3A_2164 = arith.subi %masked_cumsum3A_2163, %convert_element_type3A_2160 : vector<16xi32>
    %add3A_2165 = arith.addi %sub3A_2164, %add3A_2156 : vector<16xi32>
    %mul3A_2166 = arith.constant 65536 : i32
    %mul3A_2167 = vector.broadcast %mul3A_2166 : i32 to vector<16xi32>
    %mul3A_2168 = arith.muli %select_n3A_567, %mul3A_2167 : vector<16xi32>
    %add3A_2169 = arith.addi %mul3A_2168, %add3A_2165 : vector<16xi32>
    %get3A_2170 = arith.constant 96 : index
    %get3A_2171 = tpu.vector_load %arg7[%get3A_2170] {strides = array<i32>} : memref<128xi32, #tpu.memory_space<vmem>>, vector<16xi32>,
    %select_n3A_2172 = arith.select %eq3A_2159, %add3A_2169, %get3A_2171 : vector<16xi1>, vector<16xi32>
    %swap3A_2173 = arith.constant 96 : index
    %swap3A_2174 = tpu.vector_load %arg7[%swap3A_2173] {strides = array<i32>} : memref<128xi32, #tpu.memory_space<vmem>>, vector<16xi32>,
    tpu.vector_store %arg7[%swap3A_2173], %select_n3A_2172 {strides = array<i32>} : memref<128xi32, #tpu.memory_space<vmem>>, vector<16xi32>,
    %reduce_sum3A_2175 = arith.constant true
    %reduce_sum3A_2176 = vector.broadcast %reduce_sum3A_2175 : i1 to vector<16xi1>
    %reduce_sum3A_2177 = tpu.scan <sum>, %convert_element_type3A_2160 masked %reduce_sum3A_2176 : vector<16xi32>, vector<16xi1> -> vector<16xi32>
    %reduce_sum3A_2178 = vector.extract %reduce_sum3A_2177[15] : i32 from vector<16xi32>
    %add3A_2179 = vector.broadcast %reduce_sum3A_2178 : i32 to vector<16xi32>
    %add3A_2180 = arith.addi %add3A_2156, %add3A_2179 : vector<16xi32>
    %eq3A_2181 = arith.constant 7 : i32
    %eq3A_2182 = vector.broadcast %eq3A_2181 : i32 to vector<16xi32>
    %eq3A_2183 = arith.cmpi eq, %select_n3A_651, %eq3A_2182 : vector<16xi32>
    %convert_element_type3A_2184 = arith.extui %eq3A_2183 : vector<16xi1> to vector<16xi32>
    %broadcast_in_dim3A_2185 = arith.constant true
    %broadcast_in_dim3A_2186 = vector.broadcast %broadcast_in_dim3A_2185 : i1 to vector<16xi1>
    %masked_cumsum3A_2187 = tpu.scan <sum>, %convert_element_type3A_2184 masked %broadcast_in_dim3A_2186 : vector<16xi32>, vector<16xi1> -> vector<16xi32>
    %sub3A_2188 = arith.subi %masked_cumsum3A_2187, %convert_element_type3A_2184 : vector<16xi32>
    %add3A_2189 = arith.addi %sub3A_2188, %add3A_2180 : vector<16xi32>
    %mul3A_2190 = arith.constant 65536 : i32
    %mul3A_2191 = vector.broadcast %mul3A_2190 : i32 to vector<16xi32>
    %mul3A_2192 = arith.muli %select_n3A_651, %mul3A_2191 : vector<16xi32>
    %add3A_2193 = arith.addi %mul3A_2192, %add3A_2189 : vector<16xi32>
    %get3A_2194 = arith.constant 112 : index
    %get3A_2195 = tpu.vector_load %arg7[%get3A_2194] {strides = array<i32>} : memref<128xi32, #tpu.memory_space<vmem>>, vector<16xi32>,
    %select_n3A_2196 = arith.select %eq3A_2183, %add3A_2193, %get3A_2195 : vector<16xi1>, vector<16xi32>
    %swap3A_2197 = arith.constant 112 : index
    %swap3A_2198 = tpu.vector_load %arg7[%swap3A_2197] {strides = array<i32>} : memref<128xi32, #tpu.memory_space<vmem>>, vector<16xi32>,
    tpu.vector_store %arg7[%swap3A_2197], %select_n3A_2196 {strides = array<i32>} : memref<128xi32, #tpu.memory_space<vmem>>, vector<16xi32>,
    %reduce_sum3A_2199 = arith.constant true
    %reduce_sum3A_2200 = vector.broadcast %reduce_sum3A_2199 : i1 to vector<16xi1>
    %reduce_sum3A_2201 = tpu.scan <sum>, %convert_element_type3A_2184 masked %reduce_sum3A_2200 : vector<16xi32>, vector<16xi1> -> vector<16xi32>
    %reduce_sum3A_2202 = vector.extract %reduce_sum3A_2201[15] : i32 from vector<16xi32>
    %add3A_2203 = vector.broadcast %reduce_sum3A_2202 : i32 to vector<16xi32>
    %add3A_2204 = arith.addi %add3A_2180, %add3A_2203 : vector<16xi32>
    %eq3A_2205 = arith.constant 7 : i32
    %eq3A_2206 = vector.broadcast %eq3A_2205 : i32 to vector<16xi32>
    %eq3A_2207 = arith.cmpi eq, %iota3A, %eq3A_2206 : vector<16xi32>
    %select_n3A_2208 = arith.select %eq3A_2207, %add3A_2204, %select_n3A_2010 : vector<16xi1>, vector<16xi32>
    %swap3A_2209 = arith.constant 0 : index
    %swap3A_2210 = tpu.vector_load %arg9[%swap3A_2209] {strides = array<i32>} : memref<16xi32, #tpu.memory_space<vmem>>, vector<16xi32>,
    tpu.vector_store %arg9[%swap3A_2209], %select_n3A_2208 {strides = array<i32>} : memref<16xi32, #tpu.memory_space<vmem>>, vector<16xi32>,
    "tpu.region"() ({
      %run_scoped3A = tpu.sem_alloc : memref<!tpu.dma_semaphore, #tpu.memory_space<semaphore_mem>>
      %dma_start3A = tpu.memref_slice %arg3[%mul3A_2] : memref<4096xi32, #tpu.memory_space<hbm>> -> memref<128xi32, #tpu.memory_space<hbm>>
      %dma_start3A_2211 = tpu.memref_slice %arg3[%mul3A_2] : memref<4096xi32, #tpu.memory_space<hbm>> -> memref<128xi32, #tpu.memory_space<hbm>>
      tpu.enqueue_dma source(%arg7 : memref<128xi32, #tpu.memory_space<vmem>>) target(%dma_start3A_2211 : memref<128xi32, #tpu.memory_space<hbm>>) target_semaphore(%run_scoped3A : memref<!tpu.dma_semaphore, #tpu.memory_space<semaphore_mem>>)
      %dma_wait3A = tpu.memref_slice %arg3[%mul3A_2] : memref<4096xi32, #tpu.memory_space<hbm>> -> memref<128xi32, #tpu.memory_space<hbm>>
      %dma_wait3A_2212 = tpu.memref_slice %arg3[%mul3A_2] : memref<4096xi32, #tpu.memory_space<hbm>> -> memref<128xi32, #tpu.memory_space<hbm>>
      tpu.wait_dma2 semaphore(%run_scoped3A : memref<!tpu.dma_semaphore, #tpu.memory_space<semaphore_mem>>) src(%arg7 : memref<128xi32, #tpu.memory_space<vmem>>) dst(%dma_wait3A_2212 : memref<128xi32, #tpu.memory_space<hbm>>)
      tpu.yield
    }) : () -> ()
    "tpu.region"() ({
      %run_scoped3A = tpu.sem_alloc : memref<!tpu.dma_semaphore, #tpu.memory_space<semaphore_mem>>
      %dma_start3A = tpu.memref_slice %arg4[%mul3A_2] : memref<4096xf32, #tpu.memory_space<hbm>> -> memref<128xf32, #tpu.memory_space<hbm>>
      %dma_start3A_2211 = tpu.memref_slice %arg4[%mul3A_2] : memref<4096xf32, #tpu.memory_space<hbm>> -> memref<128xf32, #tpu.memory_space<hbm>>
      tpu.enqueue_dma source(%arg8 : memref<128xf32, #tpu.memory_space<vmem>>) target(%dma_start3A_2211 : memref<128xf32, #tpu.memory_space<hbm>>) target_semaphore(%run_scoped3A : memref<!tpu.dma_semaphore, #tpu.memory_space<semaphore_mem>>)
      %dma_wait3A = tpu.memref_slice %arg4[%mul3A_2] : memref<4096xf32, #tpu.memory_space<hbm>> -> memref<128xf32, #tpu.memory_space<hbm>>
      %dma_wait3A_2212 = tpu.memref_slice %arg4[%mul3A_2] : memref<4096xf32, #tpu.memory_space<hbm>> -> memref<128xf32, #tpu.memory_space<hbm>>
      tpu.wait_dma2 semaphore(%run_scoped3A : memref<!tpu.dma_semaphore, #tpu.memory_space<semaphore_mem>>) src(%arg8 : memref<128xf32, #tpu.memory_space<vmem>>) dst(%dma_wait3A_2212 : memref<128xf32, #tpu.memory_space<hbm>>)
      tpu.yield
    }) : () -> ()
    "tpu.region"() ({
      %run_scoped3A = tpu.sem_alloc : memref<!tpu.dma_semaphore, #tpu.memory_space<semaphore_mem>>
      %dma_start3A = arith.constant 0 : i32
      %dma_start3A_2211 = tpu.memref_slice %arg5[%add3A, %dma_start3A] : memref<32x16xi32, #tpu.memory_space<hbm>> -> memref<1x16xi32, #tpu.memory_space<hbm>>
      %dma_start3A_2212 = tpu.memref_squeeze %dma_start3A_2211 : memref<1x16xi32, #tpu.memory_space<hbm>> -> memref<16xi32, #tpu.memory_space<hbm>>
      %dma_start3A_2213 = arith.constant 0 : i32
      %dma_start3A_2214 = tpu.memref_slice %arg5[%add3A, %dma_start3A_2213] : memref<32x16xi32, #tpu.memory_space<hbm>> -> memref<1x16xi32, #tpu.memory_space<hbm>>
      %dma_start3A_2215 = tpu.memref_squeeze %dma_start3A_2214 : memref<1x16xi32, #tpu.memory_space<hbm>> -> memref<16xi32, #tpu.memory_space<hbm>>
      tpu.enqueue_dma source(%arg9 : memref<16xi32, #tpu.memory_space<vmem>>) target(%dma_start3A_2215 : memref<16xi32, #tpu.memory_space<hbm>>) target_semaphore(%run_scoped3A : memref<!tpu.dma_semaphore, #tpu.memory_space<semaphore_mem>>)
      %dma_wait3A = arith.constant 0 : i32
      %dma_wait3A_2216 = tpu.memref_slice %arg5[%add3A, %dma_wait3A] : memref<32x16xi32, #tpu.memory_space<hbm>> -> memref<1x16xi32, #tpu.memory_space<hbm>>
      %dma_wait3A_2217 = tpu.memref_squeeze %dma_wait3A_2216 : memref<1x16xi32, #tpu.memory_space<hbm>> -> memref<16xi32, #tpu.memory_space<hbm>>
      %dma_wait3A_2218 = arith.constant 0 : i32
      %dma_wait3A_2219 = tpu.memref_slice %arg5[%add3A, %dma_wait3A_2218] : memref<32x16xi32, #tpu.memory_space<hbm>> -> memref<1x16xi32, #tpu.memory_space<hbm>>
      %dma_wait3A_2220 = tpu.memref_squeeze %dma_wait3A_2219 : memref<1x16xi32, #tpu.memory_space<hbm>> -> memref<16xi32, #tpu.memory_space<hbm>>
      tpu.wait_dma2 semaphore(%run_scoped3A : memref<!tpu.dma_semaphore, #tpu.memory_space<semaphore_mem>>) src(%arg9 : memref<16xi32, #tpu.memory_space<vmem>>) dst(%dma_wait3A_2220 : memref<16xi32, #tpu.memory_space<hbm>>)
      tpu.yield
    }) : () -> ()
    return
  }
}

module attributes {stable_mosaic.version = 14 : i64} {
  func.func @_expand_body(%arg0: i32, %arg1: memref<128xi32, #tpu.memory_space<vmem>>, %arg2: memref<128xf32, #tpu.memory_space<vmem>>, %arg3: memref<32x16xi32, #tpu.memory_space<vmem>>, %arg4: memref<128x8x512xf32, #tpu.memory_space<vmem>>, %arg5: memref<128x8x512xi8, #tpu.memory_space<vmem>>) attributes {dimension_semantics = [#tpu.dimension_semantics<arbitrary>], iteration_bounds = array<i64: 32>, scalar_prefetch = 0 : i64, scratch_operands = 0 : i64, tpu.core_type = #tpu.core_type<tc>, window_params = [{transform_indices = @transform_0, window_bounds = array<i64: 128>}, {transform_indices = @transform_1, window_bounds = array<i64: 128>}, {pipeline_mode = #tpu.pipeline_mode<synchronous>, transform_indices = @transform_2, window_bounds = array<i64: 32, 16>}, {transform_indices = @transform_3, window_bounds = array<i64: 128, 8, 512>}, {transform_indices = @transform_4, window_bounds = array<i64: 128, 8, 512>}]} {
    %get3A = arith.constant 0 : index
    %get3A_0 = vector.load %arg1[%get3A] : memref<128xi32, #tpu.memory_space<vmem>>, vector<128xi32>
    %reshape3A = vector.shape_cast %get3A_0 : vector<128xi32> to vector<128x1xi32>
    %get3A_1 = arith.constant 0 : index
    %get3A_2 = vector.load %arg2[%get3A_1] : memref<128xf32, #tpu.memory_space<vmem>>, vector<128xf32>
    %reshape3A_3 = vector.shape_cast %get3A_2 : vector<128xf32> to vector<128x1xf32>
    %get3A_4 = arith.constant 0 : index
    %get3A_5 = arith.constant 0 : index
    %get3A_6 = vector.load %arg3[%get3A_4, %get3A_5] : memref<32x16xi32, #tpu.memory_space<vmem>>, vector<32x16xi32>
    %shift_right_arithmetic3A = arith.constant 16 : i32
    %shift_right_arithmetic3A_7 = vector.broadcast %shift_right_arithmetic3A : i32 to vector<128x1xi32>
    %shift_right_arithmetic3A_8 = arith.shrsi %reshape3A, %shift_right_arithmetic3A_7 : vector<128x1xi32>
    %and3A = arith.constant 65535 : i32
    %and3A_9 = vector.broadcast %and3A : i32 to vector<128x1xi32>
    %and3A_10 = arith.andi %reshape3A, %and3A_9 : vector<128x1xi32>
    %iota3A = tpu.iota {dimensions = array<i32: 0>} : vector<32x16xi32>
    %lt3A = vector.broadcast %arg0 : i32 to vector<32x16xi32>
    %lt3A_11 = arith.cmpi slt, %iota3A, %lt3A : vector<32x16xi32>
    %jit3A = arith.constant 0 : i32
    %broadcast_in_dim3A = vector.broadcast %jit3A : i32 to vector<32x16xi32>
    %select_n3A = arith.select %lt3A_11, %get3A_6, %broadcast_in_dim3A : vector<32x16xi1>, vector<32x16xi32>
    %reduce_sum3A = arith.constant dense<0> : vector<16xi32>
    %reduce_sum3A_12 = vector.multi_reduction <add>, %select_n3A, %reduce_sum3A [0] : vector<32x16xi32> to vector<16xi32>
    %broadcast_in_dim3A_13 = vector.shape_cast %reduce_sum3A_12 : vector<16xi32> to vector<1x16xi32>
    %iota3A_14 = tpu.iota {dimensions = array<i32: 1>} : vector<128x16xi32>
    %eq3A = vector.broadcast %shift_right_arithmetic3A_8 : vector<128x1xi32> to vector<128x16xi32>
    %eq3A_15 = arith.cmpi eq, %eq3A, %iota3A_14 : vector<128x16xi32>
    %jit3A_16 = arith.constant 0 : i32
    %broadcast_in_dim3A_17 = vector.shape_cast %broadcast_in_dim3A_13 : vector<1x16xi32> to vector<1x16xi32>
    %broadcast_in_dim3A_18 = vector.broadcast %broadcast_in_dim3A_17 : vector<1x16xi32> to vector<128x16xi32>
    %broadcast_in_dim3A_19 = vector.broadcast %jit3A_16 : i32 to vector<128x16xi32>
    %select_n3A_20 = arith.select %eq3A_15, %broadcast_in_dim3A_18, %broadcast_in_dim3A_19 : vector<128x16xi1>, vector<128x16xi32>
    %reduce_sum3A_21 = arith.constant dense<0> : vector<128xi32>
    %reduce_sum3A_22 = vector.multi_reduction <add>, %select_n3A_20, %reduce_sum3A_21 [1] : vector<128x16xi32> to vector<128xi32>
    %broadcast_in_dim3A_23 = vector.shape_cast %reduce_sum3A_22 : vector<128xi32> to vector<128x1xi32>
    %add3A = arith.addi %and3A_10, %broadcast_in_dim3A_23 : vector<128x1xi32>
    %lt3A_24 = arith.constant 512 : i32
    %lt3A_25 = vector.broadcast %lt3A_24 : i32 to vector<128x1xi32>
    %lt3A_26 = arith.cmpi slt, %add3A, %lt3A_25 : vector<128x1xi32>
    %mul3A = arith.constant 512 : i32
    %mul3A_27 = vector.broadcast %mul3A : i32 to vector<128x1xi32>
    %mul3A_28 = arith.muli %shift_right_arithmetic3A_8, %mul3A_27 : vector<128x1xi32>
    %add3A_29 = arith.addi %mul3A_28, %add3A : vector<128x1xi32>
    %jit3A_30 = arith.constant -1 : i32
    %broadcast_in_dim3A_31 = vector.broadcast %jit3A_30 : i32 to vector<128x1xi32>
    %select_n3A_32 = arith.select %lt3A_26, %add3A_29, %broadcast_in_dim3A_31 : vector<128x1xi1>, vector<128x1xi32>
    %reshape3A_33 = vector.shape_cast %select_n3A_32 : vector<128x1xi32> to vector<128x1x1xi32>
    %iota3A_34 = tpu.iota {dimensions = array<i32: 1>} : vector<128x8x512xi32>
    %mul3A_35 = arith.constant 512 : i32
    %mul3A_36 = vector.broadcast %mul3A_35 : i32 to vector<128x8x512xi32>
    %mul3A_37 = arith.muli %iota3A_34, %mul3A_36 : vector<128x8x512xi32>
    %iota3A_38 = tpu.iota {dimensions = array<i32: 2>} : vector<128x8x512xi32>
    %add3A_39 = arith.addi %mul3A_37, %iota3A_38 : vector<128x8x512xi32>
    %eq3A_40 = vector.broadcast %reshape3A_33 : vector<128x1x1xi32> to vector<128x8x512xi32>
    %eq3A_41 = arith.cmpi eq, %add3A_39, %eq3A_40 : vector<128x8x512xi32>
    %reshape3A_42 = vector.shape_cast %reshape3A_3 : vector<128x1xf32> to vector<128x1x1xf32>
    %jit3A_43 = arith.constant 0.000000e+00 : f32
    %broadcast_in_dim3A_44 = vector.shape_cast %reshape3A_42 : vector<128x1x1xf32> to vector<128x1x1xf32>
    %broadcast_in_dim3A_45 = vector.broadcast %broadcast_in_dim3A_44 : vector<128x1x1xf32> to vector<128x8x512xf32>
    %broadcast_in_dim3A_46 = vector.broadcast %jit3A_43 : f32 to vector<128x8x512xf32>
    %select_n3A_47 = arith.select %eq3A_41, %broadcast_in_dim3A_45, %broadcast_in_dim3A_46 : vector<128x8x512xi1>, vector<128x8x512xf32>
    %swap3A = arith.constant 0 : index
    %swap3A_48 = arith.constant 0 : index
    %swap3A_49 = arith.constant 0 : index
    %swap3A_50 = vector.load %arg4[%swap3A, %swap3A_48, %swap3A_49] : memref<128x8x512xf32, #tpu.memory_space<vmem>>, vector<128x8x512xf32>
    tpu.vector_store %arg4[%swap3A, %swap3A_48, %swap3A_49], %select_n3A_47 {strides = array<i32>} : memref<128x8x512xf32, #tpu.memory_space<vmem>>, vector<128x8x512xf32>,
    %convert_element_type3A = arith.extui %eq3A_41 : vector<128x8x512xi1> to vector<128x8x512xi8>
    %swap3A_51 = arith.constant 0 : index
    %swap3A_52 = arith.constant 0 : index
    %swap3A_53 = arith.constant 0 : index
    %swap3A_54 = vector.load %arg5[%swap3A_51, %swap3A_52, %swap3A_53] : memref<128x8x512xi8, #tpu.memory_space<vmem>>, vector<128x8x512xi8>
    tpu.vector_store %arg5[%swap3A_51, %swap3A_52, %swap3A_53], %convert_element_type3A {strides = array<i32>} : memref<128x8x512xi8, #tpu.memory_space<vmem>>, vector<128x8x512xi8>,
    return
  }
  func.func @transform_0(%arg0: i32) -> i32 {
    %c0_i32 = arith.constant 0 : i32
    return %arg0 : i32
  }
  func.func @transform_1(%arg0: i32) -> i32 {
    %c0_i32 = arith.constant 0 : i32
    return %arg0 : i32
  }
  func.func @transform_2(%arg0: i32) -> (i32, i32) {
    %c0_i32 = arith.constant 0 : i32
    %c0_i32_0 = arith.constant 0 : i32
    %c0_i32_1 = arith.constant 0 : i32
    return %c0_i32, %c0_i32_0 : i32, i32
  }
  func.func @transform_3(%arg0: i32) -> (i32, i32, i32) {
    %c0_i32 = arith.constant 0 : i32
    %c0_i32_0 = arith.constant 0 : i32
    %c0_i32_1 = arith.constant 0 : i32
    return %arg0, %c0_i32, %c0_i32_0 : i32, i32, i32
  }
  func.func @transform_4(%arg0: i32) -> (i32, i32, i32) {
    %c0_i32 = arith.constant 0 : i32
    %c0_i32_0 = arith.constant 0 : i32
    %c0_i32_1 = arith.constant 0 : i32
    return %arg0, %c0_i32, %c0_i32_0 : i32, i32, i32
  }
}

</mosaic_0001>

<sc_bundles>
// kernel: kernel.4.cloned.1.call-start
scs
__scs_entry_jumppad:
0x0: {  	(pc) =	sbr.rel $0x88, $3  }
0x1: {  	(tag) =	ssettag $0x0;
	lr =	simm.s32 $0x1  }
0x2: {  	[smem:$0x3FA0] =	sst lr;
	_ =	strace $0xD0000000  }
0x3: {  	_ = 	snop  }
0x4: {  	_ = 	snop  }
0x5: {  	_ = 	snop  }
0x6: {  	_ = 	snop  }
0x7: {  	_ = 	snop  }
__scs_overlays_trampoline_lowered:
0x8: {  	[smem:$0x3FAF] =	sst s0  }
0x9: {  	[smem:$0x3FB0] =	sst s1  }
0xa: {  	[smem:$0x3FB1] =	sst s2  }
0xb: {  	[smem:$0x3FB2] =	sst s3  }
0xc: {  	[smem:$0x3FB3] =	sst s4  }
0xd: {  	[smem:$0x3FB4] =	sst s5  }
0xe: {  	[smem:$0x3FB5] =	sst s6  }
0xf: {  	[smem:$0x3FB6] =	sst s7  }
0x10: {  	[smem:$0x3FB7] =	sst s8  }
0x11: {  	[smem:$0x3FB8] =	sst s9;
	s0 =	simm.s32 @!p0 $0x0  }
0x12: {  	s1 =	sld [smem:$0x3F9E];
	s0 =	simm.s32 @p0 $0x1  }
0x13: {  	[smem:$0x3FB9] =	sst s0;
	s0 =	simm.s32 @!p1 $0x0  }
0x14: {  	s2 =	sld [smem:$0x3F9D];
	s0 =	simm.s32 @p1 $0x1  }
0x15: {  	[smem:$0x3FBA] =	sst s0;
	s0 =	simm.s32 @!p2 $0x0  }
0x16: {  	s3 =	sld [smem:$0x3FDB];
	s0 =	simm.s32 @p2 $0x1  }
0x17: {  	s4 =	simm.s32 $0x1BF5;
	[smem:$0x3FBC] =	sst s0  }
0x18: {  	s0 =	sld [smem:$0x3F9F];
	_ =	swait.ge [sflag:s4], $0x0  }
0x19: {  	s7 =	sld [smem:$0x3FA0]  }
0x1a: {  	s8 =	sadd.s32 $0xFFFFE003, lr  }
0x1b: {  	s9 =	sadd.s32 $0xFFFFFEF7, lr;
	s5 =	simm.s32 $0xFFFFFFFF;
	p2 =	slt.u32 s8, $0xFFFFF086  }
0x1c: {  	p1 =	slt.u32 s9, $0xF7A;
	s5 =	simm.s32 @!p2 $0x0  }
0x1d: {  	s5 =	simm.s32 @p1 $0x1;
	p0 =	seq.s32 s7, s2  }
0x1e: {  	s7 =	smul.u32 @!p0 $0xF7A, s2;
	p2 =	seq.s32 @!p0 s5, $0x0  }
0x1f: {  	s9 =	smul.u32 $0xF7A, s1;
	s8 =	simm.s32 @!p0 $0x1BF5;
	p2 =	por !p2, p0  }
0x20: {  	[sflag:s8] =	ssyncset.s32 @!p0 $0xFFFFF086;
	s6 =	sadd.s32 @!p0 s3, s7;
	s7 =	simm.s32 @!p0 $0x108  }
0x21: {  	s3 =	sadd.s32 s3, s9;
	s6 =	sadd.s32 @!p0 $0x88, s6;
	s7 =	simm.s32 @p2 $0x1082  }
0x22: {  	[simem:s7], [sflag:s8] =	dma.local @!p0 [hbm:s6], $0xF7A  }
0x23: {  	s9 =	sor.u32 $0xD0000000, s2;
	s6 =	simm.s32 $0x108;
	_ =	swait.ge @!p0 [sflag:s8], $0x0  }
0x24: {  	s3 =	sadd.s32 $0x88, s3;
	s6 =	simm.s32 @!p1 $0x1082;
	[sflag:s4] =	ssyncset.s32 $0xFFFFF086  }
0x25: {  	[simem:s6], [sflag:s4] =	dma.local [hbm:s3], $0xF7A  }
0x26: {  	[smem:$0x3FA0] =	sst s1;
	(tag) =	ssettag s2;
	_ =	strace s9  }
0x27: {  	s1 =	sld [smem:$0x3FB0]  }
0x28: {  	s2 =	sld [smem:$0x3FB1]  }
0x29: {  	s4 =	sld [smem:$0x3FB3]  }
0x2a: {  	p0 =	seq.s32 s5, $0x0;
	s5 =	sld [smem:$0x3FB4]  }
0x2b: {  	s6 =	sld [smem:$0x3FB5]  }
0x2c: {  	s7 =	sld [smem:$0x3FB6]  }
0x2d: {  	s3 =	simm.s32 $0x108;
	s8 =	sld [smem:$0x3FB7]  }
0x2e: {  	s3 =	simm.s32 @!p0 $0x1082;
	s9 =	sld [smem:$0x3FB8]  }
0x2f: {  	lr =	sadd.s32 s0, s3;
	s0 =	sld [smem:$0x3FAF]  }
0x30: {  	s3 =	sld [smem:$0x3FB2]  }
0x31: {  	[smem:$0x3FBB] =	sst s10  }
0x32: {  	s10 =	sld [smem:$0x3FB9];
	_ =	sdelay $0x3  }
0x33: {  	p0 =	seq.s32 s10, $0x1;
	s10 =	sld [smem:$0x3FBB];
	_ =	sdelay $0x3  }
0x34: {  	[smem:$0x3FBB] =	sst s10  }
0x35: {  	s10 =	sld [smem:$0x3FBA];
	_ =	sdelay $0x3  }
0x36: {  	p1 =	seq.s32 s10, $0x1;
	s10 =	sld [smem:$0x3FBB];
	_ =	sdelay $0x3  }
0x37: {  	[smem:$0x3FBB] =	sst s10  }
0x38: {  	s10 =	sld [smem:$0x3FBC]  }
0x39: {  	_ = 	snop;
	(pc) =	sbr.ind lr, $3  }
0x3a: {  	_ = 	snop  }
0x3b: {  	_ = 	snop  }
0x3c: {  	p2 =	seq.s32 s10, $0x1;
	s10 =	sld [smem:$0x3FBB]  }
0x3d: {  	_ =	shalt  }
0x3e: {  	_ =	shalt  }
0x3f: {  	_ =	shalt  }
0x40: {  	_ =	shalt  }
0x41: {  	_ =	shalt  }
0x42: {  	_ =	shalt  }
0x43: {  	_ =	shalt  }
0x44: {  	_ =	shalt  }
0x45: {  	_ =	shalt  }
0x46: {  	_ =	shalt  }
0x47: {  	_ =	shalt  }
0x48: {  	_ =	shalt  }
0x49: {  	_ =	shalt  }
0x4a: {  	_ =	shalt  }
0x4b: {  	_ =	shalt  }
0x4c: {  	_ =	shalt  }
0x4d: {  	_ =	shalt  }
0x4e: {  	_ =	shalt  }
0x4f: {  	_ =	shalt  }
0x50: {  	_ =	shalt  }
0x51: {  	_ =	shalt  }
0x52: {  	_ =	shalt  }
0x53: {  	_ =	shalt  }
0x54: {  	_ =	shalt  }
0x55: {  	_ =	shalt  }
0x56: {  	_ =	shalt  }
0x57: {  	_ =	shalt  }
0x58: {  	_ =	shalt  }
0x59: {  	_ =	shalt  }
0x5a: {  	_ =	shalt  }
0x5b: {  	_ =	shalt  }
0x5c: {  	_ =	shalt  }
0x5d: {  	_ =	shalt  }
0x5e: {  	_ =	shalt  }
0x5f: {  	_ =	shalt  }
0x60: {  	_ =	shalt  }
0x61: {  	_ =	shalt  }
0x62: {  	_ =	shalt  }
0x63: {  	_ =	shalt  }
0x64: {  	_ =	shalt  }
0x65: {  	_ =	shalt  }
0x66: {  	_ =	shalt  }
0x67: {  	_ =	shalt  }
0x68: {  	_ =	shalt  }
0x69: {  	_ =	shalt  }
0x6a: {  	_ =	shalt  }
0x6b: {  	_ =	shalt  }
0x6c: {  	_ =	shalt  }
0x6d: {  	_ =	shalt  }
0x6e: {  	_ =	shalt  }
0x6f: {  	_ =	shalt  }
0x70: {  	_ =	shalt  }
0x71: {  	_ =	shalt  }
0x72: {  	_ =	shalt  }
0x73: {  	_ =	shalt  }
0x74: {  	_ =	shalt  }
0x75: {  	_ =	shalt  }
0x76: {  	_ =	shalt  }
0x77: {  	_ =	shalt  }
0x78: {  	_ =	shalt  }
0x79: {  	_ =	shalt  }
0x7a: {  	_ =	shalt  }
0x7b: {  	_ =	shalt  }
0x7c: {  	_ =	shalt  }
0x7d: {  	_ =	shalt  }
0x7e: {  	_ =	shalt  }
0x7f: {  	_ =	shalt  }
0x80: {  	_ =	shalt  }
0x81: {  	_ =	shalt  }
0x82: {  	_ =	shalt  }
0x83: {  	_ =	shalt  }
0x84: {  	_ =	shalt  }
0x85: {  	_ =	shalt  }
0x86: {  	_ =	shalt  }
0x87: {  	_ =	shalt  }
.Lfunc_end0:
.L_simem_size_0:
called_computation_lowered:
.L_overlay_start_0:
0x88: {  	s2 =	sld [smem:$0x3FD9]  }
0x89: {  	s3 =	sld [smem:$0x3FFE];
	_ =	sdelay $0x1  }
0x8a: {  	s1 =	srdreg.scid  }
0x8b: {  	s0 =	sand.u32 $0x1, s1  }
0x8c: {  	s14 =	sshll.u32 s0, $0xA;
	s2 =	sadd.s32 s3, s2  }
0x8d: {  	s2 =	sadd.s32 s2, s14  }
0x8e: {  	[smem:$0x3FC7] =	sst s2  }
0x8f: {  	_ = 	snop  }
0x90: {  	s2 =	sld [smem:$0x3FD0];
	_ =	sdelay $0x2  }
0x91: {  	s15 =	simm.s32 $0xA;
	s4 =	simm.s32 $0x10  }
0x92: {  	[smem:s4], [sflag:s15] =	dma.local [hbm:s2], $0x1  }
0x93: {  	_ =	swait.eq [sflag:s15], $0x1  }
0x94: {  	[sflag:s15] =	ssyncset.done $0x0  }
0x95: {  	s16 =	sld [smem:$0x10];
	[sflag:s15] =	ssyncadd.s32 $0xFFFFFFFF  }
0x96: {  	s17 =	sld [smem:$0x11];
	(tm) =	ssettm $0x1  }
0x97: {  	s18 =	sld [smem:$0x3FFB];
	_ =	sdelay $0x3  }
0x98: {  	_ =	strace s18  }
0x99: {  	s4 =	sld [smem:$0x3FFC];
	_ =	sdelay $0x3  }
0x9a: {  	_ =	strace s4  }
0x9b: {  	s4 =	sld [smem:$0x3FFD];
	_ =	sdelay $0x3  }
0x9c: {  	_ =	strace s4  }
0x9d: {  	_ =	strace $0x8FFFFFFF  }
0x9e: {  	s19 =	sld [smem:$0x3FDB];
	_ =	sdelay $0x1  }
0x9f: {  	s5 =	simm.s32 $_scs_section_size  }
0xa0: {  	s6 =	simm.s32 $_size__tile_overlayer_lowered;
	s7 =	simm.s32 $_tile_overlayer_lowered  }
0xa1: {  	s22 =	simm.s32 $0x1BFF;
	s21 =	sshll.u32 s7, $0x1;
	s4 =	sadd.s32 s5, s19  }
0xa2: {  	s8 =	simm.s32 $0x0;
	s20 =	sshll.u32 s6, $0x1;
	s6 =	sadd.s32 s21, s4  }
0xa3: {  	[timem:s8], [sflag:s22] =	dma.local [hbm:s6], s20  }
0xa4: {  	_ =	swait.ge [sflag:s22], s20  }
0xa5: {  	s5 =	ssub.s32 $0x0, s20;
	[sflag:s22] =	ssyncset.done $0x0  }
0xa6: {  	[sflag:s22] =	ssyncadd.s32 s5;
	_ =	sdelay $0x1  }
0xa7: {  	s23 =	simm.s32 $0x1B8B  }
0xa8: {  	_ =	swait.ge [sflag:s23], $0x1  }
0xa9: {  	[sflag:s23] =	ssyncset.done $0x0  }
0xaa: {  	s25 =	simm.s32 $0x1B8E;
	s24 =	sld [smem:$0x3FFE];
	[sflag:s23] =	ssyncadd.s32 $0xFFFFFFFF  }
0xab: {  	s26 =	simm.s32 $execute0_lowered;
	[smem:$0x3FD2] =	sst s25  }
0xac: {  	s6 =	sshll.u32 s26, $0x1;
	_ =	strace $0x80000046;
	[dreg:$0x1] =	wrdreg $0xFFFFFFFF  }
0xad: {  	s28 =	simm.s32 $_size_execute0_lowered;
	s4 =	sadd.s32 s4, s6;
	[dreg:$0x0] =	wrdreg $0x0  }
0xae: {  	s6 =	sshll.u32 s28, $0x1;
	[dreg:$0x2] =	wrdreg s4  }
0xaf: {  	[dreg:$0x3] =	wrdreg s6  }
0xb0: {  	[dreg:$0x4] =	wrdreg $0xC0  }
0xb1: {  	_ =	task [dreg:s8], $0x5FFFF  }
0xb2: {  	[dreg:$0x1] =	wrdreg $0xFFFFFFFF  }
0xb3: {  	[dreg:$0x0] =	wrdreg $0x60  }
0xb4: {  	[dreg:$0x2] =	wrdreg s17  }
0xb5: {  	[dreg:$0x3] =	wrdreg s16  }
0xb6: {  	[dreg:$0x4] =	wrdreg s24  }
0xb7: {  	[dreg:$0x5] =	wrdreg $0x9  }
0xb8: {  	_ =	task.clear_ibuf [dreg:s8], $0x6FFFF;
	_ =	strace $0x90000046  }
0xb9: {  	s29 =	simm.s32 $0x9;
	_ =	strace $0x80000048  }
0xba: {  	_ =	swait.ge [sflag:s29], $0x1  }
0xbb: {  	[sflag:s29] =	ssyncadd.s32 $0xFFFFFFFF  }
0xbc: {  	_ =	strace $0x90000048  }
0xbd: {  	_ =	sfence  }
0xbe: {  	s30 =	sld [smem:$0x0];
	_ =	sdelay $0x2  }
0xbf: {  	s31 =	sshll.u32 s1, $0xD;
	s1 =	sshrl.u32 s1, $0x2  }
0xc0: {  	s3 =	sand.u32 $0x4000, s31;
	s1 =	sadd.s32 s1, s30  }
0xc1: {  	s0 =	sor.u32 s3, s0;
	s1 =	sshll.u32 s1, $0x11  }
0xc2: {  	s0 =	sor.u32 s1, s0  }
0xc3: {  	s0 =	sadd.s32 $0x8F2B, s0  }
0xc4: {  	[sflag:s0] =	ssyncadd.remote.s32 $0x1  }
0xc5: {  	_ =	sfence.sel $0xFFFF  }
0xc6: {  	[dreg:$0x0] =	wrdreg $0xFFFFFFFF;
	(pc) =	sbr.abs _section_cstart, $3  }
0xc7: {  	[dreg:$0x1] =	wrdreg $0xFFFFFFFF  }
0xc8: {  	_ =	task.clear_ibuf [dreg:s8], $0x2FFFF;
	_ =	strace $0x9FFFFFFF  }
0xc9: {  	(tm) =	ssettm $0x7FFFFFFF  }
tec
execute0_lowered:
.L_overlay_start_1:
0x0: {  	(tag) =	ssettag $0x1  }
0x1: {  	s3 =	rddreg [dreg:$0x0]  }
0x2: {  	s11 =	rddreg [dreg:$0x1]  }
0x3: {  	s4 =	rddreg [dreg:$0x2];
	s2 =	srdreg.scid  }
0x4: {  	s0 =	rddreg [dreg:$0x3];
	s1 =	stileid.u32;
	s15 =	simm.s32 $0x1  }
0x5: {  	s16 =	simm.s32 $0x80;
	s17 =	simm.s32 $0x100;
	s18 =	simm.s32 $0x180  }
0x6: {  	s19 =	simm.s32 $0x200;
	s20 =	simm.s32 $0x280;
	s21 =	simm.s32 $0x300  }
0x7: {  	s22 =	simm.s32 $0x380;
	s23 =	simm.s32 $0x400;
	s24 =	simm.s32 $0x480  }
0x8: {  	s25 =	simm.s32 $0x500;
	s5 =	sand.u32 $0x1, s2;
	s2 =	simm.s32 $0x0  }
0x9: {  	s6 =	sshll.u32 s1, $0x5;
	s7 =	sshll.u32 s5, $0x4;
	[smem:$0x7FF] =	sst s2  }
0xa: {  	s5 =	ssub.s32 $0x2, s5;
	s12 =	sor.u32 s7, s6;
	_ =	strace $0x80000047  }
0xb: {  	s31 =	sshrl.u32 s5, $0x1;
	s3 =	sadd.s32 s3, s12;
	s13 =	sadd.s32 s12, s4  }
0xc: {  	s14 =	ssub.s32 s5, s31;
	s11 =	sadd.s32 s11, s12;
	s4 =	sadd.s32 $0x200, s3  }
0xd: {  	vm0 =	vmmov $0x1;
	v0 =	vimm.s32 $0x0;
	s5 =	sadd.s32 $0x400, s3;
	s6 =	sadd.s32 $0x600, s3;
	s7 =	sadd.s32 $0x800, s3  }
0xe: {  	v0 =	vsel vm0, $0xFFFFFFFF, v0;
	s8 =	sadd.s32 $0xA00, s3;
	s9 =	sadd.s32 $0xC00, s3;
	s10 =	sadd.s32 $0xE00, s3  }
0xf: {  	v36 =	vimm.s32 $0x0;
	[tilespmem:$0x1FFF0] =	vst v0;
	s12 =	sadd.s32 $0x1000, s13;
	s13 =	sadd.s32 $0x1200, s13;
	s14 =	smax.u32 s14, $0x1  }
.LBB2_1:
0x10: {  	[tilespmem:s2], [sflag:$0x1] =	stream.linear.gather [hbm4b:s3+s2], $0x80, $0x38;
	[tilespmem:$0x580] =	vst v63  }
0x11: {  	_ =	swait.ge [sflag:s15], $0x80  }
0x12: {  	[sflag:s15] =	ssyncset.done $0x0  }
0x13: {  	[sflag:s15] =	ssyncadd.s32 $0xFFFFFF80  }
0x14: {  	[tilespmem:s16], [sflag:$0x1] =	stream.linear.gather [hbm4b:s4+s2], $0x80, $0x38;
	[tilespmem:$0x580] =	vst v63  }
0x15: {  	_ =	swait.ge [sflag:s15], $0x80  }
0x16: {  	[sflag:s15] =	ssyncset.done $0x0  }
0x17: {  	[sflag:s15] =	ssyncadd.s32 $0xFFFFFF80  }
0x18: {  	[tilespmem:s17], [sflag:$0x1] =	stream.linear.gather [hbm4b:s5+s2], $0x80, $0x38;
	[tilespmem:$0x580] =	vst v63  }
0x19: {  	_ =	swait.ge [sflag:s15], $0x80  }
0x1a: {  	[sflag:s15] =	ssyncset.done $0x0  }
0x1b: {  	[sflag:s15] =	ssyncadd.s32 $0xFFFFFF80  }
0x1c: {  	[tilespmem:s18], [sflag:$0x1] =	stream.linear.gather [hbm4b:s6+s2], $0x80, $0x38;
	[tilespmem:$0x580] =	vst v63  }
0x1d: {  	_ =	swait.ge [sflag:s15], $0x80  }
0x1e: {  	[sflag:s15] =	ssyncset.done $0x0  }
0x1f: {  	[sflag:s15] =	ssyncadd.s32 $0xFFFFFF80  }
0x20: {  	[tilespmem:s19], [sflag:$0x1] =	stream.linear.gather [hbm4b:s7+s2], $0x80, $0x38;
	[tilespmem:$0x580] =	vst v63  }
0x21: {  	_ =	swait.ge [sflag:s15], $0x80  }
0x22: {  	[sflag:s15] =	ssyncset.done $0x0  }
0x23: {  	[sflag:s15] =	ssyncadd.s32 $0xFFFFFF80  }
0x24: {  	[tilespmem:s20], [sflag:$0x1] =	stream.linear.gather [hbm4b:s8+s2], $0x80, $0x38;
	[tilespmem:$0x580] =	vst v63  }
0x25: {  	_ =	swait.ge [sflag:s15], $0x80  }
0x26: {  	[sflag:s15] =	ssyncset.done $0x0  }
0x27: {  	[sflag:s15] =	ssyncadd.s32 $0xFFFFFF80  }
0x28: {  	[tilespmem:s21], [sflag:$0x1] =	stream.linear.gather [hbm4b:s9+s2], $0x80, $0x38;
	[tilespmem:$0x580] =	vst v63  }
0x29: {  	_ =	swait.ge [sflag:s15], $0x80  }
0x2a: {  	[sflag:s15] =	ssyncset.done $0x0  }
0x2b: {  	[sflag:s15] =	ssyncadd.s32 $0xFFFFFF80  }
0x2c: {  	[tilespmem:s22], [sflag:$0x1] =	stream.linear.gather [hbm4b:s10+s2], $0x80, $0x38;
	[tilespmem:$0x580] =	vst v63  }
0x2d: {  	_ =	swait.ge [sflag:s15], $0x80  }
0x2e: {  	[sflag:s15] =	ssyncset.done $0x0  }
0x2f: {  	[sflag:s15] =	ssyncadd.s32 $0xFFFFFF80  }
0x30: {  	v1 =	vld [tilespmem:$0x0]  }
0x31: {  	v2 =	vld [tilespmem:$0x80];
	_ =	sdelay $0x1  }
0x32: {  	v3 =	vld [tilespmem:$0x100];
	_ =	sdelay $0x1  }
0x33: {  	v4 =	vld [tilespmem:$0x180]  }
0x34: {  	vm0 =	vgt.f32 v2, v1  }
0x35: {  	v0 =	vimm.s32 $0x0;
	v5 =	vld [tilespmem:$0x200];
	v6 =	vsel vm0, v2, v1  }
0x36: {  	v0 =	vsel vm0, $0xFFFFFFFF, v0;
	vm0 =	vgt.f32 v3, v6  }
0x37: {  	v56 =	vimm.s32 $0x0;
	v7 =	vld [tilespmem:$0x280];
	v6 =	vsel vm0, v3, v6  }
0x38: {  	[tilespmem:$0x1FE60] =	vst v0;
	v0 =	vsel vm0, $0xFFFFFFFF, v56;
	vm0 =	vgt.f32 v4, v6  }
0x39: {  	v57 =	vimm.s32 $0x0;
	v8 =	vld [tilespmem:$0x300];
	v6 =	vsel vm0, v4, v6  }
0x3a: {  	[tilespmem:$0x1FE80] =	vst v0;
	v0 =	vsel vm0, $0xFFFFFFFF, v57;
	vm0 =	vgt.f32 v5, v6  }
0x3b: {  	v58 =	vimm.s32 $0x0;
	v9 =	vld [tilespmem:$0x380];
	v6 =	vsel vm0, v5, v6  }
0x3c: {  	[tilespmem:$0x1FEA0] =	vst v0;
	v0 =	vsel vm0, $0xFFFFFFFF, v58;
	vm0 =	vgt.f32 v7, v6  }
0x3d: {  	v59 =	vimm.s32 $0x0;
	v6 =	vsel vm0, v7, v6  }
0x3e: {  	[tilespmem:$0x1FEC0] =	vst v0;
	v0 =	vsel vm0, $0xFFFFFFFF, v59;
	vm0 =	vgt.f32 v8, v6  }
0x3f: {  	v60 =	vimm.s32 $0x0;
	v6 =	vsel vm0, v8, v6  }
0x40: {  	[tilespmem:$0x1FEE0] =	vst v0;
	v0 =	vsel vm0, $0xFFFFFFFF, v60;
	vm0 =	vgt.f32 v9, v6  }
0x41: {  	v6 =	vsel vm0, v9, v6  }
0x42: {  	v1 =	vsub.f32 v1, v6;
	_ =	sdelay $0x1  }
0x43: {  	v1 =	vmul.f32 $1.442695020e+00, v1  }
0x44: {  	v2 =	vsub.f32 v2, v6  }
0x45: {  	(erf) = vpow2.f32 v1  }
0x46: {  	v63 =	vsub.f32 v3, v6;
	v62 =	vmul.f32 $1.442695020e+00, v2;
	_ =	sdelay $0x1  }
0x47: {  	v12 =	vld [tilespmem:$0x10];
	v11 =	vsub.f32 v4, v6;
	v10 =	vmul.f32 $1.442695020e+00, v63;
	(erf) = vpow2.f32 v62  }
0x48: {  	v15 =	vld [tilespmem:$0x90]  }
0x49: {  	v14 =	vsub.f32 v5, v6;
	v13 =	vmul.f32 $1.442695020e+00, v11;
	(erf) = vpow2.f32 v10  }
0x4a: {  	v61 =	vimm.s32 $0x0  }
0x4b: {  	v18 =	vld [tilespmem:$0x110];
	v16 =	vsub.f32 v7, v6;
	v17 =	vmul.f32 $1.442695020e+00, v14;
	(erf) = vpow2.f32 v13  }
0x4c: {  	v22 =	vimm.s32 $0x0;
	v25 =	vimm.s32 $0x0;
	v20 =	vsub.f32 v8, v6  }
0x4d: {  	v21 =	vld [tilespmem:$0x190];
	vm10 =	vgt.f32 v15, v12;
	v5 =	vmul.f32 $1.442695020e+00, v16;
	v19 =	vpop (erf);
	(erf) = vpow2.f32 v17  }
0x4e: {  	[tilespmem:$0x1FF10] =	vst v0;
	v0 =	vsel vm0, $0xFFFFFFFF, v61;
	v6 =	vsub.f32 v9, v6;
	v1 =	vmul.f32 $1.442695020e+00, v20  }
0x4f: {  	v24 =	vld [tilespmem:$0x210];
	v10 =	vsel vm10, v15, v12;
	v7 =	vadd.f32 $0.0e+00, v19;
	(erf) = vpow2.f32 v5  }
0x50: {  	[tilespmem:$0x1FF00] =	vst v0;
	v0 =	vsel vm10, $0xFFFFFFFF, v22;
	v26 =	vmul.f32 $1.442695020e+00, v6;
	vm0 =	vgt.f32 v18, v10;
	v23 =	vpop (erf)  }
0x51: {  	v27 =	vld [tilespmem:$0x290];
	v28 =	vsel vm0, v18, v10;
	(erf) = vpow2.f32 v1;
	v5 =	vadd.f32 v7, v23  }
0x52: {  	v30 =	vimm.s32 $0x0;
	[tilespmem:$0x1FE70] =	vst v0;
	v0 =	vsel vm0, $0xFFFFFFFF, v25;
	vm0 =	vgt.f32 v21, v28;
	v29 =	vpop (erf)  }
0x53: {  	v31 =	vld [tilespmem:$0x310];
	v32 =	vsel vm0, v21, v28;
	(erf) = vpow2.f32 v26;
	v5 =	vadd.f32 v5, v29  }
0x54: {  	[tilespmem:$0x1FE90] =	vst v0;
	v0 =	vsel vm0, $0xFFFFFFFF, v30;
	vm0 =	vgt.f32 v24, v32;
	v33 =	vpop (erf)  }
0x55: {  	v34 =	vimm.s32 $0x0;
	v35 =	vld [tilespmem:$0x390];
	v1 =	vsel vm0, v24, v32;
	v5 =	vadd.f32 v5, v33  }
0x56: {  	[tilespmem:$0x1FEB0] =	vst v0;
	v0 =	vsel vm0, $0xFFFFFFFF, v34;
	vm0 =	vgt.f32 v27, v1;
	v11 =	vpop (erf)  }
0x57: {  	v1 =	vsel vm0, v27, v1;
	v5 =	vadd.f32 v5, v11  }
0x58: {  	vm15 =	vgt.f32 v31, v1;
	v38 =	vpop (erf)  }
0x59: {  	v1 =	vsel vm15, v31, v1;
	v5 =	vadd.f32 v5, v38  }
0x5a: {  	vm11 =	vgt.f32 v35, v1;
	v39 =	vpop (erf)  }
0x5b: {  	v41 =	vsel vm11, v35, v1;
	v5 =	vadd.f32 v5, v39  }
0x5c: {  	v3 =	vsub.f32 v12, v41;
	v42 =	vpop (erf)  }
0x5d: {  	v1 =	vadd.f32 v5, v42  }
0x5e: {  	v4 =	vsub.f32 v15, v41;
	v3 =	vmul.f32 $1.442695020e+00, v3  }
0x5f: {  	v46 =	vld [tilespmem:$0x20];
	(erf) = vrcp.f32 v1  }
0x60: {  	v49 =	vld [tilespmem:$0xA0];
	v2 =	vsub.f32 v18, v41;
	v43 =	vmul.f32 $1.442695020e+00, v4;
	(erf) = vpow2.f32 v3;
	_ =	sdelay $0x1  }
0x61: {  	v45 =	vsub.f32 v21, v41;
	v44 =	vmul.f32 $1.442695020e+00, v2;
	(erf) = vpow2.f32 v43;
	_ =	sdelay $0x1  }
0x62: {  	v51 =	vld [tilespmem:$0x120];
	v48 =	vsub.f32 v24, v41;
	v47 =	vmul.f32 $1.442695020e+00, v45;
	(erf) = vpow2.f32 v44  }
0x63: {  	vm14 =	vgt.f32 v49, v46  }
0x64: {  	v50 =	vsub.f32 v27, v41;
	v2 =	vmul.f32 $1.442695020e+00, v48;
	(erf) = vpow2.f32 v47  }
0x65: {  	v58 =	vsel vm14, v49, v46  }
0x66: {  	v55 =	vld [tilespmem:$0x1A0];
	v54 =	vsub.f32 v31, v41;
	v5 =	vmul.f32 $1.442695020e+00, v50;
	v52 =	vpop (erf);
	(erf) = vpow2.f32 v2  }
0x67: {  	v37 =	vimm.s32 $0x0;
	vm12 =	vgt.f32 v51, v58;
	v7 =	vsub.f32 v35, v41;
	v53 =	vpop (erf)  }
0x68: {  	v57 =	vld [tilespmem:$0x220];
	v2 =	vmul.f32 $1.442695020e+00, v54;
	(erf) = vpow2.f32 v5;
	v8 =	vadd.f32 $0.0e+00, v53  }
0x69: {  	v40 =	vimm.s32 $0x0;
	v61 =	vsel vm12, v51, v58;
	[tilespmem:$0x1FED0] =	vst v0;
	v0 =	vsel vm0, $0xFFFFFFFF, v37;
	v56 =	vpop (erf)  }
0x6a: {  	v60 =	vld [tilespmem:$0x2A0];
	v59 =	vmul.f32 $1.442695020e+00, v7;
	(erf) = vpow2.f32 v2;
	v5 =	vadd.f32 v8, v56  }
0x6b: {  	[tilespmem:$0x1FEF0] =	vst v0;
	v0 =	vsel vm11, $0xFFFFFFFF, v40;
	vm11 =	vgt.f32 v55, v61;
	v62 =	vpop (erf)  }
0x6c: {  	v63 =	vld [tilespmem:$0x320];
	v16 =	vsel vm11, v55, v61;
	(erf) = vpow2.f32 v59;
	v5 =	vadd.f32 v5, v62  }
0x6d: {  	vm8 =	vgt.f32 v57, v16;
	v17 =	vpop (erf)  }
0x6e: {  	v18 =	vld [tilespmem:$0x3A0];
	v2 =	vsel vm8, v57, v16;
	v5 =	vadd.f32 v5, v17  }
0x6f: {  	vm9 =	vgt.f32 v60, v2;
	v12 =	vpop (erf)  }
0x70: {  	v2 =	vsel vm9, v60, v2;
	v5 =	vadd.f32 v5, v12  }
0x71: {  	vm10 =	vgt.f32 v63, v2;
	v19 =	vpop (erf)  }
0x72: {  	v28 =	vld [tilespmem:$0x30];
	v2 =	vsel vm10, v63, v2;
	v5 =	vadd.f32 v5, v19  }
0x73: {  	v31 =	vld [tilespmem:$0xB0];
	vm13 =	vgt.f32 v18, v2;
	v21 =	vpop (erf)  }
0x74: {  	v22 =	vsel vm13, v18, v2;
	v5 =	vadd.f32 v5, v21  }
0x75: {  	v3 =	vsub.f32 v46, v22;
	v23 =	vpop (erf)  }
0x76: {  	v2 =	vadd.f32 v5, v23  }
0x77: {  	v33 =	vld [tilespmem:$0x130];
	v4 =	vsub.f32 v49, v22;
	v3 =	vmul.f32 $1.442695020e+00, v3  }
0x78: {  	vm6 =	vgt.f32 v31, v28;
	(erf) = vrcp.f32 v2  }
0x79: {  	v25 =	vsub.f32 v51, v22;
	v24 =	vmul.f32 $1.442695020e+00, v4;
	(erf) = vpow2.f32 v3  }
0x7a: {  	v41 =	vsel vm6, v31, v28  }
0x7b: {  	v38 =	vld [tilespmem:$0x1B0];
	v27 =	vsub.f32 v55, v22;
	v26 =	vmul.f32 $1.442695020e+00, v25;
	(erf) = vpow2.f32 v24  }
0x7c: {  	vm5 =	vgt.f32 v33, v41  }
0x7d: {  	v30 =	vsub.f32 v57, v22;
	v29 =	vmul.f32 $1.442695020e+00, v27;
	(erf) = vpow2.f32 v26  }
0x7e: {  	v44 =	vsel vm5, v33, v41  }
0x7f: {  	v40 =	vld [tilespmem:$0x230];
	v32 =	vsub.f32 v60, v22;
	v3 =	vmul.f32 $1.442695020e+00, v30;
	(erf) = vpow2.f32 v29  }
0x80: {  	vm4 =	vgt.f32 v38, v44  }
0x81: {  	v43 =	vld [tilespmem:$0x2B0];
	v37 =	vsub.f32 v63, v22;
	v6 =	vmul.f32 $1.442695020e+00, v32;
	v34 =	vpop (erf);
	(erf) = vpow2.f32 v3  }
0x82: {  	v47 =	vsel vm4, v38, v44;
	v8 =	vsub.f32 v18, v22;
	v55 =	vld [tilespmem:$0x1FE60];
	v35 =	vpop (erf)  }
0x83: {  	v22 =	vld [tilespmem:$0x1FF00];
	v3 =	vmul.f32 $1.442695020e+00, v37;
	(erf) = vpow2.f32 v6;
	v9 =	vadd.f32 $0.0e+00, v35  }
0x84: {  	v20 =	vimm.s32 $0x0;
	vm3 =	vgt.f32 v40, v47;
	v53 =	vimm.s32 $0x0;
	v57 =	vld [tilespmem:$0x1FE70];
	v39 =	vpop (erf)  }
0x85: {  	v60 =	vld [tilespmem:$0x1FE80];
	v42 =	vmul.f32 $1.442695020e+00, v8;
	(erf) = vpow2.f32 v3;
	v6 =	vadd.f32 v9, v39  }
0x86: {  	[tilespmem:$0x1FF20] =	vst v0;
	v0 =	vsel vm10, $0xFFFFFFFF, v20;
	v46 =	vld [tilespmem:$0x330];
	v51 =	vimm.s32 $0x0;
	v19 =	vsel vm14, $0x1, v36;
	v45 =	vpop (erf)  }
0x87: {  	vm0 =	vnez.u8 v55;
	(erf) = vpow2.f32 v42;
	v6 =	vadd.f32 v6, v45  }
0x88: {  	v14 =	vld [tilespmem:$0x3B0];
	vm14 =	vnez.u8 v22;
	v56 =	vsel vm0, $0x1, v36;
	v3 =	vsel vm3, v40, v47;
	v48 =	vpop (erf)  }
0x89: {  	v62 =	vld [tilespmem:$0x1FE90];
	vm0 =	vnez.u8 v57;
	vm2 =	vgt.f32 v43, v3;
	v6 =	vadd.f32 v6, v48  }
0x8a: {  	v58 =	vsel vm0, $0x1, v36;
	vm0 =	vnez.u8 v60;
	v3 =	vsel vm2, v43, v3;
	v49 =	vpop (erf)  }
0x8b: {  	v23 =	vsel vm6, $0x1, v36;
	vm1 =	vgt.f32 v46, v3;
	v6 =	vadd.f32 v6, v49  }
0x8c: {  	v61 =	vsel vm0, $0x2, v56;
	v7 =	vsel vm5, $0x2, v23;
	v3 =	vsel vm1, v46, v3;
	v50 =	vpop (erf)  }
0x8d: {  	v7 =	vsel vm4, $0x3, v7;
	vm7 =	vgt.f32 v14, v3;
	v6 =	vadd.f32 v6, v50  }
0x8e: {  	[tilespmem:$0x1FFC0] =	vst v52;
	vm0 =	vnez.u8 v62;
	v7 =	vsel vm3, $0x4, v7;
	v15 =	vsel vm7, v14, v3;
	v52 =	vpop (erf)  }
0x8f: {  	v16 =	vld [tilespmem:$0x1FED0];
	v30 =	vsel vm2, $0x5, v7;
	v4 =	vsub.f32 v28, v15;
	v6 =	vadd.f32 v6, v52  }
0x90: {  	[tilespmem:$0x1FF30] =	vst v0;
	v63 =	vld [tilespmem:$0x1FEA0];
	v0 =	vsel vm1, $0xFFFFFFFF, v51;
	v5 =	vsub.f32 v31, v15;
	v28 =	vsub.f32 v38, v15;
	v54 =	vpop (erf)  }
0x91: {  	[tilespmem:$0x1FF80] =	vst v0;
	v0 =	vsel vm7, $0xFFFFFFFF, v53;
	v32 =	vsub.f32 v40, v15;
	v3 =	vadd.f32 v6, v54;
	v6 =	vld [tilespmem:$0x1FEB0]  }
0x92: {  	v8 =	vld [tilespmem:$0x1FEC0];
	v35 =	vsub.f32 v46, v15;
	v38 =	vsub.f32 v14, v15;
	v4 =	vmul.f32 $1.442695020e+00, v4  }
0x93: {  	v20 =	vld [tilespmem:$0x1FF10];
	[tilespmem:$0x1FFD0] =	vst v34;
	v21 =	vsub.f32 v33, v15;
	v59 =	vmul.f32 $1.442695020e+00, v5;
	v34 =	vmul.f32 $1.442695020e+00, v32  }
0x94: {  	v17 =	vld [tilespmem:$0x1FEE0];
	v33 =	vsub.f32 v43, v15;
	v39 =	vmul.f32 $1.442695020e+00, v35;
	v41 =	vmul.f32 $1.442695020e+00, v38  }
0x95: {  	v18 =	vld [tilespmem:$0x1FEF0];
	(erf) = vrcp.f32 v3;
	v3 =	vsel vm0, $0x2, v58;
	vm0 =	vnez.u8 v63  }
0x96: {  	v25 =	vld [tilespmem:$0x1FF20];
	(erf) = vpow2.f32 v4;
	v5 =	vsel vm0, $0x3, v61;
	vm0 =	vnez.u8 v6  }
0x97: {  	v43 =	vld [tilespmem:$0xD0];
	(erf) = vpow2.f32 v59;
	v3 =	vsel vm0, $0x3, v3;
	vm0 =	vnez.u8 v8  }
0x98: {  	v50 =	vld [tilespmem:$0x50];
	v6 =	vmul.f32 $1.442695020e+00, v21;
	v13 =	vsel vm0, $0x4, v5;
	vm0 =	vnez.u8 v16  }
0x99: {  	v5 =	vsel vm12, $0x2, v19;
	v3 =	vsel vm0, $0x4, v3;
	vm0 =	vnez.u8 v17  }
0x9a: {  	v11 =	vld [tilespmem:$0x150];
	vm12 =	vnez.u8 v20;
	(erf) = vpow2.f32 v6;
	v4 =	vsel vm0, $0x5, v13  }
0x9b: {  	v8 =	vld [tilespmem:$0xC0];
	v6 =	vmul.f32 $1.442695020e+00, v28;
	v5 =	vsel vm11, $0x3, v5;
	v4 =	vsel vm12, $0x6, v4  }
0x9c: {  	vm11 =	vnez.u8 v25;
	vm0 =	vnez.u8 v18;
	v26 =	vsel vm14, $0x7, v4;
	v4 =	vld [tilespmem:$0x40]  }
0x9d: {  	v5 =	vsel vm8, $0x4, v5;
	vm8 =	vgt.f32 v43, v50;
	v3 =	vsel vm0, $0x5, v3  }
0x9e: {  	v13 =	vld [tilespmem:$0x140];
	v5 =	vsel vm9, $0x5, v5;
	v53 =	vsel vm8, v43, v50;
	v55 =	vsel vm8, $0x1, v36  }
0x9f: {  	v44 =	vld [tilespmem:$0x1D0];
	v3 =	vsel vm15, $0x6, v3;
	v27 =	vpop (erf);
	v5 =	vsel vm10, $0x6, v5;
	(erf) = vpow2.f32 v6  }
0xa0: {  	v18 =	vld [tilespmem:$0x1C0];
	v6 =	vmul.f32 $1.442695020e+00, v33;
	v24 =	vsel vm11, $0x7, v3;
	v25 =	vsel vm13, $0x7, v5  }
0xa1: {  	v22 =	vld [tilespmem:$0x340];
	v16 =	vpop (erf);
	v5 =	vsel vm1, $0x6, v30;
	vm11 =	vgt.f32 v11, v53;
	vm12 =	vgt.f32 v8, v4  }
0xa2: {  	v20 =	vld [tilespmem:$0x240];
	v29 =	vadd.f32 $0.0e+00, v16;
	v31 =	vpop (erf);
	(erf) = vpow2.f32 v34;
	v37 =	vsel vm12, v8, v4  }
0xa3: {  	v49 =	vld [tilespmem:$0x250];
	[tilespmem:$0x1FFE0] =	vst v27;
	v27 =	vsel vm7, $0x7, v5;
	(erf) = vpow2.f32 v6;
	vm14 =	vgt.f32 v13, v37  }
0xa4: {  	v21 =	vld [tilespmem:$0x2C0];
	v7 =	vadd.f32 v29, v31;
	(erf) = vpow2.f32 v39;
	v40 =	vsel vm14, v13, v37  }
0xa5: {  	v42 =	vld [tilespmem:$0x60];
	vm4 =	veq.s32 v27, $0x0;
	v46 =	vpop (erf);
	(erf) = vpow2.f32 v41;
	vm6 =	vgt.f32 v18, v40  }
0xa6: {  	v10 =	vadd.f32 v7, v46;
	v7 =	vsel vm11, v11, v53;
	v47 =	vsel vm6, v18, v40;
	v40 =	vld [tilespmem:$0xE0]  }
0xa7: {  	v57 =	vld [tilespmem:$0xF0];
	v51 =	vsel vm12, $0x1, v36;
	vm1 =	vgt.f32 v44, v7;
	vm7 =	vgt.f32 v20, v47  }
0xa8: {  	v19 =	vld [tilespmem:$0x3C0];
	v5 =	vsel vm14, $0x2, v51;
	v54 =	vsel vm1, v44, v7;
	v52 =	vsel vm7, v20, v47  }
0xa9: {  	v48 =	vld [tilespmem:$0x2D0];
	vm12 =	vgt.f32 v49, v54;
	v37 =	vpop (erf);
	v5 =	vsel vm6, $0x3, v5;
	vm10 =	vgt.f32 v21, v52  }
0xaa: {  	v38 =	vld [tilespmem:$0x160];
	v10 =	vadd.f32 v10, v37;
	v5 =	vsel vm7, $0x4, v5;
	v6 =	vsel vm10, v21, v52  }
0xab: {  	v47 =	vld [tilespmem:$0x350];
	v5 =	vsel vm10, $0x5, v5;
	vm5 =	vgt.f32 v22, v6;
	vm9 =	vgt.f32 v40, v42  }
0xac: {  	v9 =	vld [tilespmem:$0x1E0];
	v16 =	vsel vm5, v22, v6;
	v5 =	vsel vm5, $0x6, v5;
	v6 =	vsel vm12, v49, v54  }
0xad: {  	v17 =	vld [tilespmem:$0x70];
	v56 =	vsel vm9, v40, v42;
	v60 =	vsel vm9, $0x1, v36;
	vm14 =	vgt.f32 v19, v16  }
0xae: {  	v46 =	vld [tilespmem:$0x3D0];
	vm10 =	vgt.f32 v48, v6;
	v31 =	vsel vm14, $0x7, v5;
	v5 =	vsel vm11, $0x2, v55  }
0xaf: {  	v12 =	vld [tilespmem:$0x260];
	vm11 =	vgt.f32 v38, v56;
	v6 =	vsel vm10, v48, v6;
	v5 =	vsel vm1, $0x3, v5  }
0xb0: {  	v7 =	vsel vm11, v38, v56;
	vm6 =	vgt.f32 v47, v6;
	v56 =	vsel vm4, $0x1, v36  }
0xb1: {  	vm4 =	veq.s32 v25, $0x1;
	v5 =	vsel vm12, $0x4, v5;
	vm12 =	vgt.f32 v9, v7  }
0xb2: {  	v59 =	vld [tilespmem:$0x170];
	v51 =	vsel vm6, v47, v6;
	v5 =	vsel vm10, $0x5, v5;
	v58 =	vsel vm12, v9, v7  }
0xb3: {  	vm2 =	vgt.f32 v46, v51;
	vm10 =	vgt.f32 v57, v17;
	v5 =	vsel vm6, $0x6, v5  }
0xb4: {  	v14 =	vld [tilespmem:$0x2E0];
	vm8 =	vgt.f32 v12, v58;
	v63 =	vsel vm10, v57, v17;
	v2 =	vsel vm10, $0x1, v36  }
0xb5: {  	vm10 =	veq.s32 v24, $0x0;
	v51 =	vsel vm2, v46, v51;
	v34 =	vsel vm2, $0x7, v5  }
0xb6: {  	v61 =	vld [tilespmem:$0x1F0];
	v6 =	vsel vm8, v12, v58;
	v5 =	vsel vm11, $0x2, v60;
	v50 =	vsub.f32 v50, v51  }
0xb7: {  	vm11 =	vgt.f32 v59, v63;
	v43 =	vsub.f32 v43, v51;
	v49 =	vsub.f32 v49, v51  }
0xb8: {  	v30 =	vld [tilespmem:$0x360];
	v53 =	vsel vm10, $0x1, v36;
	v48 =	vsub.f32 v48, v51;
	v47 =	vsub.f32 v47, v51  }
0xb9: {  	vm9 =	vgt.f32 v14, v6;
	v5 =	vsel vm12, $0x3, v5;
	v7 =	vsel vm11, v59, v63  }
0xba: {  	[tilespmem:$0x1FF50] =	vst v17;
	v17 =	vsel vm11, $0x2, v2;
	vm11 =	veq.s32 v25, $0x0;
	v63 =	vsel vm14, v19, v16  }
0xbb: {  	[tilespmem:$0x1FF90] =	vst v59;
	v59 =	vpop (erf);
	v6 =	vsel vm9, v14, v6;
	v5 =	vsel vm8, $0x4, v5;
	vm12 =	vgt.f32 v61, v7  }
0xbc: {  	v62 =	vld [tilespmem:$0x270];
	vm8 =	veq.s32 v26, $0x0;
	v54 =	vsel vm11, $0x1, v36;
	v10 =	vadd.f32 v10, v59  }
0xbd: {  	v4 =	vsub.f32 v4, v63;
	v8 =	vsub.f32 v8, v63;
	vm7 =	vgt.f32 v30, v6  }
0xbe: {  	v13 =	vsub.f32 v13, v63;
	v20 =	vsub.f32 v20, v63;
	v45 =	vsel vm7, v30, v6;
	v6 =	vld [tilespmem:$0x2F0]  }
0xbf: {  	v21 =	vsub.f32 v21, v63;
	v22 =	vsub.f32 v22, v63;
	v52 =	vsel vm8, $0x1, v36  }
0xc0: {  	v49 =	vmul.f32 $1.442695020e+00, v49;
	v48 =	vmul.f32 $1.442695020e+00, v48;
	v28 =	vsel vm12, v61, v7;
	v7 =	vld [tilespmem:$0x370];
	(xrf0) =	vadd.scan.msk.s32 $0xffff, v52  }
0xc1: {  	v15 =	vld [tilespmem:$0x3E0];
	v47 =	vmul.f32 $1.442695020e+00, v47;
	v5 =	vsel vm9, $0x5, v5;
	vm9 =	vgt.f32 v62, v28  }
0xc2: {  	[tilespmem:$0x1FF60] =	vst v57;
	vm8 =	veq.s32 v31, $0x0;
	v23 =	vsel vm7, $0x6, v5;
	v5 =	vld [tilespmem:$0x3F0];
	v28 =	vsel vm9, v62, v28  }
0xc3: {  	v17 =	vsel vm12, $0x3, v17;
	v57 =	vsel vm8, $0x1, v36;
	(xrf0) =	vadd.scan.msk.s32 $0xffff, v53;
	vm12 =	vgt.f32 v6, v28  }
0xc4: {  	v60 =	vpop (erf);
	vm8 =	veq.s32 v26, $0x1;
	v17 =	vsel vm9, $0x4, v17;
	(xrf0) =	vadd.scan.msk.s32 $0xffff, v54;
	v28 =	vsel vm12, v6, v28  }
0xc5: {  	v10 =	vadd.f32 v10, v60;
	(xrf0) =	vadd.scan.msk.s32 $0xffff, v56;
	v17 =	vsel vm12, $0x5, v17;
	vm0 =	vgt.f32 v7, v28  }
0xc6: {  	vm1 =	vgt.f32 v15, v45;
	v58, _, _ =	vpop (xrf0);
	(xrf0) =	vadd.scan.msk.s32 $0xffff, v57;
	v29 =	vsel vm0, v7, v28;
	v17 =	vsel vm0, $0x6, v17  }
0xc7: {  	[tilespmem:$0x1FFB0] =	vst v62;
	v32 =	vpop (erf);
	vm9 =	veq.s32 v34, $0x0;
	v39 =	vsel vm1, $0x7, v23;
	vm3 =	vgt.f32 v5, v29  }
0xc8: {  	[tilespmem:$0x1FFA0] =	vst v61;
	v33 =	vpop (erf);
	v55 =	vsel vm9, $0x1, v36;
	vm10 =	veq.s32 v39, $0x0;
	v37 =	vsel vm3, $0x7, v17  }
0xc9: {  	v41 =	vmul.f32 $1.442695020e+00, v4;
	v28 =	vsel vm10, $0x1, v36;
	v17, _, _ =	vpop (xrf0);
	(xrf0) =	vadd.scan.msk.s32 $0xffff, v55;
	vm11 =	veq.s32 v37, $0x0  }
0xca: {  	v10 =	vadd.f32 v10, v32;
	v45 =	vsel vm1, v15, v45;
	v23 =	vsel vm11, $0x1, v36;
	v59, _, _ =	vpop (xrf0);
	(xrf0) =	vadd.scan.msk.s32 $0xffff, v28  }
0xcb: {  	v20 =	vmul.f32 $1.442695020e+00, v20;
	v62 =	vsel vm8, $0x1, v36;
	v42 =	vsub.f32 v42, v45;
	v61, _, _ =	vpop (xrf0);
	(xrf0) =	vadd.scan.msk.s32 $0xffff, v23  }
0xcc: {  	v21 =	vmul.f32 $1.442695020e+00, v21;
	v9 =	vsub.f32 v9, v45;
	v10 =	vadd.f32 v10, v33;
	v60, _, _ =	vpop (xrf0);
	(xrf0) =	vadd.scan.msk.s32 $0xffff, v62  }
0xcd: {  	vm9 =	veq.s32 v24, $0x2;
	v40 =	vsub.f32 v40, v45;
	v42 =	vmul.f32 $1.442695020e+00, v42  }
0xce: {  	v9 =	vmul.f32 $1.442695020e+00, v9;
	vm12 =	veq.s32 v24, $0x1;
	(erf) = vrcp.f32 v10  }
0xcf: {  	v35 =	vsel vm12, $0x1, v36;
	(erf) = vpow2.f32 v41;
	v41 =	vshll.u32 v24, $0x10;
	v3, _, _ =	vpop (xrf0)  }
0xd0: {  	v52 =	vsub.s32 v58, v52;
	[tilespmem:$0x1FF40] =	vst v29;
	v29 =	vbroadcast v58, $0xF;
	v62, _, _ =	vpop (xrf0);
	(xrf0) =	vadd.scan.msk.s32 $0xffff, v35  }
0xd1: {  	vm10 =	veq.s32 v39, $0x1;
	v32 =	vsub.s32 v17, v53;
	v1 =	vadd.s32 v58, v17;
	v4, _, _ =	vpop (xrf0)  }
0xd2: {  	v17 =	vmul.f32 $1.442695020e+00, v13;
	v13 =	vshll.u32 v27, $0x10;
	v35 =	vadd.s32 v29, v32;
	v16, _, _ =	vpop (xrf0)  }
0xd3: {  	v29 =	vsel vm12, $0xFFFFFFFF, v36;
	v32 =	vsel vm4, $0x1, v36;
	v33 =	vbroadcast v16, $0xF  }
0xd4: {  	vm11 =	veq.s32 v25, $0x2;
	(xrf0) =	vadd.scan.msk.s32 $0xffff, v32;
	v32 =	vbroadcast v1, $0xF;
	v1 =	vadd.s32 v1, v59  }
0xd5: {  	v54 =	vsub.s32 v59, v54;
	v59 =	vbroadcast v1, $0xF;
	v10 =	vadd.s32 v33, v41  }
0xd6: {  	v33 =	vsel vm8, $0xFFFFFFFF, v36;
	v53 =	vadd.s32 v29, v10;
	v10 =	vshll.u32 v26, $0x10;
	v29, _, _ =	vpop (xrf0)  }
0xd7: {  	[tilespmem:$0x1FF70] =	vst v0;
	v1 =	vadd.s32 v1, v61;
	v0 =	vadd.s32 v33, v10;
	v53 =	vadd.s32 v29, v53  }
0xd8: {  	v0 =	vadd.s32 v16, v0;
	v53 =	vsel vm12, v53, v35;
	v35 =	vmul.f32 $1.442695020e+00, v8  }
0xd9: {  	v2 =	vadd.s32 v32, v54;
	v54 =	vsub.s32 v61, v56;
	v52 =	vsel vm8, v0, v52  }
0xda: {  	vm8 =	veq.s32 v27, $0x1;
	(erf) = vpow2.f32 v35;
	v35 =	vadd.s32 v16, v29;
	v29, _, _ =	vpop (xrf0)  }
0xdb: {  	v32 =	vsel vm4, $0xFFFFFFFF, v36;
	v33 =	vsel vm8, $0x1, v36;
	v16 =	vadd.s32 v35, v29  }
0xdc: {  	v54 =	vadd.s32 v59, v54;
	(xrf0) =	vadd.scan.msk.s32 $0xffff, v33;
	v58 =	vbroadcast v35, $0xF;
	v8 =	vbroadcast v16, $0xF  }
0xdd: {  	vm12 =	veq.s32 v31, $0x1;
	(erf) = vpow2.f32 v17;
	v17 =	vshll.u32 v25, $0x10  }
0xde: {  	v61 =	vsel vm12, $0xFFFFFFFF, v36;
	v35 =	vsel vm12, $0x1, v36;
	v56 =	vadd.s32 v58, v17  }
0xdf: {  	v33 =	vsel vm8, $0xFFFFFFFF, v36;
	(xrf0) =	vadd.scan.msk.s32 $0xffff, v35;
	v35 =	vsub.s32 v60, v57;
	v32 =	vadd.s32 v32, v56  }
0xe0: {  	v58 =	vadd.s32 v8, v13;
	v29 =	vadd.s32 v29, v32;
	v32 =	vsub.f32 v18, v63;
	v8 =	vpop (erf)  }
0xe1: {  	v57 =	vmul.f32 $1.442695020e+00, v22;
	v33 =	vadd.s32 v33, v58;
	v18 =	vshll.u32 v31, $0x10;
	v0 =	vpop (erf)  }
0xe2: {  	v2 =	vsel vm4, v29, v2;
	vm4 =	veq.s32 v26, $0x2;
	v59, _, _ =	vpop (xrf0);
	v32 =	vmul.f32 $1.442695020e+00, v32  }
0xe3: {  	v0 =	vadd.f32 $0.0e+00, v0;
	v56 =	vadd.s32 v59, v33;
	v16 =	vadd.s32 v16, v59  }
0xe4: {  	v33 =	vbroadcast v1, $0xF;
	v1 =	vadd.s32 v1, v60;
	v60 =	vsub.s32 v3, v55  }
0xe5: {  	v54 =	vsel vm8, v56, v54;
	v58 =	vpop (erf);
	v59 =	vbroadcast v16, $0xF;
	(erf) = vpow2.f32 v32  }
0xe6: {  	vm8 =	veq.s32 v34, $0x1;
	v0 =	vadd.f32 v0, v58;
	v33 =	vadd.s32 v33, v35  }
0xe7: {  	(erf) = vpow2.f32 v20;
	v58 =	vsel vm8, $0x1, v36;
	v20 =	vshll.u32 v39, $0x10  }
0xe8: {  	v29 =	vadd.s32 v59, v18;
	(erf) = vpow2.f32 v21;
	v59 =	vbroadcast v1, $0xF  }
0xe9: {  	(xrf0) =	vadd.scan.msk.s32 $0xffff, v58;
	v1 =	vadd.s32 v1, v3;
	v58 =	vsub.s32 v4, v23;
	v21 =	vshll.u32 v34, $0x10  }
0xea: {  	v35, _, _ =	vpop (xrf0);
	v29 =	vadd.s32 v61, v29;
	v61 =	vsel vm10, $0x1, v36;
	v22 =	vadd.s32 v1, v62  }
0xeb: {  	v29 =	vadd.s32 v35, v29;
	v32 =	vadd.s32 v59, v60;
	v55 =	vbroadcast v22, $0xF  }
0xec: {  	(xrf0) =	vadd.scan.msk.s32 $0xffff, v61;
	v59 =	vsel vm8, $0xFFFFFFFF, v36;
	v56 =	vsel vm12, v29, v33;
	v33 =	vpop (erf);
	(erf) = vpow2.f32 v57  }
0xed: {  	v29 =	vsub.f32 v19, v63;
	v63 =	vbroadcast v1, $0xF;
	v1 =	vadd.s32 v16, v35  }
0xee: {  	vm12 =	veq.s32 v37, $0x1;
	v0 =	vadd.f32 v0, v33;
	v33 =	vsub.s32 v62, v28  }
0xef: {  	v57 =	vbroadcast v1, $0xF;
	v62 =	vsel vm12, $0x1, v36;
	v16 =	vadd.s32 v55, v58  }
0xf0: {  	v55 =	vsel vm4, $0x1, v36;
	v58 =	vsel vm9, $0x1, v36;
	v3 =	vadd.s32 v63, v33;
	(xrf0) =	vadd.scan.msk.s32 $0xffff, v62;
	v61, _, _ =	vpop (xrf0)  }
0xf1: {  	v60 =	vmovc v4;
	v62 =	vsel vm12, $0xFFFFFFFF, v36;
	v19 =	vadd.s32 v57, v21;
	v1 =	vadd.s32 v1, v61  }
0xf2: {  	v29 =	vmul.f32 $1.442695020e+00, v29;
	(xrf0) =	vadd.scan.msk.s32 $0xffff, v55;
	v19 =	vadd.s32 v59, v19;
	v63 =	vbroadcast v1, $0xF;
	v4, _, _ =	vpop (xrf0)  }
0xf3: {  	v59 =	vsel vm10, $0xFFFFFFFF, v36;
	v33 =	vadd.s32 v61, v19;
	v23 =	vadd.s32 v1, v4  }
0xf4: {  	(xrf0) =	vadd.scan.msk.s32 $0xffff, v58;
	v19 =	vshll.u32 v37, $0x10;
	v57 =	vbroadcast v23, $0xF;
	v61 =	vadd.s32 v63, v20  }
0xf5: {  	v32 =	vsel vm8, v33, v32;
	vm8 =	veq.s32 v27, $0x2;
	v1 =	vadd.s32 v59, v61  }
0xf6: {  	v28, _, _ =	vpop (xrf0);
	v61 =	vsel vm11, $0x1, v36;
	v35 =	vadd.s32 v57, v19;
	v1 =	vadd.s32 v4, v1  }
0xf7: {  	v63 =	vpop (erf);
	(xrf0) =	vadd.scan.msk.s32 $0xffff, v61;
	(erf) = vpow2.f32 v29;
	v61 =	vsel vm8, $0x1, v36;
	v35 =	vadd.s32 v62, v35  }
0xf8: {  	v29, _, _ =	vpop (xrf0);
	v1 =	vsel vm10, v1, v3;
	v0 =	vadd.f32 v0, v63;
	v63 =	vsel vm4, $0xFFFFFFFF, v36  }
0xf9: {  	v62 =	vpop (erf);
	v4 =	vbroadcast v29, $0xF;
	vm10 =	veq.s32 v34, $0x4;
	v35 =	vadd.s32 v28, v35  }
0xfa: {  	v55, _, _ =	vpop (xrf0);
	v3 =	vsel vm12, v35, v16;
	v0 =	vadd.f32 v0, v62;
	v62 =	vadd.s32 v63, v10  }
0xfb: {  	v33 =	vadd.s32 v29, v55;
	v35 =	vadd.s32 v4, v41;
	v4 =	vsel vm9, $0xFFFFFFFF, v36  }
0xfc: {  	(xrf0) =	vadd.scan.msk.s32 $0xffff, v61;
	vm12 =	veq.s32 v31, $0x2;
	v63 =	vpop (erf);
	v61 =	vbroadcast v33, $0xF;
	v16 =	vadd.s32 v29, v62  }
0xfd: {  	v29 =	vadd.s32 v4, v35;
	v58 =	vsel vm12, $0xFFFFFFFF, v36;
	v0 =	vadd.f32 v0, v63  }
0xfe: {  	v63 =	vsel vm11, $0xFFFFFFFF, v36;
	v62 =	vadd.s32 v61, v17;
	v61 =	vsel vm12, $0x1, v36  }
0xff: {  	v29 =	vadd.s32 v55, v29;
	v16 =	vsel vm4, v16, v52;
	v4, _, _ =	vpop (xrf0);
	v35 =	vadd.s32 v63, v62;
	(xrf0) =	vadd.scan.msk.s32 $0xffff, v61  }
0x100: {  	vm4 =	veq.s32 v34, $0x2;
	v33 =	vadd.s32 v33, v4;
	v35 =	vadd.s32 v4, v35  }
0x101: {  	v29 =	vsel vm9, v29, v53;
	vm9 =	veq.s32 v39, $0x2;
	v63 =	vbroadcast v33, $0xF  }
0x102: {  	v57 =	vsel vm4, $0xFFFFFFFF, v36;
	v62 =	vpop (erf);
	v2 =	vsel vm11, v35, v2;
	vm11 =	veq.s32 v24, $0x3  }
0x103: {  	v0 =	vadd.f32 v0, v62;
	v4 =	vadd.s32 v63, v13;
	v62 =	vsel vm8, $0xFFFFFFFF, v36;
	v35, _, _ =	vpop (xrf0)  }
0x104: {  	v61 =	vpop (erf);
	v52 =	vadd.s32 v62, v4;
	v4 =	vsel vm4, $0x1, v36;
	v33 =	vadd.s32 v33, v35  }
0x105: {  	v62 =	vsel vm9, $0x1, v36;
	v0 =	vadd.f32 v0, v61;
	(xrf0) =	vadd.scan.msk.s32 $0xffff, v4;
	v63 =	vbroadcast v33, $0xF;
	v61, _, _ =	vpop (xrf0)  }
0x106: {  	v35 =	vadd.s32 v35, v52;
	v4 =	vmul.f32 $1.442695020e+00, v50;
	v33 =	vadd.s32 v33, v61  }
0x107: {  	v35 =	vsel vm8, v35, v54;
	(xrf0) =	vadd.scan.msk.s32 $0xffff, v62;
	v59 =	vadd.s32 v63, v18;
	v63 =	vbroadcast v33, $0xF  }
0x108: {  	vm8 =	veq.s32 v26, $0x3;
	(erf) = vrcp.f32 v0;
	v52 =	vadd.s32 v58, v59  }
0x109: {  	(erf) = vpow2.f32 v4;
	v52 =	vadd.s32 v61, v52;
	v53 =	vadd.s32 v63, v21  }
0x10a: {  	v61 =	vsel vm8, $0x1, v36;
	v63 =	vsub.f32 v11, v51;
	v11 =	vsel vm9, $0xFFFFFFFF, v36  }
0x10b: {  	v52 =	vsel vm12, v52, v56;
	vm12 =	veq.s32 v37, $0x2;
	v58, _, _ =	vpop (xrf0);
	v50 =	vadd.s32 v57, v53  }
0x10c: {  	v59 =	vsel vm12, $0x1, v36;
	v62 =	vadd.s32 v33, v58;
	v33 =	vmul.f32 $1.442695020e+00, v43  }
0x10d: {  	v50 =	vadd.s32 v58, v50;
	v63 =	vmul.f32 $1.442695020e+00, v63;
	(xrf0) =	vadd.scan.msk.s32 $0xffff, v59;
	v4 =	vbroadcast v62, $0xF;
	v53, _, _ =	vpop (xrf0)  }
0x10e: {  	v32 =	vsel vm4, v50, v32;
	vm4 =	veq.s32 v25, $0x3;
	(xrf0) =	vadd.scan.msk.s32 $0xffff, v61;
	v57 =	vadd.s32 v62, v53  }
0x10f: {  	v62 =	vsel vm11, $0x1, v36;
	(erf) = vpow2.f32 v33;
	v59 =	vadd.s32 v4, v20  }
0x110: {  	v61 =	vbroadcast v57, $0xF;
	(xrf0) =	vadd.scan.msk.s32 $0xffff, v62;
	v4 =	vsel vm12, $0xFFFFFFFF, v36;
	(erf) = vpow2.f32 v63  }
0x111: {  	v62 =	vsel vm11, $0xFFFFFFFF, v36;
	v0 =	vadd.s32 v11, v59;
	v11 =	vsel vm4, $0x1, v36  }
0x112: {  	v50 =	vadd.s32 v61, v19;
	v0 =	vadd.s32 v53, v0;
	v61 =	vsel vm8, $0xFFFFFFFF, v36  }
0x113: {  	v50 =	vadd.s32 v4, v50;
	v0 =	vsel vm9, v0, v1;
	v33 =	vadd.s32 v61, v10;
	v43, _, _ =	vpop (xrf0)  }
0x114: {  	vm9 =	veq.s32 v39, $0x3;
	v53, _, _ =	vpop (xrf0);
	v58 =	vadd.s32 v43, v50;
	v43 =	vadd.s32 v57, v43  }
0x115: {  	(xrf0) =	vadd.scan.msk.s32 $0xffff, v11;
	v59 =	vbroadcast v53, $0xF;
	v1 =	vsel vm12, v58, v3;
	v3 =	vsub.f32 v44, v51;
	v44 =	vpop (erf)  }
0x116: {  	v55, _, _ =	vpop (xrf0);
	vm12 =	veq.s32 v27, $0x3;
	v33 =	vadd.s32 v53, v33;
	v58 =	vsel vm4, $0xFFFFFFFF, v36  }
0x117: {  	v63 =	vpop (erf);
	v4 =	vsel vm12, $0x1, v36;
	v16 =	vsel vm8, v33, v16;
	v61 =	vadd.s32 v53, v55  }
0x118: {  	vm8 =	veq.s32 v31, $0x3;
	v50 =	vadd.s32 v59, v41;
	v11 =	vadd.f32 $0.0e+00, v63  }
0x119: {  	(xrf0) =	vadd.scan.msk.s32 $0xffff, v4;
	v3 =	vmul.f32 $1.442695020e+00, v3;
	v63 =	vsel vm8, $0x1, v36;
	v50 =	vadd.s32 v62, v50  }
0x11a: {  	v59 =	vsel vm12, $0xFFFFFFFF, v36;
	v62 =	vpop (erf);
	v50 =	vadd.s32 v55, v50;
	v55 =	vbroadcast v61, $0xF  }
0x11b: {  	(erf) = vpow2.f32 v3;
	v50 =	vsel vm11, v50, v29;
	v53, _, _ =	vpop (xrf0);
	v29 =	vadd.f32 v11, v62;
	(xrf0) =	vadd.scan.msk.s32 $0xffff, v63  }
0x11c: {  	vm11 =	veq.s32 v34, $0x3;
	(erf) = vpow2.f32 v49;
	v33 =	vadd.s32 v61, v53  }
0x11d: {  	v63 =	vpop (erf);
	v55 =	vadd.s32 v55, v17;
	v62 =	vsel vm11, $0x1, v36;
	(erf) = vpow2.f32 v48  }
0x11e: {  	v48 =	vsub.f32 v46, v51;
	v11 =	vbroadcast v33, $0xF;
	v54 =	vadd.s32 v58, v55  }
0x11f: {  	v29 =	vadd.f32 v29, v63;
	v58 =	vsel vm9, $0x1, v36;
	(erf) = vpow2.f32 v47;
	v61, _, _ =	vpop (xrf0);
	(xrf0) =	vadd.scan.msk.s32 $0xffff, v62  }
0x120: {  	v53 =	vadd.s32 v53, v54;
	v48 =	vmul.f32 $1.442695020e+00, v48;
	v3 =	vadd.s32 v11, v13  }
0x121: {  	v2 =	vsel vm4, v53, v2;
	v33 =	vadd.s32 v33, v61;
	vm4 =	veq.s32 v24, $0x4;
	v4, _, _ =	vpop (xrf0)  }
0x122: {  	v3 =	vadd.s32 v59, v3;
	v49 =	vadd.s32 v33, v4;
	v33 =	vbroadcast v33, $0xF  }
0x123: {  	v59 =	vsel vm8, $0xFFFFFFFF, v36;
	v3 =	vadd.s32 v61, v3;
	(xrf0) =	vadd.scan.msk.s32 $0xffff, v58;
	v11 =	vbroadcast v49, $0xF  }
0x124: {  	v61 =	vsel vm11, $0xFFFFFFFF, v36;
	v3 =	vsel vm12, v3, v35;
	v33 =	vadd.s32 v33, v18  }
0x125: {  	vm12 =	veq.s32 v37, $0x3;
	v62, _, _ =	vpop (xrf0);
	v53 =	vadd.s32 v11, v21;
	v33 =	vadd.s32 v59, v33  }
0x126: {  	v11 =	vsel vm12, $0x1, v36;
	v56 =	vadd.s32 v49, v62;
	v59 =	vsel vm9, $0xFFFFFFFF, v36  }
0x127: {  	v53 =	vadd.s32 v61, v53;
	v33 =	vadd.s32 v4, v33;
	v4 =	vpop (erf);
	v58 =	vbroadcast v56, $0xF  }
0x128: {  	(xrf0) =	vadd.scan.msk.s32 $0xffff, v11;
	v63 =	vadd.s32 v62, v53;
	v33 =	vsel vm8, v33, v52;
	v29 =	vadd.f32 v29, v4  }
0x129: {  	v49, _, _ =	vpop (xrf0);
	v4 =	vsel vm4, $0x1, v36;
	v32 =	vsel vm11, v63, v32;
	vm11 =	veq.s32 v26, $0x4  }
0x12a: {  	vm8 =	veq.s32 v25, $0x4;
	v46 =	vadd.s32 v56, v49;
	v61 =	vsel vm11, $0x1, v36  }
0x12b: {  	v47 =	vadd.s32 v58, v20;
	v11 =	vpop (erf);
	v58 =	vsel vm12, $0xFFFFFFFF, v36;
	v62 =	vbroadcast v46, $0xF;
	(xrf0) =	vadd.scan.msk.s32 $0xffff, v61  }
0x12c: {  	v63 =	vadd.s32 v59, v47;
	v59 =	vsel vm8, $0x1, v36;
	v29 =	vadd.f32 v29, v11;
	(xrf0) =	vadd.scan.msk.s32 $0xffff, v4  }
0x12d: {  	v35 =	vadd.s32 v49, v63;
	v63 =	vsel vm11, $0xFFFFFFFF, v36;
	v52 =	vadd.s32 v62, v19  }
0x12e: {  	v0 =	vsel vm9, v35, v0;
	v35 =	vadd.s32 v63, v10;
	v47, _, _ =	vpop (xrf0);
	v61 =	vadd.s32 v58, v52;
	(xrf0) =	vadd.scan.msk.s32 $0xffff, v59  }
0x12f: {  	vm9 =	veq.s32 v31, $0x4;
	v59 =	vsel vm4, $0xFFFFFFFF, v36;
	v62 =	vpop (erf);
	v49 =	vadd.s32 v47, v61  }
0x130: {  	v1 =	vsel vm12, v49, v1;
	v29 =	vadd.f32 v29, v62;
	vm12 =	veq.s32 v27, $0x4;
	v11 =	vpop (erf)  }
0x131: {  	v55 =	vsel vm9, $0xFFFFFFFF, v36;
	(erf) = vpow2.f32 v48;
	v58 =	vsel vm12, $0x1, v36;
	v4, _, _ =	vpop (xrf0)  }
0x132: {  	v29 =	vadd.f32 v29, v11;
	v35 =	vadd.s32 v4, v35;
	v56 =	vbroadcast v4, $0xF;
	v61, _, _ =	vpop (xrf0)  }
0x133: {  	(xrf0) =	vadd.scan.msk.s32 $0xffff, v58;
	v58 =	vsel vm12, $0xFFFFFFFF, v36;
	v16 =	vsel vm11, v35, v16;
	v48 =	vadd.s32 v4, v61  }
0x134: {  	v62, _, _ =	vpop (xrf0);
	v4 =	vsel vm9, $0x1, v36;
	vm11 =	veq.s32 v37, $0x4;
	v63 =	vbroadcast v48, $0xF  }
0x135: {  	v51 =	vadd.s32 v56, v41;
	v48 =	vadd.s32 v48, v62;
	v56 =	vsel vm8, $0xFFFFFFFF, v36  }
0x136: {  	v35 =	vadd.s32 v59, v51;
	v11 =	vbroadcast v48, $0xF;
	v53 =	vadd.s32 v63, v17  }
0x137: {  	(xrf0) =	vadd.scan.msk.s32 $0xffff, v4;
	v35 =	vadd.s32 v61, v35;
	v61 =	vsel vm10, $0x1, v36;
	v49 =	vadd.s32 v56, v53  }
0x138: {  	v51 =	vadd.s32 v11, v13;
	v35 =	vsel vm4, v35, v50;
	vm4 =	veq.s32 v39, $0x4  }
0x139: {  	v56 =	vsel vm10, $0xFFFFFFFF, v36;
	v51 =	vadd.s32 v58, v51;
	v59, _, _ =	vpop (xrf0);
	v49 =	vadd.s32 v62, v49  }
0x13a: {  	v62 =	vpop (erf);
	(xrf0) =	vadd.scan.msk.s32 $0xffff, v61;
	v54 =	vsel vm4, $0x1, v36;
	v61 =	vmul.f32 $1.442695020e+00, v40;
	v51 =	vadd.s32 v59, v51  }
0x13b: {  	v2 =	vsel vm8, v49, v2;
	v29 =	vadd.f32 v29, v62;
	v48 =	vadd.s32 v48, v59  }
0x13c: {  	v59 =	vsel vm11, $0x1, v36;
	v62 =	vsel vm4, $0xFFFFFFFF, v36;
	vm8 =	veq.s32 v34, $0x5  }
0x13d: {  	(xrf0) =	vadd.scan.msk.s32 $0xffff, v54;
	v3 =	vsel vm12, v51, v3;
	v63, _, _ =	vpop (xrf0);
	v4 =	vbroadcast v48, $0xF;
	vm12 =	veq.s32 v26, $0x5  }
0x13e: {  	v48 =	vadd.s32 v48, v63;
	(erf) = vrcp.f32 v29;
	v26 =	vsel vm12, $0x1, v36  }
0x13f: {  	v11 =	vbroadcast v48, $0xF;
	(erf) = vpow2.f32 v42;
	v50 =	vadd.s32 v4, v18  }
0x140: {  	v42 =	vadd.s32 v55, v50;
	(erf) = vpow2.f32 v61;
	v55 =	vsel vm11, $0xFFFFFFFF, v36  }
0x141: {  	v50 =	vsub.f32 v12, v45;
	v29 =	vadd.s32 v11, v21;
	v42 =	vadd.s32 v63, v42;
	v58, _, _ =	vpop (xrf0)  }
0x142: {  	(xrf0) =	vadd.scan.msk.s32 $0xffff, v59;
	v11 =	vsub.f32 v38, v45;
	v29 =	vadd.s32 v56, v29;
	v48 =	vadd.s32 v48, v58  }
0x143: {  	(xrf0) =	vadd.scan.msk.s32 $0xffff, v26;
	v33 =	vsel vm9, v42, v33;
	v63, _, _ =	vpop (xrf0);
	vm9 =	veq.s32 v24, $0x5;
	v56 =	vsel vm12, $0xFFFFFFFF, v36  }
0x144: {  	v29 =	vadd.s32 v58, v29;
	v49 =	vbroadcast v48, $0xF;
	v26 =	vadd.s32 v48, v63  }
0x145: {  	v24 =	vsel vm9, $0x1, v36;
	v54 =	vmul.f32 $1.442695020e+00, v11;
	v53 =	vbroadcast v26, $0xF  }
0x146: {  	v42 =	vadd.s32 v56, v10;
	v11 =	vmul.f32 $1.442695020e+00, v50;
	v4 =	vadd.s32 v49, v20  }
0x147: {  	v29 =	vsel vm10, v29, v32;
	(xrf0) =	vadd.scan.msk.s32 $0xffff, v24;
	v52 =	vadd.s32 v62, v4;
	v40 =	vadd.s32 v53, v19  }
0x148: {  	v24, _, _ =	vpop (xrf0);
	v4 =	vsel vm9, $0xFFFFFFFF, v36;
	v38 =	vadd.s32 v63, v52;
	v40 =	vadd.s32 v55, v40  }
0x149: {  	v59, _, _ =	vpop (xrf0);
	v0 =	vsel vm4, v38, v0;
	vm4 =	veq.s32 v25, $0x5;
	v58 =	vadd.s32 v24, v40  }
0x14a: {  	v42 =	vadd.s32 v59, v42;
	v63 =	vbroadcast v59, $0xF;
	v40 =	vsel vm8, $0xFFFFFFFF, v36  }
0x14b: {  	v61 =	vsel vm4, $0x1, v36;
	v1 =	vsel vm11, v58, v1;
	v16 =	vsel vm12, v42, v16  }
0x14c: {  	vm12 =	veq.s32 v27, $0x5;
	vm11 =	veq.s32 v31, $0x5;
	v38 =	vpop (erf);
	(erf) = vpow2.f32 v54  }
0x14d: {  	(xrf0) =	vadd.scan.msk.s32 $0xffff, v61;
	v49 =	vadd.s32 v63, v41;
	v51, _, _ =	vpop (xrf0);
	v53 =	vsel vm12, $0x1, v36;
	v63 =	vsel vm11, $0x1, v36  }
0x14e: {  	v62 =	vpop (erf);
	v32 =	vadd.s32 v4, v49;
	v54 =	vadd.s32 v59, v51;
	(erf) = vpow2.f32 v9  }
0x14f: {  	(xrf0) =	vadd.scan.msk.s32 $0xffff, v53;
	v59 =	vsel vm4, $0xFFFFFFFF, v36;
	v4 =	vsel vm12, $0xFFFFFFFF, v36;
	v49 =	vsel vm8, $0x1, v36  }
0x150: {  	v53 =	vsel vm11, $0xFFFFFFFF, v36;
	v25 =	vadd.f32 $0.0e+00, v62;
	v52 =	vadd.s32 v51, v32  }
0x151: {  	v55 =	vpop (erf);
	v56 =	vbroadcast v54, $0xF;
	(erf) = vpow2.f32 v11;
	v62 =	vsub.f32 v14, v45  }
0x152: {  	v35 =	vsel vm9, v52, v35;
	v52 =	vsub.f32 v30, v45;
	vm9 =	veq.s32 v39, $0x5  }
0x153: {  	v25 =	vadd.f32 v25, v55;
	v9 =	vadd.s32 v56, v17;
	v12 =	vmul.f32 $1.442695020e+00, v62;
	v58, _, _ =	vpop (xrf0);
	(xrf0) =	vadd.scan.msk.s32 $0xffff, v63  }
0x154: {  	v56 =	vsub.f32 v15, v45;
	v9 =	vadd.s32 v59, v9;
	v59 =	vld [tilespmem:$0x1FF10];
	v27 =	vadd.s32 v54, v58  }
0x155: {  	v55 =	vsel vm9, $0x1, v36;
	(erf) = vpow2.f32 v12;
	v48, _, _ =	vpop (xrf0);
	(xrf0) =	vadd.scan.msk.s32 $0xffff, v49;
	v61 =	vbroadcast v27, $0xF  }
0x156: {  	v12 =	vmul.f32 $1.442695020e+00, v52;
	v62 =	vmul.f32 $1.442695020e+00, v56;
	v9 =	vadd.s32 v58, v9;
	v58 =	vld [tilespmem:$0x1FF00]  }
0x157: {  	v27 =	vadd.s32 v27, v48;
	v2 =	vsel vm4, v9, v2;
	v42 =	vadd.s32 v61, v13  }
0x158: {  	v50 =	vpop (erf);
	v51 =	vbroadcast v27, $0xF;
	(erf) = vpow2.f32 v12;
	v11 =	vadd.s32 v4, v42  }
0x159: {  	v9 =	vadd.f32 v25, v50;
	vm10 =	vnez.u8 v59;
	v11 =	vadd.s32 v48, v11;
	v54, _, _ =	vpop (xrf0)  }
0x15a: {  	v42 =	vsel vm9, $0xFFFFFFFF, v36;
	v61 =	vpop (erf);
	v3 =	vsel vm12, v11, v3;
	v11 =	vadd.s32 v51, v18  }
0x15b: {  	(xrf0) =	vadd.scan.msk.s32 $0xffff, v55;
	vm12 =	vnez.u8 v58;
	v9 =	vadd.f32 v9, v61;
	v63 =	vadd.s32 v27, v54;
	v4, _, _ =	vpop (xrf0)  }
0x15c: {  	v34 =	vpop (erf);
	(erf) = vpow2.f32 v62;
	v11 =	vadd.s32 v53, v11;
	vm4 =	vmneg vm12  }
0x15d: {  	v14 =	vadd.s32 v63, v4;
	v11 =	vadd.s32 v54, v11;
	vm4 =	vmand vm4, vm10  }
0x15e: {  	vm10 =	veq.s32 v37, $0x5;
	v37 =	vbroadcast v14, $0xF;
	v9 =	vadd.f32 v9, v34  }
0x15f: {  	v54 =	vld [tilespmem:$0x1FF20];
	v11 =	vsel vm11, v11, v33;
	v33 =	vbroadcast v63, $0xF;
	v39 =	vsel vm10, $0x1, v36  }
0x160: {  	v49 =	vpop (erf);
	v48 =	vsel vm4, $0x1, v36;
	v53 =	vsel vm10, $0xFFFFFFFF, v36;
	v61 =	vsel vm4, $0xFFFFFFFF, v36  }
0x161: {  	v58 =	vld [tilespmem:$0x1FF30];
	v12 =	vadd.s32 v37, v20;
	v51 =	vadd.f32 v9, v49;
	v25 =	vadd.s32 v33, v21;
	v45, _, _ =	vpop (xrf0)  }
0x162: {  	(xrf0) =	vadd.scan.msk.s32 $0xffff, v39;
	v12 =	vadd.s32 v42, v12;
	v30 =	vadd.s32 v40, v25;
	v25 =	vadd.s32 v14, v45  }
0x163: {  	v39 =	vld [tilespmem:$0x1FF70];
	v52 =	vpop (erf);
	v12 =	vadd.s32 v45, v12;
	v27 =	vadd.s32 v4, v30;
	v50 =	vbroadcast v25, $0xF  }
0x164: {  	v32 =	vld [tilespmem:$0x1FF50];
	(xrf0) =	vadd.scan.msk.s32 $0xffff, v48;
	v31 =	vsel vm9, v12, v0;
	vm11 =	vnez.u8 v54;
	v0 =	vadd.f32 v51, v52  }
0x165: {  	v62 =	vld [tilespmem:$0x1FF40];
	v29 =	vsel vm8, v27, v29;
	vm8 =	vmneg vm11;
	v14 =	vadd.s32 v50, v19  }
0x166: {  	v37 =	vld [tilespmem:$0x1FF60];
	vm9 =	vmand vm8, vm15;
	vm8 =	vmneg vm13;
	vm15 =	vnez.u8 v58  }
0x167: {  	v42 =	vld [tilespmem:$0x1FF80];
	v59 =	vpop (erf);
	v55 =	vadd.s32 v53, v14;
	v56 =	vsel vm9, $0x1, v36;
	vm8 =	vmand vm8, vm15  }
0x168: {  	v54 =	vld [tilespmem:$0x1FF90];
	v27, _, _ =	vpop (xrf0);
	v0 =	vadd.f32 v0, v59;
	vm15 =	vnez.u8 v39;
	v45 =	vsel vm9, $0xFFFFFFFF, v36  }
0x169: {  	v9 =	vadd.s32 v27, v55;
	v34 =	vsel vm8, $0x1, v36;
	v52 =	vsel vm8, $0xFFFFFFFF, v36  }
0x16a: {  	v63, _, _ =	vpop (xrf0);
	v57 =	vadd.s32 v25, v27;
	v30 =	vsel vm10, v9, v1;
	v1 =	vsel vm3, v5, v62  }
0x16b: {  	v9 =	vadd.s32 v61, v10;
	(erf) = vrcp.f32 v0;
	v40 =	vbroadcast v63, $0xF  }
0x16c: {  	v39 =	vld [tilespmem:$0x1FFA0];
	vm10 =	vnez.u8 v42;
	v33 =	vsub.f32 v32, v1;
	v0 =	vsub.f32 v37, v1  }
0x16d: {  	v9 =	vadd.s32 v63, v9;
	v55 =	vsub.f32 v54, v1;
	v6 =	vsub.f32 v6, v1  }
0x16e: {  	(xrf0) =	vadd.scan.msk.s32 $0xffff, v56;
	v7 =	vsub.f32 v7, v1;
	v9 =	vsel vm4, v9, v16;
	vm4 =	vmneg vm15  }
0x16f: {  	(xrf0) =	vadd.scan.msk.s32 $0xffff, v34;
	v15 =	vadd.s32 v45, v40;
	v14 =	vmul.f32 $1.442695020e+00, v33;
	v0 =	vmul.f32 $1.442695020e+00, v0  }
0x170: {  	vm4 =	vmand vm4, vm10;
	v50 =	vadd.s32 v41, v15;
	vm10 =	vmneg vm14  }
0x171: {  	v59 =	vmul.f32 $1.442695020e+00, v55;
	v40 =	vsub.f32 v39, v1;
	v6 =	vmul.f32 $1.442695020e+00, v6  }
0x172: {  	v49 =	vsel vm4, $0x1, v36;
	vm5 =	vmand vm10, vm5;
	v61 =	vsel vm4, $0xFFFFFFFF, v36  }
0x173: {  	vm10 =	vmneg vm3;
	(erf) = vpow2.f32 v14;
	v58 =	vsel vm5, $0x1, v36  }
0x174: {  	v48, _, _ =	vpop (xrf0);
	v32 =	vmul.f32 $1.442695020e+00, v40;
	vm0 =	vmand vm10, vm0;
	v40 =	vsel vm12, $0x1, v36  }
0x175: {  	(xrf0) =	vadd.scan.msk.s32 $0xffff, v49;
	vm10 =	vcmask $0x720;
	(erf) = vpow2.f32 v0;
	v12 =	vadd.s32 v63, v48;
	v53, _, _ =	vpop (xrf0)  }
0x176: {  	v0 =	vadd.s32 v48, v50;
	v50 =	vld [tilespmem:$0x1FFB0];
	v51 =	vbroadcast v12, $0xF;
	v12 =	vadd.s32 v12, v53  }
0x177: {  	v48 =	vsel vm5, $0xFFFFFFFF, v36;
	v37 =	vsel vm0, $0x1, v36;
	v56 =	vbroadcast v12, $0xF  }
0x178: {  	(xrf0) =	vadd.scan.msk.s32 $0xffff, v58;
	v14 =	vsel vm9, v0, v35;
	(erf) = vpow2.f32 v59;
	v0 =	vadd.s32 v52, v51  }
0x179: {  	vm9 =	vmneg vm1;
	v0 =	vadd.s32 v17, v0;
	v15 =	vadd.s32 v61, v56  }
0x17a: {  	v35 =	vsel vm1, $0x1, v36;
	v0 =	vadd.s32 v53, v0;
	v15 =	vadd.s32 v13, v15  }
0x17b: {  	v62, _, _ =	vpop (xrf0);
	v51 =	vsub.f32 v50, v1;
	v1 =	vsub.f32 v5, v1;
	v0 =	vsel vm8, v0, v2  }
0x17c: {  	vm8 =	vmneg vm2;
	v63 =	vadd.s32 v12, v62;
	v12 =	vpop (erf);
	(erf) = vpow2.f32 v32  }
0x17d: {  	v2 =	vadd.s32 v62, v15;
	v62 =	vmul.f32 $1.442695020e+00, v7;
	v42 =	vbroadcast v63, $0xF  }
0x17e: {  	v52, _, _ =	vpop (xrf0);
	v2 =	vsel vm4, v2, v3;
	vm4 =	vmand vm8, vm6;
	v54 =	vmul.f32 $1.442695020e+00, v51  }
0x17f: {  	v55 =	vadd.s32 v63, v52;
	v53 =	vsel vm4, $0x1, v36;
	v15 =	vadd.s32 v48, v42  }
0x180: {  	v51 =	vsel vm13, $0x1, v36;
	v45 =	vpop (erf);
	(xrf0) =	vadd.scan.msk.s32 $0xffff, v53;
	(erf) = vpow2.f32 v54;
	v15 =	vadd.s32 v18, v15  }
0x181: {  	v59 =	vbroadcast v55, $0xF;
	v3 =	vadd.f32 $0.0e+00, v45;
	v15 =	vadd.s32 v52, v15  }
0x182: {  	v49 =	vpop (erf);
	(erf) = vpow2.f32 v6;
	v11 =	vsel vm5, v15, v11;
	vm5 =	vmand vm9, vm7  }
0x183: {  	v1 =	vmul.f32 $1.442695020e+00, v1;
	v61 =	vsel vm4, $0xFFFFFFFF, v36;
	v56 =	vsel vm5, $0x1, v36  }
0x184: {  	v53 =	vsel vm0, $0xFFFFFFFF, v36;
	v16 =	vadd.s32 v61, v59;
	v3 =	vadd.f32 v3, v49;
	(xrf0) =	vadd.scan.msk.s32 $0xffff, v56  }
0x185: {  	v54 =	vsel vm12, $0xFFFFFFFF, v36;
	v58 =	vpop (erf);
	v61 =	vsel vm15, $0x1, v36;
	v16 =	vadd.s32 v21, v16  }
0x186: {  	v49 =	vsel vm11, $0x1, v36;
	vm9 =	vcmask $0x320;
	v3 =	vadd.f32 v3, v58;
	v63, _, _ =	vpop (xrf0);
	(xrf0) =	vadd.scan.msk.s32 $0xffff, v37  }
0x187: {  	v45 =	vsel vm5, $0xFFFFFFFF, v36;
	v42 =	vpop (erf);
	(erf) = vpow2.f32 v62;
	v15 =	vadd.s32 v55, v63;
	(xrf0) =	vadd.scan.msk.s32 $0xffff, v40  }
0x188: {  	v7 =	vadd.s32 v63, v16;
	v3 =	vadd.f32 v3, v42;
	v39 =	vbroadcast v15, $0xF  }
0x189: {  	v58 =	vadd.s32 v54, v10;
	v40 =	vsel vm11, $0xFFFFFFFF, v36;
	v7 =	vsel vm4, v7, v29;
	(xrf0) =	vadd.scan.msk.s32 $0xffff, v49;
	v52 =	vpop (erf)  }
0x18a: {  	(erf) = vpow2.f32 v1;
	v6 =	vadd.s32 v45, v39;
	v3 =	vadd.f32 v3, v52;
	v48, _, _ =	vpop (xrf0)  }
0x18b: {  	v59 =	vpop (erf);
	v39 =	vsel vm14, $0x1, v36;
	v50 =	vadd.s32 v20, v6;
	v6 =	vadd.s32 v15, v48  }
0x18c: {  	v5 =	vadd.s32 v48, v50;
	v16, _, _ =	vpop (xrf0);
	v3 =	vadd.f32 v3, v59;
	v48 =	vsel vm13, $0xFFFFFFFF, v36  }
0x18d: {  	(xrf0) =	vadd.scan.msk.s32 $0xffff, v51;
	v15 =	vbroadcast v6, $0xF;
	v5 =	vsel vm5, v5, v31;
	v55, _, _ =	vpop (xrf0);
	v31 =	vsel vm2, $0xFFFFFFFF, v36  }
0x18e: {  	v6 =	vadd.s32 v6, v16;
	v4 =	vadd.s32 v55, v58;
	v10 =	vbroadcast v55, $0xF  }
0x18f: {  	(xrf0) =	vadd.scan.msk.s32 $0xffff, v61;
	v62, _, _ =	vpop (xrf0);
	v6 =	vbroadcast v6, $0xF;
	v15 =	vadd.s32 v53, v15;
	v4 =	vsel vm12, v4, v9  }
0x190: {  	v63 =	vpop (erf);
	v37 =	vadd.s32 v55, v62;
	v53 =	vsel vm15, $0xFFFFFFFF, v36;
	v55 =	vsel vm2, $0x1, v36  }
0x191: {  	vm12 =	vcmask $0xF20;
	v56 =	vadd.s32 v19, v15;
	v3 =	vadd.f32 v3, v63  }
0x192: {  	v45 =	vbroadcast v37, $0xF;
	v15 =	vadd.s32 v40, v10;
	v63 =	vsel vm14, $0xFFFFFFFF, v36  }
0x193: {  	v1 =	vadd.s32 v16, v56;
	v42, _, _ =	vpop (xrf0);
	v49 =	vadd.s32 v41, v15;
	v41 =	vadd.s32 v23, v28  }
0x194: {  	(xrf0) =	vadd.scan.msk.s32 $0xffff, v39;
	v1 =	vsel vm0, v1, v30;
	v30 =	vadd.s32 v37, v42;
	v50 =	vadd.s32 v48, v45  }
0x195: {  	v9 =	vadd.s32 v62, v49;
	v54, _, _ =	vpop (xrf0);
	v45 =	vsel vm3, $0x1, v36;
	v48 =	vsel vm1, $0xFFFFFFFF, v36  }
0x196: {  	v58 =	vpop (erf);
	v51 =	vbroadcast v30, $0xF;
	v52 =	vadd.s32 v17, v50;
	v9 =	vsel vm11, v9, v14  }
0x197: {  	(xrf0) =	vadd.scan.msk.s32 $0xffff, v55;
	v3 =	vadd.f32 v3, v58;
	v59 =	vadd.s32 v30, v54;
	v30 =	vadd.s32 v22, v60  }
0x198: {  	v50 =	vadd.s32 v46, v47;
	vm11 =	vcmask $0xB20;
	v58 =	vsel vm3, $0xFFFFFFFF, v36  }
0x199: {  	[tilespmem:$0x4B0] =	vst v8;
	v33 =	vld [tilespmem:$0x1FFC0];
	v10 =	vadd.s32 v42, v52;
	v62 =	vbroadcast v59, $0xF;
	v32 =	vbroadcast v30, $0xF  }
0x19a: {  	[tilespmem:$0x4C0] =	vst v44;
	v40 =	vld [tilespmem:$0x1FFF0];
	v61, _, _ =	vpop (xrf0);
	v42 =	vbroadcast v41, $0xF;
	v52 =	vadd.s32 v26, v24;
	v15 =	vadd.s32 v53, v51  }
0x19b: {  	[tilespmem:$0x410] =	vst v9;
	v9 =	vbroadcast v57, $0xF;
	v56 =	vadd.s32 v13, v15;
	v13 =	vadd.s32 v59, v61  }
0x19c: {  	[tilespmem:$0x4D0] =	vst v38;
	(erf) = vrcp.f32 v3;
	v3 =	vadd.s32 v63, v62;
	v29 =	vbroadcast v13, $0xF  }
0x19d: {  	v39 =	vld [tilespmem:$0x1FFE0];
	v0 =	vsel vm13, v10, v0;
	v10 =	vadd.s32 v54, v56;
	v3 =	vadd.s32 v18, v3;
	v34, _, _ =	vpop (xrf0);
	(xrf0) =	vadd.scan.msk.s32 $0xffff, v35  }
0x19e: {  	[tilespmem:$0x480] =	vst v33;
	v2 =	vsel vm15, v10, v2;
	v3 =	vadd.s32 v61, v3;
	v10 =	vadd.s32 v31, v29  }
0x19f: {  	v37 =	vld [tilespmem:$0x1FFD0];
	vm8 =	vnez.u8 v40;
	v3 =	vsel vm14, v3, v11;
	(xrf0) =	vadd.scan.msk.s32 $0xffff, v45;
	v10 =	vadd.s32 v21, v10  }
0x1a0: {  	[tilespmem:$0x4E0] =	vst v12;
	v13 =	vadd.s32 v13, v34;
	v11 =	vbroadcast v43, $0xF;
	v10 =	vadd.s32 v34, v10  }
0x1a1: {  	[tilespmem:$0x400] =	vst v4;
	v14 =	vbroadcast v13, $0xF;
	v7 =	vsel vm2, v10, v7;
	v10 =	vnsel vm8, $0x0, v32  }
0x1a2: {  	[tilespmem:$0x4A0] =	vst v39;
	v12 =	vbroadcast v52, $0xF;
	vm13 =	vcmask $0x1320;
	v8 =	vsel vm9, v10, v42  }
0x1a3: {  	[tilespmem:$0x420] =	vst v0;
	v10 =	vadd.s32 v48, v14;
	v8 =	vsel vm10, v8, v11;
	v51, _, _ =	vpop (xrf0);
	v11 =	vbroadcast v50, $0xF  }
0x1a4: {  	[tilespmem:$0x490] =	vst v37;
	vm14 =	vcmask $0x1720;
	v10 =	vadd.s32 v20, v10;
	v54 =	vadd.s32 v13, v51  }
0x1a5: {  	[tilespmem:$0x430] =	vst v2;
	v53 =	vadd.s32 v51, v10;
	v59, _, _ =	vpop (xrf0);
	v55 =	vsel vm11, v8, v11;
	v56 =	vbroadcast v54, $0xF  }
0x1a6: {  	[tilespmem:$0x440] =	vst v3;
	v4 =	vsel vm1, v53, v5;
	v60 =	vadd.s32 v54, v59;
	v5 =	vsel vm12, v55, v12  }
0x1a7: {  	[tilespmem:$0x450] =	vst v7;
	v49 =	vpop (erf);
	v61 =	vbroadcast v60, $0xF;
	v0 =	vadd.s32 v58, v56;
	v5 =	vsel vm13, v5, v9  }
0x1a8: {  	vm15 =	vcmask $0x1B20;
	[tilespmem:$0x4F0] =	vst v49;
	v0 =	vadd.s32 v19, v0;
	v62 =	vsel vm14, v5, v6  }
0x1a9: {  	[tilespmem:$0x460] =	vst v4;
	v0 =	vadd.s32 v59, v0;
	v63 =	vsel vm15, v62, v61  }
0x1aa: {  	v0 =	vsel vm3, v0, v1;
	[tilespmem:$0x500] =	vst v63  }
0x1ab: {  	[tilespmem:$0x470] =	vst v0  }
0x1ac: {  	[hbm4b:s11+s2] =	stream.linear.scatter [tilespmem:s23], [sflag:$0x1], $0x80, $0x38;
	[tilespmem:$0x580] =	vst v63  }
0x1ad: {  	_ =	swait.ge [sflag:s15], $0x80  }
0x1ae: {  	[sflag:s15] =	ssyncset.done $0x0  }
0x1af: {  	[sflag:s15] =	ssyncadd.s32 $0xFFFFFF80  }
0x1b0: {  	[hbm4b:s12+s2] =	stream.linear.scatter [tilespmem:s24], [sflag:$0x1], $0x80, $0x38;
	[tilespmem:$0x580] =	vst v63  }
0x1b1: {  	_ =	swait.ge [sflag:s15], $0x80  }
0x1b2: {  	p0 =	sne.s32 s14, $0x1;
	[sflag:s15] =	ssyncset.done $0x0  }
.Ltmp0:
0x1b3: {  	[sflag:s15] =	ssyncadd.s32 $0xFFFFFF80;
	(pc) =	sbr.rel @p0 .LBB2_1-.Ltmp0, $4  }
0x1b4: {  	[hbm4b:s13+s2] =	stream.linear.scatter [tilespmem:s25], [sflag:$0x1], $0x80, $0x38;
	[tilespmem:$0x580] =	vst v63  }
0x1b5: {  	_ =	swait.ge [sflag:s15], $0x80  }
0x1b6: {  	[sflag:s15] =	ssyncset.done $0x0  }
0x1b7: {  	s14 =	sadd.s32 $0xFFFFFFFF, s14;
	[sflag:s15] =	ssyncadd.s32 $0xFFFFFF80  }
0x1b8: {  	_ =	sfence.sel $0x180000  }
0x1b9: {  	[bflag:$0x0] =	sbarrier.arrive $0xFFFF  }
0x1ba: {  	p0 =	sne.s32 s1, $0x0;
	_ =	strace $0x90000047  }
0x1bb: {  	s0 =	sadd.s32 @!p0 $0x100000, s0;
	[bflag:$0x2] =	sbarrier.arrive $0xFFFF  }
0x1bc: {  	[sflag:s0] =	ssyncadd.tile.s32 @!p0 $0x1;
	_ =	shalt  }
.Lfunc_end2:
_tile_overlayer_lowered:
.L_overlay_start_2:
0x1bd: {  	(tag) =	ssettag $0x2  }
0x1be: {  	s0 =	rddreg [dreg:$0x0];
	s2 =	stileid.u32  }
0x1bf: {  	s1 =	rddreg [dreg:$0x1];
	p0 =	sne.s32 s2, $0x0  }
0x1c0: {  	s3 =	rddreg [dreg:$0x2];
	[bflag:$0x3] =	sbarrier.arrive $0xFFFF;
	s2 =	simm.s32 @!p0 $0x1C01  }
0x1c1: {  	[timem:s3], [sflag:s2] =	dma.local @!p0 [hbm:s0], s1  }
0x1c2: {  	s0 =	simm.s32 @!p0 $0x1  }
0x1c3: {  	_ =	swait.ge @!p0 [sflag:s0], s1  }
0x1c4: {  	s1 =	ssub.s32 @!p0 $0x0, s1;
	[sflag:s0] =	ssyncset.done @!p0 $0x0  }
0x1c5: {  	[sflag:s0] =	ssyncadd.s32 @!p0 s1  }
0x1c6: {  	[bflag:$0x3] =	sbarrier.arrive $0xFFFF  }
0x1c7: {  	_ =	shalt  }

</sc_bundles>
